<compile_context>
chip_gen: v7x
topology: tpu7x:2x2x1
jax: 0.10.2.dev20260603
libtpu: 0.0.44.dev20260713+nightly
codegen_flags: <defaults>
</compile_context>

<pallas_src>
import functools

import jax
import jax.numpy as jnp
from jax import lax
from jax.experimental import pallas as pl
from jax.experimental.pallas import tpu as pltpu
from jax.experimental.pallas import tpu_sc as plsc

DIM = 16
BATCH = 4096
NROWS = 1000000
PADCOLS = 1 << 20
NBLK = 16
CHUNK = PADCOLS // NBLK
NC = 2
NS = 16
NW = NC * NS
UPW = BATCH // NW
IPS = BATCH // NS


def _depad_body(in_ref, out_ref):
    out_ref[...] = in_ref[...].reshape(DIM, CHUNK // 128, 128)


def _depad(table_t):
    return pl.pallas_call(
        _depad_body,
        grid=((NROWS + CHUNK - 1) // CHUNK,),
        in_specs=[pl.BlockSpec((DIM, CHUNK), lambda i: (0, i))],
        out_specs=pl.BlockSpec((DIM, CHUNK // 128, 128), lambda i: (0, i, 0)),
        out_shape=jax.ShapeDtypeStruct((DIM, PADCOLS // 128, 128),
                                       jnp.float32),
    )(table_t)


@functools.partial(
    pl.kernel,
    mesh=plsc.VectorSubcoreMesh(core_axis_name="c", subcore_axis_name="s"),
    out_type=jax.ShapeDtypeStruct((BATCH,), jnp.float32),
    compiler_params=pltpu.CompilerParams(
        needs_layout_passes=False, use_tc_tiling_on_sc=False),
    scratch_types=[
        pltpu.VMEM((DIM * UPW,), jnp.int32),
        pltpu.VMEM((DIM * IPS,), jnp.int32),
        pltpu.VMEM((DIM * UPW,), jnp.float32),
        pltpu.VMEM((DIM * IPS,), jnp.float32),
        pltpu.VMEM((128,), jnp.float32),
        pltpu.VMEM((NS, 128), jnp.float32),
        pltpu.VMEM((UPW,), jnp.float32),
        pltpu.VMEM((16, 16), jnp.float32),
        pltpu.VMEM_SHARED((NS, 128), jnp.float32),
        pltpu.SemaphoreType.DMA,
        pltpu.SemaphoreType.DMA,
    ],
)
def _mf_kernel(uflat_hbm, iflat_hbm, u_hbm, v_hbm, out_hbm,
               uidx, iidx, uel, iel, part, allparts, outv, tile, shared,
               sem_u, sem_i):
    c = lax.axis_index("c")
    s = lax.axis_index("s")
    wid = s * NC + c
    ubase = wid * UPW

    pltpu.sync_copy(uflat_hbm.at[pl.ds(wid * DIM * UPW, DIM * UPW)], uidx)
    pltpu.sync_copy(iflat_hbm.at[pl.ds(s * DIM * IPS, DIM * IPS)], iidx)

    ucps = [
        pltpu.async_copy(u_hbm.at[uidx.at[pl.ds(d * UPW, UPW)]],
                         uel.at[pl.ds(d * UPW, UPW)], sem_u)
        for d in range(DIM)
    ]
    icps = [
        pltpu.async_copy(v_hbm.at[iidx.at[pl.ds(d * IPS + j * 128, 128)]],
                         iel.at[pl.ds(d * IPS + j * 128, 128)], sem_i)
        for d in range(DIM) for j in range(IPS // 128)
    ]
    for cp in icps:
        cp.wait()

    lane = lax.iota(jnp.int32, 16)
    accs = []
    for d in range(DIM):
        a = iel[pl.ds(d * IPS, 16)]
        for k in range(1, IPS // 16):
            a = a + iel[pl.ds(d * IPS + k * 16, 16)]
        accs.append(a)

    for d in range(DIM):
        plsc.store_scatter(tile, [lane, jnp.full((16,), d, jnp.int32)],
                           accs[d])
    acc = tile[0, :]
    for r in range(1, 16):
        acc = acc + tile[r, :]
    part[pl.ds(0, DIM)] = acc

    pltpu.sync_copy(part, shared.at[s])
    plsc.subcore_barrier()
    pltpu.sync_copy(shared, allparts)
    svec = jnp.zeros((DIM,), jnp.float32)
    for t in range(NS):
        svec = svec + allparts[t, pl.ds(0, DIM)]

    sd = [jnp.take_along_axis(svec, jnp.full((16,), d, jnp.int32), axis=0)
          for d in range(DIM)]

    for cp in ucps:
        cp.wait()

    def dot_body(g, carry):
        ovec = sd[0] * uel[pl.ds(g * 16, 16)]
        for d in range(1, DIM):
            ovec = ovec + sd[d] * uel[pl.ds(d * UPW + g * 16, 16)]
        outv[pl.ds(g * 16, 16)] = ovec
        return carry
    lax.fori_loop(0, UPW // 16, dot_body, jnp.int32(0))

    pltpu.sync_copy(outv, out_hbm.at[pl.ds(ubase, UPW)])


def kernel(users, items, U, V):
    users = users.astype(jnp.int32)
    items = items.astype(jnp.int32)
    uf = _depad(U.T).reshape(-1)
    vf = _depad(V.T).reshape(-1)
    dofs = jnp.arange(DIM, dtype=jnp.int32)[:, None] * PADCOLS
    uflat = (users[None, :] + dofs)
    uflat = uflat.reshape(DIM, NW, UPW).transpose(1, 0, 2).reshape(-1)
    iflat = (items[None, :] + dofs)
    iflat = iflat.reshape(DIM, NS, IPS).transpose(1, 0, 2).reshape(-1)
    return _mf_kernel(uflat, iflat, uf, vf)

# --- scband reference (transcript-rebuilt; emitter-appended) ---
"""Pipeline reference for scband-naive-mf-74028056314047 (READ-ONLY COPY).

The authoritative reference and input builder live on the scoring server;
editing this copy changes nothing except your own understanding.
"""

import jax, jax.numpy as jnp
import numpy as np

NUM_USERS = 1000000
NUM_ITEMS = 1000000
DIM = 16
BATCH = 4096

def setup_inputs(seed: int = 0) -> dict:
    key = jax.random.key(seed)
    k1, k2, k3, k4 = jax.random.split(key, 4)
    users = jax.random.randint(k1, (BATCH,), 0, NUM_USERS, dtype=jnp.int64 if jax.config.read('jax_enable_x64') else jnp.int32)
    items = jax.random.randint(k2, (BATCH,), 0, NUM_ITEMS, dtype=jnp.int64 if jax.config.read('jax_enable_x64') else jnp.int32)
    # Learned parameters (user/item embedding tables). In the original these are
    # initialized via randomized SVD of the rating matrix; here random normal.
    U = jax.random.normal(k3, (NUM_USERS, DIM), dtype=jnp.float32) * 0.1
    V = jax.random.normal(k4, (NUM_ITEMS, DIM), dtype=jnp.float32) * 0.1
    return {"users": users, "items": items, "U": U, "V": V}

def reference(users, items, U, V):
    # PointwiseMF.call: embedding lookups, then matmul(u_embed, i_embed^T) and
    # reduce_sum over axis 1 -> r_hats of shape [B].
    u_embed = jnp.take(U, users, axis=0)          # [B, dim] gather
    i_embed = jnp.take(V, items, axis=0)          # [B, dim] gather
    r_hats = jnp.sum(jnp.matmul(u_embed, i_embed.T), axis=1)  # [B]
    return r_hats

if __name__ == "__main__":
    import jax
    _d = setup_inputs()
    print(jax.jit(kernel)(*tuple(_d.values())))

</pallas_src>

<mosaic_0001>
#map = affine_map<(d0, d1) -> (0)>
module attributes {stable_mosaic.version = 14 : i64} {
  func.func @_mf_kernel(%arg0: i32, %arg1: i32, %arg2: memref<65536xi32, #tpu.memory_space<hbm>>, %arg3: memref<65536xi32, #tpu.memory_space<hbm>>, %arg4: memref<16777216xf32, #tpu.memory_space<hbm>>, %arg5: memref<16777216xf32, #tpu.memory_space<hbm>>, %arg6: memref<4096xf32, #tpu.memory_space<hbm>>, %arg7: memref<2048xi32, #tpu.memory_space<vmem>>, %arg8: memref<4096xi32, #tpu.memory_space<vmem>>, %arg9: memref<2048xf32, #tpu.memory_space<vmem>>, %arg10: memref<4096xf32, #tpu.memory_space<vmem>>, %arg11: memref<128xf32, #tpu.memory_space<vmem>>, %arg12: memref<16x128xf32, #tpu.memory_space<vmem>>, %arg13: memref<128xf32, #tpu.memory_space<vmem>>, %arg14: memref<16x16xf32, #tpu.memory_space<vmem>>, %arg15: memref<16x128xf32, #tpu.memory_space<vmem_shared>>, %arg16: memref<!tpu.dma_semaphore, #tpu.memory_space<semaphore_mem>>, %arg17: memref<!tpu.dma_semaphore, #tpu.memory_space<semaphore_mem>>) attributes {dimension_semantics = [#tpu.dimension_semantics<core_parallel>, #tpu.dimension_semantics<subcore_parallel>], iteration_bounds = array<i64: 2, 16>, scalar_prefetch = 0 : i64, scratch_operands = 11 : i64, tpu.core_type = #tpu.core_type<sc_vector_subcore>, window_params = [{transform_indices = #map}, {transform_indices = #map}, {transform_indices = #map}, {transform_indices = #map}, {transform_indices = #map}]} {
    %mul3A = arith.constant 2 : i32
    %mul3A_0 = arith.muli %arg1, %mul3A : i32
    %add3A = arith.addi %mul3A_0, %arg0 : i32
    %mul3A_1 = arith.constant 128 : i32
    %mul3A_2 = arith.muli %add3A, %mul3A_1 : i32
    %mul3A_3 = arith.constant 16 : i32
    %mul3A_4 = arith.muli %add3A, %mul3A_3 : i32
    %mul3A_5 = arith.constant 128 : i32
    %mul3A_6 = arith.muli %mul3A_4, %mul3A_5 : i32
    "tpu.region"() ({
      %run_scoped3A = tpu.sem_alloc : memref<!tpu.dma_semaphore, #tpu.memory_space<semaphore_mem>>
      %dma_start3A_1722 = tpu.memref_slice %arg2[%mul3A_6] : memref<65536xi32, #tpu.memory_space<hbm>> -> memref<2048xi32, #tpu.memory_space<hbm>>
      %dma_start3A_1723 = tpu.memref_slice %arg2[%mul3A_6] : memref<65536xi32, #tpu.memory_space<hbm>> -> memref<2048xi32, #tpu.memory_space<hbm>>
      tpu.enqueue_dma source(%dma_start3A_1723 : memref<2048xi32, #tpu.memory_space<hbm>>) target(%arg7 : memref<2048xi32, #tpu.memory_space<vmem>>) target_semaphore(%run_scoped3A : memref<!tpu.dma_semaphore, #tpu.memory_space<semaphore_mem>>)
      %dma_wait3A_1724 = tpu.memref_slice %arg2[%mul3A_6] : memref<65536xi32, #tpu.memory_space<hbm>> -> memref<2048xi32, #tpu.memory_space<hbm>>
      %dma_wait3A_1725 = tpu.memref_slice %arg2[%mul3A_6] : memref<65536xi32, #tpu.memory_space<hbm>> -> memref<2048xi32, #tpu.memory_space<hbm>>
      tpu.wait_dma2 semaphore(%run_scoped3A : memref<!tpu.dma_semaphore, #tpu.memory_space<semaphore_mem>>) src(%dma_wait3A_1725 : memref<2048xi32, #tpu.memory_space<hbm>>) dst(%arg7 : memref<2048xi32, #tpu.memory_space<vmem>>)
      tpu.yield
    }) : () -> ()
    %mul3A_7 = arith.constant 16 : i32
    %mul3A_8 = arith.muli %arg1, %mul3A_7 : i32
    %mul3A_9 = arith.constant 256 : i32
    %mul3A_10 = arith.muli %mul3A_8, %mul3A_9 : i32
    "tpu.region"() ({
      %run_scoped3A = tpu.sem_alloc : memref<!tpu.dma_semaphore, #tpu.memory_space<semaphore_mem>>
      %dma_start3A_1722 = tpu.memref_slice %arg3[%mul3A_10] : memref<65536xi32, #tpu.memory_space<hbm>> -> memref<4096xi32, #tpu.memory_space<hbm>>
      %dma_start3A_1723 = tpu.memref_slice %arg3[%mul3A_10] : memref<65536xi32, #tpu.memory_space<hbm>> -> memref<4096xi32, #tpu.memory_space<hbm>>
      tpu.enqueue_dma source(%dma_start3A_1723 : memref<4096xi32, #tpu.memory_space<hbm>>) target(%arg8 : memref<4096xi32, #tpu.memory_space<vmem>>) target_semaphore(%run_scoped3A : memref<!tpu.dma_semaphore, #tpu.memory_space<semaphore_mem>>)
      %dma_wait3A_1724 = tpu.memref_slice %arg3[%mul3A_10] : memref<65536xi32, #tpu.memory_space<hbm>> -> memref<4096xi32, #tpu.memory_space<hbm>>
      %dma_wait3A_1725 = tpu.memref_slice %arg3[%mul3A_10] : memref<65536xi32, #tpu.memory_space<hbm>> -> memref<4096xi32, #tpu.memory_space<hbm>>
      tpu.wait_dma2 semaphore(%run_scoped3A : memref<!tpu.dma_semaphore, #tpu.memory_space<semaphore_mem>>) src(%dma_wait3A_1725 : memref<4096xi32, #tpu.memory_space<hbm>>) dst(%arg8 : memref<4096xi32, #tpu.memory_space<vmem>>)
      tpu.yield
    }) : () -> ()
    %dma_start3A = arith.constant 0 : i32
    %dma_start3A_11 = tpu.memref_slice %arg9[%dma_start3A] : memref<2048xf32, #tpu.memory_space<vmem>> -> memref<128xf32, #tpu.memory_space<vmem>>
    %dma_start3A_12 = arith.constant 0 : i32
    %dma_start3A_13 = tpu.memref_slice %arg7[%dma_start3A_12] : memref<2048xi32, #tpu.memory_space<vmem>> -> memref<128xi32, #tpu.memory_space<vmem>>
    %dma_start3A_14 = arith.constant 0 : i32
    %dma_start3A_15 = tpu.memref_slice %arg4[%dma_start3A_14] : memref<16777216xf32, #tpu.memory_space<hbm>> -> memref<16777216xf32, #tpu.memory_space<hbm>>
    tpu.enqueue_indirect_dma source(%dma_start3A_15 : memref<16777216xf32, #tpu.memory_space<hbm>>) target(%dma_start3A_11 : memref<128xf32, #tpu.memory_space<vmem>>) offsets(%dma_start3A_13 : memref<128xi32, #tpu.memory_space<vmem>>) semaphore(%arg16 : memref<!tpu.dma_semaphore, #tpu.memory_space<semaphore_mem>>)
    %dma_start3A_16 = arith.constant 128 : i32
    %dma_start3A_17 = tpu.memref_slice %arg9[%dma_start3A_16] : memref<2048xf32, #tpu.memory_space<vmem>> -> memref<128xf32, #tpu.memory_space<vmem>>
    %dma_start3A_18 = arith.constant 128 : i32
    %dma_start3A_19 = tpu.memref_slice %arg7[%dma_start3A_18] : memref<2048xi32, #tpu.memory_space<vmem>> -> memref<128xi32, #tpu.memory_space<vmem>>
    %dma_start3A_20 = arith.constant 0 : i32
    %dma_start3A_21 = tpu.memref_slice %arg4[%dma_start3A_20] : memref<16777216xf32, #tpu.memory_space<hbm>> -> memref<16777216xf32, #tpu.memory_space<hbm>>
    tpu.enqueue_indirect_dma source(%dma_start3A_21 : memref<16777216xf32, #tpu.memory_space<hbm>>) target(%dma_start3A_17 : memref<128xf32, #tpu.memory_space<vmem>>) offsets(%dma_start3A_19 : memref<128xi32, #tpu.memory_space<vmem>>) semaphore(%arg16 : memref<!tpu.dma_semaphore, #tpu.memory_space<semaphore_mem>>)
    %dma_start3A_22 = arith.constant 256 : i32
    %dma_start3A_23 = tpu.memref_slice %arg9[%dma_start3A_22] : memref<2048xf32, #tpu.memory_space<vmem>> -> memref<128xf32, #tpu.memory_space<vmem>>
    %dma_start3A_24 = arith.constant 256 : i32
    %dma_start3A_25 = tpu.memref_slice %arg7[%dma_start3A_24] : memref<2048xi32, #tpu.memory_space<vmem>> -> memref<128xi32, #tpu.memory_space<vmem>>
    %dma_start3A_26 = arith.constant 0 : i32
    %dma_start3A_27 = tpu.memref_slice %arg4[%dma_start3A_26] : memref<16777216xf32, #tpu.memory_space<hbm>> -> memref<16777216xf32, #tpu.memory_space<hbm>>
    tpu.enqueue_indirect_dma source(%dma_start3A_27 : memref<16777216xf32, #tpu.memory_space<hbm>>) target(%dma_start3A_23 : memref<128xf32, #tpu.memory_space<vmem>>) offsets(%dma_start3A_25 : memref<128xi32, #tpu.memory_space<vmem>>) semaphore(%arg16 : memref<!tpu.dma_semaphore, #tpu.memory_space<semaphore_mem>>)
    %dma_start3A_28 = arith.constant 384 : i32
    %dma_start3A_29 = tpu.memref_slice %arg9[%dma_start3A_28] : memref<2048xf32, #tpu.memory_space<vmem>> -> memref<128xf32, #tpu.memory_space<vmem>>
    %dma_start3A_30 = arith.constant 384 : i32
    %dma_start3A_31 = tpu.memref_slice %arg7[%dma_start3A_30] : memref<2048xi32, #tpu.memory_space<vmem>> -> memref<128xi32, #tpu.memory_space<vmem>>
    %dma_start3A_32 = arith.constant 0 : i32
    %dma_start3A_33 = tpu.memref_slice %arg4[%dma_start3A_32] : memref<16777216xf32, #tpu.memory_space<hbm>> -> memref<16777216xf32, #tpu.memory_space<hbm>>
    tpu.enqueue_indirect_dma source(%dma_start3A_33 : memref<16777216xf32, #tpu.memory_space<hbm>>) target(%dma_start3A_29 : memref<128xf32, #tpu.memory_space<vmem>>) offsets(%dma_start3A_31 : memref<128xi32, #tpu.memory_space<vmem>>) semaphore(%arg16 : memref<!tpu.dma_semaphore, #tpu.memory_space<semaphore_mem>>)
    %dma_start3A_34 = arith.constant 512 : i32
    %dma_start3A_35 = tpu.memref_slice %arg9[%dma_start3A_34] : memref<2048xf32, #tpu.memory_space<vmem>> -> memref<128xf32, #tpu.memory_space<vmem>>
    %dma_start3A_36 = arith.constant 512 : i32
    %dma_start3A_37 = tpu.memref_slice %arg7[%dma_start3A_36] : memref<2048xi32, #tpu.memory_space<vmem>> -> memref<128xi32, #tpu.memory_space<vmem>>
    %dma_start3A_38 = arith.constant 0 : i32
    %dma_start3A_39 = tpu.memref_slice %arg4[%dma_start3A_38] : memref<16777216xf32, #tpu.memory_space<hbm>> -> memref<16777216xf32, #tpu.memory_space<hbm>>
    tpu.enqueue_indirect_dma source(%dma_start3A_39 : memref<16777216xf32, #tpu.memory_space<hbm>>) target(%dma_start3A_35 : memref<128xf32, #tpu.memory_space<vmem>>) offsets(%dma_start3A_37 : memref<128xi32, #tpu.memory_space<vmem>>) semaphore(%arg16 : memref<!tpu.dma_semaphore, #tpu.memory_space<semaphore_mem>>)
    %dma_start3A_40 = arith.constant 640 : i32
    %dma_start3A_41 = tpu.memref_slice %arg9[%dma_start3A_40] : memref<2048xf32, #tpu.memory_space<vmem>> -> memref<128xf32, #tpu.memory_space<vmem>>
    %dma_start3A_42 = arith.constant 640 : i32
    %dma_start3A_43 = tpu.memref_slice %arg7[%dma_start3A_42] : memref<2048xi32, #tpu.memory_space<vmem>> -> memref<128xi32, #tpu.memory_space<vmem>>
    %dma_start3A_44 = arith.constant 0 : i32
    %dma_start3A_45 = tpu.memref_slice %arg4[%dma_start3A_44] : memref<16777216xf32, #tpu.memory_space<hbm>> -> memref<16777216xf32, #tpu.memory_space<hbm>>
    tpu.enqueue_indirect_dma source(%dma_start3A_45 : memref<16777216xf32, #tpu.memory_space<hbm>>) target(%dma_start3A_41 : memref<128xf32, #tpu.memory_space<vmem>>) offsets(%dma_start3A_43 : memref<128xi32, #tpu.memory_space<vmem>>) semaphore(%arg16 : memref<!tpu.dma_semaphore, #tpu.memory_space<semaphore_mem>>)
    %dma_start3A_46 = arith.constant 768 : i32
    %dma_start3A_47 = tpu.memref_slice %arg9[%dma_start3A_46] : memref<2048xf32, #tpu.memory_space<vmem>> -> memref<128xf32, #tpu.memory_space<vmem>>
    %dma_start3A_48 = arith.constant 768 : i32
    %dma_start3A_49 = tpu.memref_slice %arg7[%dma_start3A_48] : memref<2048xi32, #tpu.memory_space<vmem>> -> memref<128xi32, #tpu.memory_space<vmem>>
    %dma_start3A_50 = arith.constant 0 : i32
    %dma_start3A_51 = tpu.memref_slice %arg4[%dma_start3A_50] : memref<16777216xf32, #tpu.memory_space<hbm>> -> memref<16777216xf32, #tpu.memory_space<hbm>>
    tpu.enqueue_indirect_dma source(%dma_start3A_51 : memref<16777216xf32, #tpu.memory_space<hbm>>) target(%dma_start3A_47 : memref<128xf32, #tpu.memory_space<vmem>>) offsets(%dma_start3A_49 : memref<128xi32, #tpu.memory_space<vmem>>) semaphore(%arg16 : memref<!tpu.dma_semaphore, #tpu.memory_space<semaphore_mem>>)
    %dma_start3A_52 = arith.constant 896 : i32
    %dma_start3A_53 = tpu.memref_slice %arg9[%dma_start3A_52] : memref<2048xf32, #tpu.memory_space<vmem>> -> memref<128xf32, #tpu.memory_space<vmem>>
    %dma_start3A_54 = arith.constant 896 : i32
    %dma_start3A_55 = tpu.memref_slice %arg7[%dma_start3A_54] : memref<2048xi32, #tpu.memory_space<vmem>> -> memref<128xi32, #tpu.memory_space<vmem>>
    %dma_start3A_56 = arith.constant 0 : i32
    %dma_start3A_57 = tpu.memref_slice %arg4[%dma_start3A_56] : memref<16777216xf32, #tpu.memory_space<hbm>> -> memref<16777216xf32, #tpu.memory_space<hbm>>
    tpu.enqueue_indirect_dma source(%dma_start3A_57 : memref<16777216xf32, #tpu.memory_space<hbm>>) target(%dma_start3A_53 : memref<128xf32, #tpu.memory_space<vmem>>) offsets(%dma_start3A_55 : memref<128xi32, #tpu.memory_space<vmem>>) semaphore(%arg16 : memref<!tpu.dma_semaphore, #tpu.memory_space<semaphore_mem>>)
    %dma_start3A_58 = arith.constant 1024 : i32
    %dma_start3A_59 = tpu.memref_slice %arg9[%dma_start3A_58] : memref<2048xf32, #tpu.memory_space<vmem>> -> memref<128xf32, #tpu.memory_space<vmem>>
    %dma_start3A_60 = arith.constant 1024 : i32
    %dma_start3A_61 = tpu.memref_slice %arg7[%dma_start3A_60] : memref<2048xi32, #tpu.memory_space<vmem>> -> memref<128xi32, #tpu.memory_space<vmem>>
    %dma_start3A_62 = arith.constant 0 : i32
    %dma_start3A_63 = tpu.memref_slice %arg4[%dma_start3A_62] : memref<16777216xf32, #tpu.memory_space<hbm>> -> memref<16777216xf32, #tpu.memory_space<hbm>>
    tpu.enqueue_indirect_dma source(%dma_start3A_63 : memref<16777216xf32, #tpu.memory_space<hbm>>) target(%dma_start3A_59 : memref<128xf32, #tpu.memory_space<vmem>>) offsets(%dma_start3A_61 : memref<128xi32, #tpu.memory_space<vmem>>) semaphore(%arg16 : memref<!tpu.dma_semaphore, #tpu.memory_space<semaphore_mem>>)
    %dma_start3A_64 = arith.constant 1152 : i32
    %dma_start3A_65 = tpu.memref_slice %arg9[%dma_start3A_64] : memref<2048xf32, #tpu.memory_space<vmem>> -> memref<128xf32, #tpu.memory_space<vmem>>
    %dma_start3A_66 = arith.constant 1152 : i32
    %dma_start3A_67 = tpu.memref_slice %arg7[%dma_start3A_66] : memref<2048xi32, #tpu.memory_space<vmem>> -> memref<128xi32, #tpu.memory_space<vmem>>
    %dma_start3A_68 = arith.constant 0 : i32
    %dma_start3A_69 = tpu.memref_slice %arg4[%dma_start3A_68] : memref<16777216xf32, #tpu.memory_space<hbm>> -> memref<16777216xf32, #tpu.memory_space<hbm>>
    tpu.enqueue_indirect_dma source(%dma_start3A_69 : memref<16777216xf32, #tpu.memory_space<hbm>>) target(%dma_start3A_65 : memref<128xf32, #tpu.memory_space<vmem>>) offsets(%dma_start3A_67 : memref<128xi32, #tpu.memory_space<vmem>>) semaphore(%arg16 : memref<!tpu.dma_semaphore, #tpu.memory_space<semaphore_mem>>)
    %dma_start3A_70 = arith.constant 1280 : i32
    %dma_start3A_71 = tpu.memref_slice %arg9[%dma_start3A_70] : memref<2048xf32, #tpu.memory_space<vmem>> -> memref<128xf32, #tpu.memory_space<vmem>>
    %dma_start3A_72 = arith.constant 1280 : i32
    %dma_start3A_73 = tpu.memref_slice %arg7[%dma_start3A_72] : memref<2048xi32, #tpu.memory_space<vmem>> -> memref<128xi32, #tpu.memory_space<vmem>>
    %dma_start3A_74 = arith.constant 0 : i32
    %dma_start3A_75 = tpu.memref_slice %arg4[%dma_start3A_74] : memref<16777216xf32, #tpu.memory_space<hbm>> -> memref<16777216xf32, #tpu.memory_space<hbm>>
    tpu.enqueue_indirect_dma source(%dma_start3A_75 : memref<16777216xf32, #tpu.memory_space<hbm>>) target(%dma_start3A_71 : memref<128xf32, #tpu.memory_space<vmem>>) offsets(%dma_start3A_73 : memref<128xi32, #tpu.memory_space<vmem>>) semaphore(%arg16 : memref<!tpu.dma_semaphore, #tpu.memory_space<semaphore_mem>>)
    %dma_start3A_76 = arith.constant 1408 : i32
    %dma_start3A_77 = tpu.memref_slice %arg9[%dma_start3A_76] : memref<2048xf32, #tpu.memory_space<vmem>> -> memref<128xf32, #tpu.memory_space<vmem>>
    %dma_start3A_78 = arith.constant 1408 : i32
    %dma_start3A_79 = tpu.memref_slice %arg7[%dma_start3A_78] : memref<2048xi32, #tpu.memory_space<vmem>> -> memref<128xi32, #tpu.memory_space<vmem>>
    %dma_start3A_80 = arith.constant 0 : i32
    %dma_start3A_81 = tpu.memref_slice %arg4[%dma_start3A_80] : memref<16777216xf32, #tpu.memory_space<hbm>> -> memref<16777216xf32, #tpu.memory_space<hbm>>
    tpu.enqueue_indirect_dma source(%dma_start3A_81 : memref<16777216xf32, #tpu.memory_space<hbm>>) target(%dma_start3A_77 : memref<128xf32, #tpu.memory_space<vmem>>) offsets(%dma_start3A_79 : memref<128xi32, #tpu.memory_space<vmem>>) semaphore(%arg16 : memref<!tpu.dma_semaphore, #tpu.memory_space<semaphore_mem>>)
    %dma_start3A_82 = arith.constant 1536 : i32
    %dma_start3A_83 = tpu.memref_slice %arg9[%dma_start3A_82] : memref<2048xf32, #tpu.memory_space<vmem>> -> memref<128xf32, #tpu.memory_space<vmem>>
    %dma_start3A_84 = arith.constant 1536 : i32
    %dma_start3A_85 = tpu.memref_slice %arg7[%dma_start3A_84] : memref<2048xi32, #tpu.memory_space<vmem>> -> memref<128xi32, #tpu.memory_space<vmem>>
    %dma_start3A_86 = arith.constant 0 : i32
    %dma_start3A_87 = tpu.memref_slice %arg4[%dma_start3A_86] : memref<16777216xf32, #tpu.memory_space<hbm>> -> memref<16777216xf32, #tpu.memory_space<hbm>>
    tpu.enqueue_indirect_dma source(%dma_start3A_87 : memref<16777216xf32, #tpu.memory_space<hbm>>) target(%dma_start3A_83 : memref<128xf32, #tpu.memory_space<vmem>>) offsets(%dma_start3A_85 : memref<128xi32, #tpu.memory_space<vmem>>) semaphore(%arg16 : memref<!tpu.dma_semaphore, #tpu.memory_space<semaphore_mem>>)
    %dma_start3A_88 = arith.constant 1664 : i32
    %dma_start3A_89 = tpu.memref_slice %arg9[%dma_start3A_88] : memref<2048xf32, #tpu.memory_space<vmem>> -> memref<128xf32, #tpu.memory_space<vmem>>
    %dma_start3A_90 = arith.constant 1664 : i32
    %dma_start3A_91 = tpu.memref_slice %arg7[%dma_start3A_90] : memref<2048xi32, #tpu.memory_space<vmem>> -> memref<128xi32, #tpu.memory_space<vmem>>
    %dma_start3A_92 = arith.constant 0 : i32
    %dma_start3A_93 = tpu.memref_slice %arg4[%dma_start3A_92] : memref<16777216xf32, #tpu.memory_space<hbm>> -> memref<16777216xf32, #tpu.memory_space<hbm>>
    tpu.enqueue_indirect_dma source(%dma_start3A_93 : memref<16777216xf32, #tpu.memory_space<hbm>>) target(%dma_start3A_89 : memref<128xf32, #tpu.memory_space<vmem>>) offsets(%dma_start3A_91 : memref<128xi32, #tpu.memory_space<vmem>>) semaphore(%arg16 : memref<!tpu.dma_semaphore, #tpu.memory_space<semaphore_mem>>)
    %dma_start3A_94 = arith.constant 1792 : i32
    %dma_start3A_95 = tpu.memref_slice %arg9[%dma_start3A_94] : memref<2048xf32, #tpu.memory_space<vmem>> -> memref<128xf32, #tpu.memory_space<vmem>>
    %dma_start3A_96 = arith.constant 1792 : i32
    %dma_start3A_97 = tpu.memref_slice %arg7[%dma_start3A_96] : memref<2048xi32, #tpu.memory_space<vmem>> -> memref<128xi32, #tpu.memory_space<vmem>>
    %dma_start3A_98 = arith.constant 0 : i32
    %dma_start3A_99 = tpu.memref_slice %arg4[%dma_start3A_98] : memref<16777216xf32, #tpu.memory_space<hbm>> -> memref<16777216xf32, #tpu.memory_space<hbm>>
    tpu.enqueue_indirect_dma source(%dma_start3A_99 : memref<16777216xf32, #tpu.memory_space<hbm>>) target(%dma_start3A_95 : memref<128xf32, #tpu.memory_space<vmem>>) offsets(%dma_start3A_97 : memref<128xi32, #tpu.memory_space<vmem>>) semaphore(%arg16 : memref<!tpu.dma_semaphore, #tpu.memory_space<semaphore_mem>>)
    %dma_start3A_100 = arith.constant 1920 : i32
    %dma_start3A_101 = tpu.memref_slice %arg9[%dma_start3A_100] : memref<2048xf32, #tpu.memory_space<vmem>> -> memref<128xf32, #tpu.memory_space<vmem>>
    %dma_start3A_102 = arith.constant 1920 : i32
    %dma_start3A_103 = tpu.memref_slice %arg7[%dma_start3A_102] : memref<2048xi32, #tpu.memory_space<vmem>> -> memref<128xi32, #tpu.memory_space<vmem>>
    %dma_start3A_104 = arith.constant 0 : i32
    %dma_start3A_105 = tpu.memref_slice %arg4[%dma_start3A_104] : memref<16777216xf32, #tpu.memory_space<hbm>> -> memref<16777216xf32, #tpu.memory_space<hbm>>
    tpu.enqueue_indirect_dma source(%dma_start3A_105 : memref<16777216xf32, #tpu.memory_space<hbm>>) target(%dma_start3A_101 : memref<128xf32, #tpu.memory_space<vmem>>) offsets(%dma_start3A_103 : memref<128xi32, #tpu.memory_space<vmem>>) semaphore(%arg16 : memref<!tpu.dma_semaphore, #tpu.memory_space<semaphore_mem>>)
    %dma_start3A_106 = arith.constant 0 : i32
    %dma_start3A_107 = tpu.memref_slice %arg10[%dma_start3A_106] : memref<4096xf32, #tpu.memory_space<vmem>> -> memref<128xf32, #tpu.memory_space<vmem>>
    %dma_start3A_108 = arith.constant 0 : i32
    %dma_start3A_109 = tpu.memref_slice %arg8[%dma_start3A_108] : memref<4096xi32, #tpu.memory_space<vmem>> -> memref<128xi32, #tpu.memory_space<vmem>>
    %dma_start3A_110 = arith.constant 0 : i32
    %dma_start3A_111 = tpu.memref_slice %arg5[%dma_start3A_110] : memref<16777216xf32, #tpu.memory_space<hbm>> -> memref<16777216xf32, #tpu.memory_space<hbm>>
    tpu.enqueue_indirect_dma source(%dma_start3A_111 : memref<16777216xf32, #tpu.memory_space<hbm>>) target(%dma_start3A_107 : memref<128xf32, #tpu.memory_space<vmem>>) offsets(%dma_start3A_109 : memref<128xi32, #tpu.memory_space<vmem>>) semaphore(%arg17 : memref<!tpu.dma_semaphore, #tpu.memory_space<semaphore_mem>>)
    %dma_start3A_112 = arith.constant 128 : i32
    %dma_start3A_113 = tpu.memref_slice %arg10[%dma_start3A_112] : memref<4096xf32, #tpu.memory_space<vmem>> -> memref<128xf32, #tpu.memory_space<vmem>>
    %dma_start3A_114 = arith.constant 128 : i32
    %dma_start3A_115 = tpu.memref_slice %arg8[%dma_start3A_114] : memref<4096xi32, #tpu.memory_space<vmem>> -> memref<128xi32, #tpu.memory_space<vmem>>
    %dma_start3A_116 = arith.constant 0 : i32
    %dma_start3A_117 = tpu.memref_slice %arg5[%dma_start3A_116] : memref<16777216xf32, #tpu.memory_space<hbm>> -> memref<16777216xf32, #tpu.memory_space<hbm>>
    tpu.enqueue_indirect_dma source(%dma_start3A_117 : memref<16777216xf32, #tpu.memory_space<hbm>>) target(%dma_start3A_113 : memref<128xf32, #tpu.memory_space<vmem>>) offsets(%dma_start3A_115 : memref<128xi32, #tpu.memory_space<vmem>>) semaphore(%arg17 : memref<!tpu.dma_semaphore, #tpu.memory_space<semaphore_mem>>)
    %dma_start3A_118 = arith.constant 256 : i32
    %dma_start3A_119 = tpu.memref_slice %arg10[%dma_start3A_118] : memref<4096xf32, #tpu.memory_space<vmem>> -> memref<128xf32, #tpu.memory_space<vmem>>
    %dma_start3A_120 = arith.constant 256 : i32
    %dma_start3A_121 = tpu.memref_slice %arg8[%dma_start3A_120] : memref<4096xi32, #tpu.memory_space<vmem>> -> memref<128xi32, #tpu.memory_space<vmem>>
    %dma_start3A_122 = arith.constant 0 : i32
    %dma_start3A_123 = tpu.memref_slice %arg5[%dma_start3A_122] : memref<16777216xf32, #tpu.memory_space<hbm>> -> memref<16777216xf32, #tpu.memory_space<hbm>>
    tpu.enqueue_indirect_dma source(%dma_start3A_123 : memref<16777216xf32, #tpu.memory_space<hbm>>) target(%dma_start3A_119 : memref<128xf32, #tpu.memory_space<vmem>>) offsets(%dma_start3A_121 : memref<128xi32, #tpu.memory_space<vmem>>) semaphore(%arg17 : memref<!tpu.dma_semaphore, #tpu.memory_space<semaphore_mem>>)
    %dma_start3A_124 = arith.constant 384 : i32
    %dma_start3A_125 = tpu.memref_slice %arg10[%dma_start3A_124] : memref<4096xf32, #tpu.memory_space<vmem>> -> memref<128xf32, #tpu.memory_space<vmem>>
    %dma_start3A_126 = arith.constant 384 : i32
    %dma_start3A_127 = tpu.memref_slice %arg8[%dma_start3A_126] : memref<4096xi32, #tpu.memory_space<vmem>> -> memref<128xi32, #tpu.memory_space<vmem>>
    %dma_start3A_128 = arith.constant 0 : i32
    %dma_start3A_129 = tpu.memref_slice %arg5[%dma_start3A_128] : memref<16777216xf32, #tpu.memory_space<hbm>> -> memref<16777216xf32, #tpu.memory_space<hbm>>
    tpu.enqueue_indirect_dma source(%dma_start3A_129 : memref<16777216xf32, #tpu.memory_space<hbm>>) target(%dma_start3A_125 : memref<128xf32, #tpu.memory_space<vmem>>) offsets(%dma_start3A_127 : memref<128xi32, #tpu.memory_space<vmem>>) semaphore(%arg17 : memref<!tpu.dma_semaphore, #tpu.memory_space<semaphore_mem>>)
    %dma_start3A_130 = arith.constant 512 : i32
    %dma_start3A_131 = tpu.memref_slice %arg10[%dma_start3A_130] : memref<4096xf32, #tpu.memory_space<vmem>> -> memref<128xf32, #tpu.memory_space<vmem>>
    %dma_start3A_132 = arith.constant 512 : i32
    %dma_start3A_133 = tpu.memref_slice %arg8[%dma_start3A_132] : memref<4096xi32, #tpu.memory_space<vmem>> -> memref<128xi32, #tpu.memory_space<vmem>>
    %dma_start3A_134 = arith.constant 0 : i32
    %dma_start3A_135 = tpu.memref_slice %arg5[%dma_start3A_134] : memref<16777216xf32, #tpu.memory_space<hbm>> -> memref<16777216xf32, #tpu.memory_space<hbm>>
    tpu.enqueue_indirect_dma source(%dma_start3A_135 : memref<16777216xf32, #tpu.memory_space<hbm>>) target(%dma_start3A_131 : memref<128xf32, #tpu.memory_space<vmem>>) offsets(%dma_start3A_133 : memref<128xi32, #tpu.memory_space<vmem>>) semaphore(%arg17 : memref<!tpu.dma_semaphore, #tpu.memory_space<semaphore_mem>>)
    %dma_start3A_136 = arith.constant 640 : i32
    %dma_start3A_137 = tpu.memref_slice %arg10[%dma_start3A_136] : memref<4096xf32, #tpu.memory_space<vmem>> -> memref<128xf32, #tpu.memory_space<vmem>>
    %dma_start3A_138 = arith.constant 640 : i32
    %dma_start3A_139 = tpu.memref_slice %arg8[%dma_start3A_138] : memref<4096xi32, #tpu.memory_space<vmem>> -> memref<128xi32, #tpu.memory_space<vmem>>
    %dma_start3A_140 = arith.constant 0 : i32
    %dma_start3A_141 = tpu.memref_slice %arg5[%dma_start3A_140] : memref<16777216xf32, #tpu.memory_space<hbm>> -> memref<16777216xf32, #tpu.memory_space<hbm>>
    tpu.enqueue_indirect_dma source(%dma_start3A_141 : memref<16777216xf32, #tpu.memory_space<hbm>>) target(%dma_start3A_137 : memref<128xf32, #tpu.memory_space<vmem>>) offsets(%dma_start3A_139 : memref<128xi32, #tpu.memory_space<vmem>>) semaphore(%arg17 : memref<!tpu.dma_semaphore, #tpu.memory_space<semaphore_mem>>)
    %dma_start3A_142 = arith.constant 768 : i32
    %dma_start3A_143 = tpu.memref_slice %arg10[%dma_start3A_142] : memref<4096xf32, #tpu.memory_space<vmem>> -> memref<128xf32, #tpu.memory_space<vmem>>
    %dma_start3A_144 = arith.constant 768 : i32
    %dma_start3A_145 = tpu.memref_slice %arg8[%dma_start3A_144] : memref<4096xi32, #tpu.memory_space<vmem>> -> memref<128xi32, #tpu.memory_space<vmem>>
    %dma_start3A_146 = arith.constant 0 : i32
    %dma_start3A_147 = tpu.memref_slice %arg5[%dma_start3A_146] : memref<16777216xf32, #tpu.memory_space<hbm>> -> memref<16777216xf32, #tpu.memory_space<hbm>>
    tpu.enqueue_indirect_dma source(%dma_start3A_147 : memref<16777216xf32, #tpu.memory_space<hbm>>) target(%dma_start3A_143 : memref<128xf32, #tpu.memory_space<vmem>>) offsets(%dma_start3A_145 : memref<128xi32, #tpu.memory_space<vmem>>) semaphore(%arg17 : memref<!tpu.dma_semaphore, #tpu.memory_space<semaphore_mem>>)
    %dma_start3A_148 = arith.constant 896 : i32
    %dma_start3A_149 = tpu.memref_slice %arg10[%dma_start3A_148] : memref<4096xf32, #tpu.memory_space<vmem>> -> memref<128xf32, #tpu.memory_space<vmem>>
    %dma_start3A_150 = arith.constant 896 : i32
    %dma_start3A_151 = tpu.memref_slice %arg8[%dma_start3A_150] : memref<4096xi32, #tpu.memory_space<vmem>> -> memref<128xi32, #tpu.memory_space<vmem>>
    %dma_start3A_152 = arith.constant 0 : i32
    %dma_start3A_153 = tpu.memref_slice %arg5[%dma_start3A_152] : memref<16777216xf32, #tpu.memory_space<hbm>> -> memref<16777216xf32, #tpu.memory_space<hbm>>
    tpu.enqueue_indirect_dma source(%dma_start3A_153 : memref<16777216xf32, #tpu.memory_space<hbm>>) target(%dma_start3A_149 : memref<128xf32, #tpu.memory_space<vmem>>) offsets(%dma_start3A_151 : memref<128xi32, #tpu.memory_space<vmem>>) semaphore(%arg17 : memref<!tpu.dma_semaphore, #tpu.memory_space<semaphore_mem>>)
    %dma_start3A_154 = arith.constant 1024 : i32
    %dma_start3A_155 = tpu.memref_slice %arg10[%dma_start3A_154] : memref<4096xf32, #tpu.memory_space<vmem>> -> memref<128xf32, #tpu.memory_space<vmem>>
    %dma_start3A_156 = arith.constant 1024 : i32
    %dma_start3A_157 = tpu.memref_slice %arg8[%dma_start3A_156] : memref<4096xi32, #tpu.memory_space<vmem>> -> memref<128xi32, #tpu.memory_space<vmem>>
    %dma_start3A_158 = arith.constant 0 : i32
    %dma_start3A_159 = tpu.memref_slice %arg5[%dma_start3A_158] : memref<16777216xf32, #tpu.memory_space<hbm>> -> memref<16777216xf32, #tpu.memory_space<hbm>>
    tpu.enqueue_indirect_dma source(%dma_start3A_159 : memref<16777216xf32, #tpu.memory_space<hbm>>) target(%dma_start3A_155 : memref<128xf32, #tpu.memory_space<vmem>>) offsets(%dma_start3A_157 : memref<128xi32, #tpu.memory_space<vmem>>) semaphore(%arg17 : memref<!tpu.dma_semaphore, #tpu.memory_space<semaphore_mem>>)
    %dma_start3A_160 = arith.constant 1152 : i32
    %dma_start3A_161 = tpu.memref_slice %arg10[%dma_start3A_160] : memref<4096xf32, #tpu.memory_space<vmem>> -> memref<128xf32, #tpu.memory_space<vmem>>
    %dma_start3A_162 = arith.constant 1152 : i32
    %dma_start3A_163 = tpu.memref_slice %arg8[%dma_start3A_162] : memref<4096xi32, #tpu.memory_space<vmem>> -> memref<128xi32, #tpu.memory_space<vmem>>
    %dma_start3A_164 = arith.constant 0 : i32
    %dma_start3A_165 = tpu.memref_slice %arg5[%dma_start3A_164] : memref<16777216xf32, #tpu.memory_space<hbm>> -> memref<16777216xf32, #tpu.memory_space<hbm>>
    tpu.enqueue_indirect_dma source(%dma_start3A_165 : memref<16777216xf32, #tpu.memory_space<hbm>>) target(%dma_start3A_161 : memref<128xf32, #tpu.memory_space<vmem>>) offsets(%dma_start3A_163 : memref<128xi32, #tpu.memory_space<vmem>>) semaphore(%arg17 : memref<!tpu.dma_semaphore, #tpu.memory_space<semaphore_mem>>)
    %dma_start3A_166 = arith.constant 1280 : i32
    %dma_start3A_167 = tpu.memref_slice %arg10[%dma_start3A_166] : memref<4096xf32, #tpu.memory_space<vmem>> -> memref<128xf32, #tpu.memory_space<vmem>>
    %dma_start3A_168 = arith.constant 1280 : i32
    %dma_start3A_169 = tpu.memref_slice %arg8[%dma_start3A_168] : memref<4096xi32, #tpu.memory_space<vmem>> -> memref<128xi32, #tpu.memory_space<vmem>>
    %dma_start3A_170 = arith.constant 0 : i32
    %dma_start3A_171 = tpu.memref_slice %arg5[%dma_start3A_170] : memref<16777216xf32, #tpu.memory_space<hbm>> -> memref<16777216xf32, #tpu.memory_space<hbm>>
    tpu.enqueue_indirect_dma source(%dma_start3A_171 : memref<16777216xf32, #tpu.memory_space<hbm>>) target(%dma_start3A_167 : memref<128xf32, #tpu.memory_space<vmem>>) offsets(%dma_start3A_169 : memref<128xi32, #tpu.memory_space<vmem>>) semaphore(%arg17 : memref<!tpu.dma_semaphore, #tpu.memory_space<semaphore_mem>>)
    %dma_start3A_172 = arith.constant 1408 : i32
    %dma_start3A_173 = tpu.memref_slice %arg10[%dma_start3A_172] : memref<4096xf32, #tpu.memory_space<vmem>> -> memref<128xf32, #tpu.memory_space<vmem>>
    %dma_start3A_174 = arith.constant 1408 : i32
    %dma_start3A_175 = tpu.memref_slice %arg8[%dma_start3A_174] : memref<4096xi32, #tpu.memory_space<vmem>> -> memref<128xi32, #tpu.memory_space<vmem>>
    %dma_start3A_176 = arith.constant 0 : i32
    %dma_start3A_177 = tpu.memref_slice %arg5[%dma_start3A_176] : memref<16777216xf32, #tpu.memory_space<hbm>> -> memref<16777216xf32, #tpu.memory_space<hbm>>
    tpu.enqueue_indirect_dma source(%dma_start3A_177 : memref<16777216xf32, #tpu.memory_space<hbm>>) target(%dma_start3A_173 : memref<128xf32, #tpu.memory_space<vmem>>) offsets(%dma_start3A_175 : memref<128xi32, #tpu.memory_space<vmem>>) semaphore(%arg17 : memref<!tpu.dma_semaphore, #tpu.memory_space<semaphore_mem>>)
    %dma_start3A_178 = arith.constant 1536 : i32
    %dma_start3A_179 = tpu.memref_slice %arg10[%dma_start3A_178] : memref<4096xf32, #tpu.memory_space<vmem>> -> memref<128xf32, #tpu.memory_space<vmem>>
    %dma_start3A_180 = arith.constant 1536 : i32
    %dma_start3A_181 = tpu.memref_slice %arg8[%dma_start3A_180] : memref<4096xi32, #tpu.memory_space<vmem>> -> memref<128xi32, #tpu.memory_space<vmem>>
    %dma_start3A_182 = arith.constant 0 : i32
    %dma_start3A_183 = tpu.memref_slice %arg5[%dma_start3A_182] : memref<16777216xf32, #tpu.memory_space<hbm>> -> memref<16777216xf32, #tpu.memory_space<hbm>>
    tpu.enqueue_indirect_dma source(%dma_start3A_183 : memref<16777216xf32, #tpu.memory_space<hbm>>) target(%dma_start3A_179 : memref<128xf32, #tpu.memory_space<vmem>>) offsets(%dma_start3A_181 : memref<128xi32, #tpu.memory_space<vmem>>) semaphore(%arg17 : memref<!tpu.dma_semaphore, #tpu.memory_space<semaphore_mem>>)
    %dma_start3A_184 = arith.constant 1664 : i32
    %dma_start3A_185 = tpu.memref_slice %arg10[%dma_start3A_184] : memref<4096xf32, #tpu.memory_space<vmem>> -> memref<128xf32, #tpu.memory_space<vmem>>
    %dma_start3A_186 = arith.constant 1664 : i32
    %dma_start3A_187 = tpu.memref_slice %arg8[%dma_start3A_186] : memref<4096xi32, #tpu.memory_space<vmem>> -> memref<128xi32, #tpu.memory_space<vmem>>
    %dma_start3A_188 = arith.constant 0 : i32
    %dma_start3A_189 = tpu.memref_slice %arg5[%dma_start3A_188] : memref<16777216xf32, #tpu.memory_space<hbm>> -> memref<16777216xf32, #tpu.memory_space<hbm>>
    tpu.enqueue_indirect_dma source(%dma_start3A_189 : memref<16777216xf32, #tpu.memory_space<hbm>>) target(%dma_start3A_185 : memref<128xf32, #tpu.memory_space<vmem>>) offsets(%dma_start3A_187 : memref<128xi32, #tpu.memory_space<vmem>>) semaphore(%arg17 : memref<!tpu.dma_semaphore, #tpu.memory_space<semaphore_mem>>)
    %dma_start3A_190 = arith.constant 1792 : i32
    %dma_start3A_191 = tpu.memref_slice %arg10[%dma_start3A_190] : memref<4096xf32, #tpu.memory_space<vmem>> -> memref<128xf32, #tpu.memory_space<vmem>>
    %dma_start3A_192 = arith.constant 1792 : i32
    %dma_start3A_193 = tpu.memref_slice %arg8[%dma_start3A_192] : memref<4096xi32, #tpu.memory_space<vmem>> -> memref<128xi32, #tpu.memory_space<vmem>>
    %dma_start3A_194 = arith.constant 0 : i32
    %dma_start3A_195 = tpu.memref_slice %arg5[%dma_start3A_194] : memref<16777216xf32, #tpu.memory_space<hbm>> -> memref<16777216xf32, #tpu.memory_space<hbm>>
    tpu.enqueue_indirect_dma source(%dma_start3A_195 : memref<16777216xf32, #tpu.memory_space<hbm>>) target(%dma_start3A_191 : memref<128xf32, #tpu.memory_space<vmem>>) offsets(%dma_start3A_193 : memref<128xi32, #tpu.memory_space<vmem>>) semaphore(%arg17 : memref<!tpu.dma_semaphore, #tpu.memory_space<semaphore_mem>>)
    %dma_start3A_196 = arith.constant 1920 : i32
    %dma_start3A_197 = tpu.memref_slice %arg10[%dma_start3A_196] : memref<4096xf32, #tpu.memory_space<vmem>> -> memref<128xf32, #tpu.memory_space<vmem>>
    %dma_start3A_198 = arith.constant 1920 : i32
    %dma_start3A_199 = tpu.memref_slice %arg8[%dma_start3A_198] : memref<4096xi32, #tpu.memory_space<vmem>> -> memref<128xi32, #tpu.memory_space<vmem>>
    %dma_start3A_200 = arith.constant 0 : i32
    %dma_start3A_201 = tpu.memref_slice %arg5[%dma_start3A_200] : memref<16777216xf32, #tpu.memory_space<hbm>> -> memref<16777216xf32, #tpu.memory_space<hbm>>
    tpu.enqueue_indirect_dma source(%dma_start3A_201 : memref<16777216xf32, #tpu.memory_space<hbm>>) target(%dma_start3A_197 : memref<128xf32, #tpu.memory_space<vmem>>) offsets(%dma_start3A_199 : memref<128xi32, #tpu.memory_space<vmem>>) semaphore(%arg17 : memref<!tpu.dma_semaphore, #tpu.memory_space<semaphore_mem>>)
    %dma_start3A_202 = arith.constant 2048 : i32
    %dma_start3A_203 = tpu.memref_slice %arg10[%dma_start3A_202] : memref<4096xf32, #tpu.memory_space<vmem>> -> memref<128xf32, #tpu.memory_space<vmem>>
    %dma_start3A_204 = arith.constant 2048 : i32
    %dma_start3A_205 = tpu.memref_slice %arg8[%dma_start3A_204] : memref<4096xi32, #tpu.memory_space<vmem>> -> memref<128xi32, #tpu.memory_space<vmem>>
    %dma_start3A_206 = arith.constant 0 : i32
    %dma_start3A_207 = tpu.memref_slice %arg5[%dma_start3A_206] : memref<16777216xf32, #tpu.memory_space<hbm>> -> memref<16777216xf32, #tpu.memory_space<hbm>>
    tpu.enqueue_indirect_dma source(%dma_start3A_207 : memref<16777216xf32, #tpu.memory_space<hbm>>) target(%dma_start3A_203 : memref<128xf32, #tpu.memory_space<vmem>>) offsets(%dma_start3A_205 : memref<128xi32, #tpu.memory_space<vmem>>) semaphore(%arg17 : memref<!tpu.dma_semaphore, #tpu.memory_space<semaphore_mem>>)
    %dma_start3A_208 = arith.constant 2176 : i32
    %dma_start3A_209 = tpu.memref_slice %arg10[%dma_start3A_208] : memref<4096xf32, #tpu.memory_space<vmem>> -> memref<128xf32, #tpu.memory_space<vmem>>
    %dma_start3A_210 = arith.constant 2176 : i32
    %dma_start3A_211 = tpu.memref_slice %arg8[%dma_start3A_210] : memref<4096xi32, #tpu.memory_space<vmem>> -> memref<128xi32, #tpu.memory_space<vmem>>
    %dma_start3A_212 = arith.constant 0 : i32
    %dma_start3A_213 = tpu.memref_slice %arg5[%dma_start3A_212] : memref<16777216xf32, #tpu.memory_space<hbm>> -> memref<16777216xf32, #tpu.memory_space<hbm>>
    tpu.enqueue_indirect_dma source(%dma_start3A_213 : memref<16777216xf32, #tpu.memory_space<hbm>>) target(%dma_start3A_209 : memref<128xf32, #tpu.memory_space<vmem>>) offsets(%dma_start3A_211 : memref<128xi32, #tpu.memory_space<vmem>>) semaphore(%arg17 : memref<!tpu.dma_semaphore, #tpu.memory_space<semaphore_mem>>)
    %dma_start3A_214 = arith.constant 2304 : i32
    %dma_start3A_215 = tpu.memref_slice %arg10[%dma_start3A_214] : memref<4096xf32, #tpu.memory_space<vmem>> -> memref<128xf32, #tpu.memory_space<vmem>>
    %dma_start3A_216 = arith.constant 2304 : i32
    %dma_start3A_217 = tpu.memref_slice %arg8[%dma_start3A_216] : memref<4096xi32, #tpu.memory_space<vmem>> -> memref<128xi32, #tpu.memory_space<vmem>>
    %dma_start3A_218 = arith.constant 0 : i32
    %dma_start3A_219 = tpu.memref_slice %arg5[%dma_start3A_218] : memref<16777216xf32, #tpu.memory_space<hbm>> -> memref<16777216xf32, #tpu.memory_space<hbm>>
    tpu.enqueue_indirect_dma source(%dma_start3A_219 : memref<16777216xf32, #tpu.memory_space<hbm>>) target(%dma_start3A_215 : memref<128xf32, #tpu.memory_space<vmem>>) offsets(%dma_start3A_217 : memref<128xi32, #tpu.memory_space<vmem>>) semaphore(%arg17 : memref<!tpu.dma_semaphore, #tpu.memory_space<semaphore_mem>>)
    %dma_start3A_220 = arith.constant 2432 : i32
    %dma_start3A_221 = tpu.memref_slice %arg10[%dma_start3A_220] : memref<4096xf32, #tpu.memory_space<vmem>> -> memref<128xf32, #tpu.memory_space<vmem>>
    %dma_start3A_222 = arith.constant 2432 : i32
    %dma_start3A_223 = tpu.memref_slice %arg8[%dma_start3A_222] : memref<4096xi32, #tpu.memory_space<vmem>> -> memref<128xi32, #tpu.memory_space<vmem>>
    %dma_start3A_224 = arith.constant 0 : i32
    %dma_start3A_225 = tpu.memref_slice %arg5[%dma_start3A_224] : memref<16777216xf32, #tpu.memory_space<hbm>> -> memref<16777216xf32, #tpu.memory_space<hbm>>
    tpu.enqueue_indirect_dma source(%dma_start3A_225 : memref<16777216xf32, #tpu.memory_space<hbm>>) target(%dma_start3A_221 : memref<128xf32, #tpu.memory_space<vmem>>) offsets(%dma_start3A_223 : memref<128xi32, #tpu.memory_space<vmem>>) semaphore(%arg17 : memref<!tpu.dma_semaphore, #tpu.memory_space<semaphore_mem>>)
    %dma_start3A_226 = arith.constant 2560 : i32
    %dma_start3A_227 = tpu.memref_slice %arg10[%dma_start3A_226] : memref<4096xf32, #tpu.memory_space<vmem>> -> memref<128xf32, #tpu.memory_space<vmem>>
    %dma_start3A_228 = arith.constant 2560 : i32
    %dma_start3A_229 = tpu.memref_slice %arg8[%dma_start3A_228] : memref<4096xi32, #tpu.memory_space<vmem>> -> memref<128xi32, #tpu.memory_space<vmem>>
    %dma_start3A_230 = arith.constant 0 : i32
    %dma_start3A_231 = tpu.memref_slice %arg5[%dma_start3A_230] : memref<16777216xf32, #tpu.memory_space<hbm>> -> memref<16777216xf32, #tpu.memory_space<hbm>>
    tpu.enqueue_indirect_dma source(%dma_start3A_231 : memref<16777216xf32, #tpu.memory_space<hbm>>) target(%dma_start3A_227 : memref<128xf32, #tpu.memory_space<vmem>>) offsets(%dma_start3A_229 : memref<128xi32, #tpu.memory_space<vmem>>) semaphore(%arg17 : memref<!tpu.dma_semaphore, #tpu.memory_space<semaphore_mem>>)
    %dma_start3A_232 = arith.constant 2688 : i32
    %dma_start3A_233 = tpu.memref_slice %arg10[%dma_start3A_232] : memref<4096xf32, #tpu.memory_space<vmem>> -> memref<128xf32, #tpu.memory_space<vmem>>
    %dma_start3A_234 = arith.constant 2688 : i32
    %dma_start3A_235 = tpu.memref_slice %arg8[%dma_start3A_234] : memref<4096xi32, #tpu.memory_space<vmem>> -> memref<128xi32, #tpu.memory_space<vmem>>
    %dma_start3A_236 = arith.constant 0 : i32
    %dma_start3A_237 = tpu.memref_slice %arg5[%dma_start3A_236] : memref<16777216xf32, #tpu.memory_space<hbm>> -> memref<16777216xf32, #tpu.memory_space<hbm>>
    tpu.enqueue_indirect_dma source(%dma_start3A_237 : memref<16777216xf32, #tpu.memory_space<hbm>>) target(%dma_start3A_233 : memref<128xf32, #tpu.memory_space<vmem>>) offsets(%dma_start3A_235 : memref<128xi32, #tpu.memory_space<vmem>>) semaphore(%arg17 : memref<!tpu.dma_semaphore, #tpu.memory_space<semaphore_mem>>)
    %dma_start3A_238 = arith.constant 2816 : i32
    %dma_start3A_239 = tpu.memref_slice %arg10[%dma_start3A_238] : memref<4096xf32, #tpu.memory_space<vmem>> -> memref<128xf32, #tpu.memory_space<vmem>>
    %dma_start3A_240 = arith.constant 2816 : i32
    %dma_start3A_241 = tpu.memref_slice %arg8[%dma_start3A_240] : memref<4096xi32, #tpu.memory_space<vmem>> -> memref<128xi32, #tpu.memory_space<vmem>>
    %dma_start3A_242 = arith.constant 0 : i32
    %dma_start3A_243 = tpu.memref_slice %arg5[%dma_start3A_242] : memref<16777216xf32, #tpu.memory_space<hbm>> -> memref<16777216xf32, #tpu.memory_space<hbm>>
    tpu.enqueue_indirect_dma source(%dma_start3A_243 : memref<16777216xf32, #tpu.memory_space<hbm>>) target(%dma_start3A_239 : memref<128xf32, #tpu.memory_space<vmem>>) offsets(%dma_start3A_241 : memref<128xi32, #tpu.memory_space<vmem>>) semaphore(%arg17 : memref<!tpu.dma_semaphore, #tpu.memory_space<semaphore_mem>>)
    %dma_start3A_244 = arith.constant 2944 : i32
    %dma_start3A_245 = tpu.memref_slice %arg10[%dma_start3A_244] : memref<4096xf32, #tpu.memory_space<vmem>> -> memref<128xf32, #tpu.memory_space<vmem>>
    %dma_start3A_246 = arith.constant 2944 : i32
    %dma_start3A_247 = tpu.memref_slice %arg8[%dma_start3A_246] : memref<4096xi32, #tpu.memory_space<vmem>> -> memref<128xi32, #tpu.memory_space<vmem>>
    %dma_start3A_248 = arith.constant 0 : i32
    %dma_start3A_249 = tpu.memref_slice %arg5[%dma_start3A_248] : memref<16777216xf32, #tpu.memory_space<hbm>> -> memref<16777216xf32, #tpu.memory_space<hbm>>
    tpu.enqueue_indirect_dma source(%dma_start3A_249 : memref<16777216xf32, #tpu.memory_space<hbm>>) target(%dma_start3A_245 : memref<128xf32, #tpu.memory_space<vmem>>) offsets(%dma_start3A_247 : memref<128xi32, #tpu.memory_space<vmem>>) semaphore(%arg17 : memref<!tpu.dma_semaphore, #tpu.memory_space<semaphore_mem>>)
    %dma_start3A_250 = arith.constant 3072 : i32
    %dma_start3A_251 = tpu.memref_slice %arg10[%dma_start3A_250] : memref<4096xf32, #tpu.memory_space<vmem>> -> memref<128xf32, #tpu.memory_space<vmem>>
    %dma_start3A_252 = arith.constant 3072 : i32
    %dma_start3A_253 = tpu.memref_slice %arg8[%dma_start3A_252] : memref<4096xi32, #tpu.memory_space<vmem>> -> memref<128xi32, #tpu.memory_space<vmem>>
    %dma_start3A_254 = arith.constant 0 : i32
    %dma_start3A_255 = tpu.memref_slice %arg5[%dma_start3A_254] : memref<16777216xf32, #tpu.memory_space<hbm>> -> memref<16777216xf32, #tpu.memory_space<hbm>>
    tpu.enqueue_indirect_dma source(%dma_start3A_255 : memref<16777216xf32, #tpu.memory_space<hbm>>) target(%dma_start3A_251 : memref<128xf32, #tpu.memory_space<vmem>>) offsets(%dma_start3A_253 : memref<128xi32, #tpu.memory_space<vmem>>) semaphore(%arg17 : memref<!tpu.dma_semaphore, #tpu.memory_space<semaphore_mem>>)
    %dma_start3A_256 = arith.constant 3200 : i32
    %dma_start3A_257 = tpu.memref_slice %arg10[%dma_start3A_256] : memref<4096xf32, #tpu.memory_space<vmem>> -> memref<128xf32, #tpu.memory_space<vmem>>
    %dma_start3A_258 = arith.constant 3200 : i32
    %dma_start3A_259 = tpu.memref_slice %arg8[%dma_start3A_258] : memref<4096xi32, #tpu.memory_space<vmem>> -> memref<128xi32, #tpu.memory_space<vmem>>
    %dma_start3A_260 = arith.constant 0 : i32
    %dma_start3A_261 = tpu.memref_slice %arg5[%dma_start3A_260] : memref<16777216xf32, #tpu.memory_space<hbm>> -> memref<16777216xf32, #tpu.memory_space<hbm>>
    tpu.enqueue_indirect_dma source(%dma_start3A_261 : memref<16777216xf32, #tpu.memory_space<hbm>>) target(%dma_start3A_257 : memref<128xf32, #tpu.memory_space<vmem>>) offsets(%dma_start3A_259 : memref<128xi32, #tpu.memory_space<vmem>>) semaphore(%arg17 : memref<!tpu.dma_semaphore, #tpu.memory_space<semaphore_mem>>)
    %dma_start3A_262 = arith.constant 3328 : i32
    %dma_start3A_263 = tpu.memref_slice %arg10[%dma_start3A_262] : memref<4096xf32, #tpu.memory_space<vmem>> -> memref<128xf32, #tpu.memory_space<vmem>>
    %dma_start3A_264 = arith.constant 3328 : i32
    %dma_start3A_265 = tpu.memref_slice %arg8[%dma_start3A_264] : memref<4096xi32, #tpu.memory_space<vmem>> -> memref<128xi32, #tpu.memory_space<vmem>>
    %dma_start3A_266 = arith.constant 0 : i32
    %dma_start3A_267 = tpu.memref_slice %arg5[%dma_start3A_266] : memref<16777216xf32, #tpu.memory_space<hbm>> -> memref<16777216xf32, #tpu.memory_space<hbm>>
    tpu.enqueue_indirect_dma source(%dma_start3A_267 : memref<16777216xf32, #tpu.memory_space<hbm>>) target(%dma_start3A_263 : memref<128xf32, #tpu.memory_space<vmem>>) offsets(%dma_start3A_265 : memref<128xi32, #tpu.memory_space<vmem>>) semaphore(%arg17 : memref<!tpu.dma_semaphore, #tpu.memory_space<semaphore_mem>>)
    %dma_start3A_268 = arith.constant 3456 : i32
    %dma_start3A_269 = tpu.memref_slice %arg10[%dma_start3A_268] : memref<4096xf32, #tpu.memory_space<vmem>> -> memref<128xf32, #tpu.memory_space<vmem>>
    %dma_start3A_270 = arith.constant 3456 : i32
    %dma_start3A_271 = tpu.memref_slice %arg8[%dma_start3A_270] : memref<4096xi32, #tpu.memory_space<vmem>> -> memref<128xi32, #tpu.memory_space<vmem>>
    %dma_start3A_272 = arith.constant 0 : i32
    %dma_start3A_273 = tpu.memref_slice %arg5[%dma_start3A_272] : memref<16777216xf32, #tpu.memory_space<hbm>> -> memref<16777216xf32, #tpu.memory_space<hbm>>
    tpu.enqueue_indirect_dma source(%dma_start3A_273 : memref<16777216xf32, #tpu.memory_space<hbm>>) target(%dma_start3A_269 : memref<128xf32, #tpu.memory_space<vmem>>) offsets(%dma_start3A_271 : memref<128xi32, #tpu.memory_space<vmem>>) semaphore(%arg17 : memref<!tpu.dma_semaphore, #tpu.memory_space<semaphore_mem>>)
    %dma_start3A_274 = arith.constant 3584 : i32
    %dma_start3A_275 = tpu.memref_slice %arg10[%dma_start3A_274] : memref<4096xf32, #tpu.memory_space<vmem>> -> memref<128xf32, #tpu.memory_space<vmem>>
    %dma_start3A_276 = arith.constant 3584 : i32
    %dma_start3A_277 = tpu.memref_slice %arg8[%dma_start3A_276] : memref<4096xi32, #tpu.memory_space<vmem>> -> memref<128xi32, #tpu.memory_space<vmem>>
    %dma_start3A_278 = arith.constant 0 : i32
    %dma_start3A_279 = tpu.memref_slice %arg5[%dma_start3A_278] : memref<16777216xf32, #tpu.memory_space<hbm>> -> memref<16777216xf32, #tpu.memory_space<hbm>>
    tpu.enqueue_indirect_dma source(%dma_start3A_279 : memref<16777216xf32, #tpu.memory_space<hbm>>) target(%dma_start3A_275 : memref<128xf32, #tpu.memory_space<vmem>>) offsets(%dma_start3A_277 : memref<128xi32, #tpu.memory_space<vmem>>) semaphore(%arg17 : memref<!tpu.dma_semaphore, #tpu.memory_space<semaphore_mem>>)
    %dma_start3A_280 = arith.constant 3712 : i32
    %dma_start3A_281 = tpu.memref_slice %arg10[%dma_start3A_280] : memref<4096xf32, #tpu.memory_space<vmem>> -> memref<128xf32, #tpu.memory_space<vmem>>
    %dma_start3A_282 = arith.constant 3712 : i32
    %dma_start3A_283 = tpu.memref_slice %arg8[%dma_start3A_282] : memref<4096xi32, #tpu.memory_space<vmem>> -> memref<128xi32, #tpu.memory_space<vmem>>
    %dma_start3A_284 = arith.constant 0 : i32
    %dma_start3A_285 = tpu.memref_slice %arg5[%dma_start3A_284] : memref<16777216xf32, #tpu.memory_space<hbm>> -> memref<16777216xf32, #tpu.memory_space<hbm>>
    tpu.enqueue_indirect_dma source(%dma_start3A_285 : memref<16777216xf32, #tpu.memory_space<hbm>>) target(%dma_start3A_281 : memref<128xf32, #tpu.memory_space<vmem>>) offsets(%dma_start3A_283 : memref<128xi32, #tpu.memory_space<vmem>>) semaphore(%arg17 : memref<!tpu.dma_semaphore, #tpu.memory_space<semaphore_mem>>)
    %dma_start3A_286 = arith.constant 3840 : i32
    %dma_start3A_287 = tpu.memref_slice %arg10[%dma_start3A_286] : memref<4096xf32, #tpu.memory_space<vmem>> -> memref<128xf32, #tpu.memory_space<vmem>>
    %dma_start3A_288 = arith.constant 3840 : i32
    %dma_start3A_289 = tpu.memref_slice %arg8[%dma_start3A_288] : memref<4096xi32, #tpu.memory_space<vmem>> -> memref<128xi32, #tpu.memory_space<vmem>>
    %dma_start3A_290 = arith.constant 0 : i32
    %dma_start3A_291 = tpu.memref_slice %arg5[%dma_start3A_290] : memref<16777216xf32, #tpu.memory_space<hbm>> -> memref<16777216xf32, #tpu.memory_space<hbm>>
    tpu.enqueue_indirect_dma source(%dma_start3A_291 : memref<16777216xf32, #tpu.memory_space<hbm>>) target(%dma_start3A_287 : memref<128xf32, #tpu.memory_space<vmem>>) offsets(%dma_start3A_289 : memref<128xi32, #tpu.memory_space<vmem>>) semaphore(%arg17 : memref<!tpu.dma_semaphore, #tpu.memory_space<semaphore_mem>>)
    %dma_start3A_292 = arith.constant 3968 : i32
    %dma_start3A_293 = tpu.memref_slice %arg10[%dma_start3A_292] : memref<4096xf32, #tpu.memory_space<vmem>> -> memref<128xf32, #tpu.memory_space<vmem>>
    %dma_start3A_294 = arith.constant 3968 : i32
    %dma_start3A_295 = tpu.memref_slice %arg8[%dma_start3A_294] : memref<4096xi32, #tpu.memory_space<vmem>> -> memref<128xi32, #tpu.memory_space<vmem>>
    %dma_start3A_296 = arith.constant 0 : i32
    %dma_start3A_297 = tpu.memref_slice %arg5[%dma_start3A_296] : memref<16777216xf32, #tpu.memory_space<hbm>> -> memref<16777216xf32, #tpu.memory_space<hbm>>
    tpu.enqueue_indirect_dma source(%dma_start3A_297 : memref<16777216xf32, #tpu.memory_space<hbm>>) target(%dma_start3A_293 : memref<128xf32, #tpu.memory_space<vmem>>) offsets(%dma_start3A_295 : memref<128xi32, #tpu.memory_space<vmem>>) semaphore(%arg17 : memref<!tpu.dma_semaphore, #tpu.memory_space<semaphore_mem>>)
    %dma_wait3A = arith.constant 0 : i32
    %dma_wait3A_298 = tpu.memref_slice %arg10[%dma_wait3A] : memref<4096xf32, #tpu.memory_space<vmem>> -> memref<128xf32, #tpu.memory_space<vmem>>
    %dma_wait3A_299 = arith.constant 0 : i32
    %dma_wait3A_300 = tpu.memref_slice %arg8[%dma_wait3A_299] : memref<4096xi32, #tpu.memory_space<vmem>> -> memref<128xi32, #tpu.memory_space<vmem>>
    %dma_wait3A_301 = arith.constant 0 : i32
    %dma_wait3A_302 = tpu.memref_slice %arg5[%dma_wait3A_301] : memref<16777216xf32, #tpu.memory_space<hbm>> -> memref<16777216xf32, #tpu.memory_space<hbm>>
    tpu.wait_indirect_dma semaphore(%arg17 : memref<!tpu.dma_semaphore, #tpu.memory_space<semaphore_mem>>) src(%dma_wait3A_302 : memref<16777216xf32, #tpu.memory_space<hbm>>) dst(%dma_wait3A_298 : memref<128xf32, #tpu.memory_space<vmem>>)
    %dma_wait3A_303 = arith.constant 128 : i32
    %dma_wait3A_304 = tpu.memref_slice %arg10[%dma_wait3A_303] : memref<4096xf32, #tpu.memory_space<vmem>> -> memref<128xf32, #tpu.memory_space<vmem>>
    %dma_wait3A_305 = arith.constant 128 : i32
    %dma_wait3A_306 = tpu.memref_slice %arg8[%dma_wait3A_305] : memref<4096xi32, #tpu.memory_space<vmem>> -> memref<128xi32, #tpu.memory_space<vmem>>
    %dma_wait3A_307 = arith.constant 0 : i32
    %dma_wait3A_308 = tpu.memref_slice %arg5[%dma_wait3A_307] : memref<16777216xf32, #tpu.memory_space<hbm>> -> memref<16777216xf32, #tpu.memory_space<hbm>>
    tpu.wait_indirect_dma semaphore(%arg17 : memref<!tpu.dma_semaphore, #tpu.memory_space<semaphore_mem>>) src(%dma_wait3A_308 : memref<16777216xf32, #tpu.memory_space<hbm>>) dst(%dma_wait3A_304 : memref<128xf32, #tpu.memory_space<vmem>>)
    %dma_wait3A_309 = arith.constant 256 : i32
    %dma_wait3A_310 = tpu.memref_slice %arg10[%dma_wait3A_309] : memref<4096xf32, #tpu.memory_space<vmem>> -> memref<128xf32, #tpu.memory_space<vmem>>
    %dma_wait3A_311 = arith.constant 256 : i32
    %dma_wait3A_312 = tpu.memref_slice %arg8[%dma_wait3A_311] : memref<4096xi32, #tpu.memory_space<vmem>> -> memref<128xi32, #tpu.memory_space<vmem>>
    %dma_wait3A_313 = arith.constant 0 : i32
    %dma_wait3A_314 = tpu.memref_slice %arg5[%dma_wait3A_313] : memref<16777216xf32, #tpu.memory_space<hbm>> -> memref<16777216xf32, #tpu.memory_space<hbm>>
    tpu.wait_indirect_dma semaphore(%arg17 : memref<!tpu.dma_semaphore, #tpu.memory_space<semaphore_mem>>) src(%dma_wait3A_314 : memref<16777216xf32, #tpu.memory_space<hbm>>) dst(%dma_wait3A_310 : memref<128xf32, #tpu.memory_space<vmem>>)
    %dma_wait3A_315 = arith.constant 384 : i32
    %dma_wait3A_316 = tpu.memref_slice %arg10[%dma_wait3A_315] : memref<4096xf32, #tpu.memory_space<vmem>> -> memref<128xf32, #tpu.memory_space<vmem>>
    %dma_wait3A_317 = arith.constant 384 : i32
    %dma_wait3A_318 = tpu.memref_slice %arg8[%dma_wait3A_317] : memref<4096xi32, #tpu.memory_space<vmem>> -> memref<128xi32, #tpu.memory_space<vmem>>
    %dma_wait3A_319 = arith.constant 0 : i32
    %dma_wait3A_320 = tpu.memref_slice %arg5[%dma_wait3A_319] : memref<16777216xf32, #tpu.memory_space<hbm>> -> memref<16777216xf32, #tpu.memory_space<hbm>>
    tpu.wait_indirect_dma semaphore(%arg17 : memref<!tpu.dma_semaphore, #tpu.memory_space<semaphore_mem>>) src(%dma_wait3A_320 : memref<16777216xf32, #tpu.memory_space<hbm>>) dst(%dma_wait3A_316 : memref<128xf32, #tpu.memory_space<vmem>>)
    %dma_wait3A_321 = arith.constant 512 : i32
    %dma_wait3A_322 = tpu.memref_slice %arg10[%dma_wait3A_321] : memref<4096xf32, #tpu.memory_space<vmem>> -> memref<128xf32, #tpu.memory_space<vmem>>
    %dma_wait3A_323 = arith.constant 512 : i32
    %dma_wait3A_324 = tpu.memref_slice %arg8[%dma_wait3A_323] : memref<4096xi32, #tpu.memory_space<vmem>> -> memref<128xi32, #tpu.memory_space<vmem>>
    %dma_wait3A_325 = arith.constant 0 : i32
    %dma_wait3A_326 = tpu.memref_slice %arg5[%dma_wait3A_325] : memref<16777216xf32, #tpu.memory_space<hbm>> -> memref<16777216xf32, #tpu.memory_space<hbm>>
    tpu.wait_indirect_dma semaphore(%arg17 : memref<!tpu.dma_semaphore, #tpu.memory_space<semaphore_mem>>) src(%dma_wait3A_326 : memref<16777216xf32, #tpu.memory_space<hbm>>) dst(%dma_wait3A_322 : memref<128xf32, #tpu.memory_space<vmem>>)
    %dma_wait3A_327 = arith.constant 640 : i32
    %dma_wait3A_328 = tpu.memref_slice %arg10[%dma_wait3A_327] : memref<4096xf32, #tpu.memory_space<vmem>> -> memref<128xf32, #tpu.memory_space<vmem>>
    %dma_wait3A_329 = arith.constant 640 : i32
    %dma_wait3A_330 = tpu.memref_slice %arg8[%dma_wait3A_329] : memref<4096xi32, #tpu.memory_space<vmem>> -> memref<128xi32, #tpu.memory_space<vmem>>
    %dma_wait3A_331 = arith.constant 0 : i32
    %dma_wait3A_332 = tpu.memref_slice %arg5[%dma_wait3A_331] : memref<16777216xf32, #tpu.memory_space<hbm>> -> memref<16777216xf32, #tpu.memory_space<hbm>>
    tpu.wait_indirect_dma semaphore(%arg17 : memref<!tpu.dma_semaphore, #tpu.memory_space<semaphore_mem>>) src(%dma_wait3A_332 : memref<16777216xf32, #tpu.memory_space<hbm>>) dst(%dma_wait3A_328 : memref<128xf32, #tpu.memory_space<vmem>>)
    %dma_wait3A_333 = arith.constant 768 : i32
    %dma_wait3A_334 = tpu.memref_slice %arg10[%dma_wait3A_333] : memref<4096xf32, #tpu.memory_space<vmem>> -> memref<128xf32, #tpu.memory_space<vmem>>
    %dma_wait3A_335 = arith.constant 768 : i32
    %dma_wait3A_336 = tpu.memref_slice %arg8[%dma_wait3A_335] : memref<4096xi32, #tpu.memory_space<vmem>> -> memref<128xi32, #tpu.memory_space<vmem>>
    %dma_wait3A_337 = arith.constant 0 : i32
    %dma_wait3A_338 = tpu.memref_slice %arg5[%dma_wait3A_337] : memref<16777216xf32, #tpu.memory_space<hbm>> -> memref<16777216xf32, #tpu.memory_space<hbm>>
    tpu.wait_indirect_dma semaphore(%arg17 : memref<!tpu.dma_semaphore, #tpu.memory_space<semaphore_mem>>) src(%dma_wait3A_338 : memref<16777216xf32, #tpu.memory_space<hbm>>) dst(%dma_wait3A_334 : memref<128xf32, #tpu.memory_space<vmem>>)
    %dma_wait3A_339 = arith.constant 896 : i32
    %dma_wait3A_340 = tpu.memref_slice %arg10[%dma_wait3A_339] : memref<4096xf32, #tpu.memory_space<vmem>> -> memref<128xf32, #tpu.memory_space<vmem>>
    %dma_wait3A_341 = arith.constant 896 : i32
    %dma_wait3A_342 = tpu.memref_slice %arg8[%dma_wait3A_341] : memref<4096xi32, #tpu.memory_space<vmem>> -> memref<128xi32, #tpu.memory_space<vmem>>
    %dma_wait3A_343 = arith.constant 0 : i32
    %dma_wait3A_344 = tpu.memref_slice %arg5[%dma_wait3A_343] : memref<16777216xf32, #tpu.memory_space<hbm>> -> memref<16777216xf32, #tpu.memory_space<hbm>>
    tpu.wait_indirect_dma semaphore(%arg17 : memref<!tpu.dma_semaphore, #tpu.memory_space<semaphore_mem>>) src(%dma_wait3A_344 : memref<16777216xf32, #tpu.memory_space<hbm>>) dst(%dma_wait3A_340 : memref<128xf32, #tpu.memory_space<vmem>>)
    %dma_wait3A_345 = arith.constant 1024 : i32
    %dma_wait3A_346 = tpu.memref_slice %arg10[%dma_wait3A_345] : memref<4096xf32, #tpu.memory_space<vmem>> -> memref<128xf32, #tpu.memory_space<vmem>>
    %dma_wait3A_347 = arith.constant 1024 : i32
    %dma_wait3A_348 = tpu.memref_slice %arg8[%dma_wait3A_347] : memref<4096xi32, #tpu.memory_space<vmem>> -> memref<128xi32, #tpu.memory_space<vmem>>
    %dma_wait3A_349 = arith.constant 0 : i32
    %dma_wait3A_350 = tpu.memref_slice %arg5[%dma_wait3A_349] : memref<16777216xf32, #tpu.memory_space<hbm>> -> memref<16777216xf32, #tpu.memory_space<hbm>>
    tpu.wait_indirect_dma semaphore(%arg17 : memref<!tpu.dma_semaphore, #tpu.memory_space<semaphore_mem>>) src(%dma_wait3A_350 : memref<16777216xf32, #tpu.memory_space<hbm>>) dst(%dma_wait3A_346 : memref<128xf32, #tpu.memory_space<vmem>>)
    %dma_wait3A_351 = arith.constant 1152 : i32
    %dma_wait3A_352 = tpu.memref_slice %arg10[%dma_wait3A_351] : memref<4096xf32, #tpu.memory_space<vmem>> -> memref<128xf32, #tpu.memory_space<vmem>>
    %dma_wait3A_353 = arith.constant 1152 : i32
    %dma_wait3A_354 = tpu.memref_slice %arg8[%dma_wait3A_353] : memref<4096xi32, #tpu.memory_space<vmem>> -> memref<128xi32, #tpu.memory_space<vmem>>
    %dma_wait3A_355 = arith.constant 0 : i32
    %dma_wait3A_356 = tpu.memref_slice %arg5[%dma_wait3A_355] : memref<16777216xf32, #tpu.memory_space<hbm>> -> memref<16777216xf32, #tpu.memory_space<hbm>>
    tpu.wait_indirect_dma semaphore(%arg17 : memref<!tpu.dma_semaphore, #tpu.memory_space<semaphore_mem>>) src(%dma_wait3A_356 : memref<16777216xf32, #tpu.memory_space<hbm>>) dst(%dma_wait3A_352 : memref<128xf32, #tpu.memory_space<vmem>>)
    %dma_wait3A_357 = arith.constant 1280 : i32
    %dma_wait3A_358 = tpu.memref_slice %arg10[%dma_wait3A_357] : memref<4096xf32, #tpu.memory_space<vmem>> -> memref<128xf32, #tpu.memory_space<vmem>>
    %dma_wait3A_359 = arith.constant 1280 : i32
    %dma_wait3A_360 = tpu.memref_slice %arg8[%dma_wait3A_359] : memref<4096xi32, #tpu.memory_space<vmem>> -> memref<128xi32, #tpu.memory_space<vmem>>
    %dma_wait3A_361 = arith.constant 0 : i32
    %dma_wait3A_362 = tpu.memref_slice %arg5[%dma_wait3A_361] : memref<16777216xf32, #tpu.memory_space<hbm>> -> memref<16777216xf32, #tpu.memory_space<hbm>>
    tpu.wait_indirect_dma semaphore(%arg17 : memref<!tpu.dma_semaphore, #tpu.memory_space<semaphore_mem>>) src(%dma_wait3A_362 : memref<16777216xf32, #tpu.memory_space<hbm>>) dst(%dma_wait3A_358 : memref<128xf32, #tpu.memory_space<vmem>>)
    %dma_wait3A_363 = arith.constant 1408 : i32
    %dma_wait3A_364 = tpu.memref_slice %arg10[%dma_wait3A_363] : memref<4096xf32, #tpu.memory_space<vmem>> -> memref<128xf32, #tpu.memory_space<vmem>>
    %dma_wait3A_365 = arith.constant 1408 : i32
    %dma_wait3A_366 = tpu.memref_slice %arg8[%dma_wait3A_365] : memref<4096xi32, #tpu.memory_space<vmem>> -> memref<128xi32, #tpu.memory_space<vmem>>
    %dma_wait3A_367 = arith.constant 0 : i32
    %dma_wait3A_368 = tpu.memref_slice %arg5[%dma_wait3A_367] : memref<16777216xf32, #tpu.memory_space<hbm>> -> memref<16777216xf32, #tpu.memory_space<hbm>>
    tpu.wait_indirect_dma semaphore(%arg17 : memref<!tpu.dma_semaphore, #tpu.memory_space<semaphore_mem>>) src(%dma_wait3A_368 : memref<16777216xf32, #tpu.memory_space<hbm>>) dst(%dma_wait3A_364 : memref<128xf32, #tpu.memory_space<vmem>>)
    %dma_wait3A_369 = arith.constant 1536 : i32
    %dma_wait3A_370 = tpu.memref_slice %arg10[%dma_wait3A_369] : memref<4096xf32, #tpu.memory_space<vmem>> -> memref<128xf32, #tpu.memory_space<vmem>>
    %dma_wait3A_371 = arith.constant 1536 : i32
    %dma_wait3A_372 = tpu.memref_slice %arg8[%dma_wait3A_371] : memref<4096xi32, #tpu.memory_space<vmem>> -> memref<128xi32, #tpu.memory_space<vmem>>
    %dma_wait3A_373 = arith.constant 0 : i32
    %dma_wait3A_374 = tpu.memref_slice %arg5[%dma_wait3A_373] : memref<16777216xf32, #tpu.memory_space<hbm>> -> memref<16777216xf32, #tpu.memory_space<hbm>>
    tpu.wait_indirect_dma semaphore(%arg17 : memref<!tpu.dma_semaphore, #tpu.memory_space<semaphore_mem>>) src(%dma_wait3A_374 : memref<16777216xf32, #tpu.memory_space<hbm>>) dst(%dma_wait3A_370 : memref<128xf32, #tpu.memory_space<vmem>>)
    %dma_wait3A_375 = arith.constant 1664 : i32
    %dma_wait3A_376 = tpu.memref_slice %arg10[%dma_wait3A_375] : memref<4096xf32, #tpu.memory_space<vmem>> -> memref<128xf32, #tpu.memory_space<vmem>>
    %dma_wait3A_377 = arith.constant 1664 : i32
    %dma_wait3A_378 = tpu.memref_slice %arg8[%dma_wait3A_377] : memref<4096xi32, #tpu.memory_space<vmem>> -> memref<128xi32, #tpu.memory_space<vmem>>
    %dma_wait3A_379 = arith.constant 0 : i32
    %dma_wait3A_380 = tpu.memref_slice %arg5[%dma_wait3A_379] : memref<16777216xf32, #tpu.memory_space<hbm>> -> memref<16777216xf32, #tpu.memory_space<hbm>>
    tpu.wait_indirect_dma semaphore(%arg17 : memref<!tpu.dma_semaphore, #tpu.memory_space<semaphore_mem>>) src(%dma_wait3A_380 : memref<16777216xf32, #tpu.memory_space<hbm>>) dst(%dma_wait3A_376 : memref<128xf32, #tpu.memory_space<vmem>>)
    %dma_wait3A_381 = arith.constant 1792 : i32
    %dma_wait3A_382 = tpu.memref_slice %arg10[%dma_wait3A_381] : memref<4096xf32, #tpu.memory_space<vmem>> -> memref<128xf32, #tpu.memory_space<vmem>>
    %dma_wait3A_383 = arith.constant 1792 : i32
    %dma_wait3A_384 = tpu.memref_slice %arg8[%dma_wait3A_383] : memref<4096xi32, #tpu.memory_space<vmem>> -> memref<128xi32, #tpu.memory_space<vmem>>
    %dma_wait3A_385 = arith.constant 0 : i32
    %dma_wait3A_386 = tpu.memref_slice %arg5[%dma_wait3A_385] : memref<16777216xf32, #tpu.memory_space<hbm>> -> memref<16777216xf32, #tpu.memory_space<hbm>>
    tpu.wait_indirect_dma semaphore(%arg17 : memref<!tpu.dma_semaphore, #tpu.memory_space<semaphore_mem>>) src(%dma_wait3A_386 : memref<16777216xf32, #tpu.memory_space<hbm>>) dst(%dma_wait3A_382 : memref<128xf32, #tpu.memory_space<vmem>>)
    %dma_wait3A_387 = arith.constant 1920 : i32
    %dma_wait3A_388 = tpu.memref_slice %arg10[%dma_wait3A_387] : memref<4096xf32, #tpu.memory_space<vmem>> -> memref<128xf32, #tpu.memory_space<vmem>>
    %dma_wait3A_389 = arith.constant 1920 : i32
    %dma_wait3A_390 = tpu.memref_slice %arg8[%dma_wait3A_389] : memref<4096xi32, #tpu.memory_space<vmem>> -> memref<128xi32, #tpu.memory_space<vmem>>
    %dma_wait3A_391 = arith.constant 0 : i32
    %dma_wait3A_392 = tpu.memref_slice %arg5[%dma_wait3A_391] : memref<16777216xf32, #tpu.memory_space<hbm>> -> memref<16777216xf32, #tpu.memory_space<hbm>>
    tpu.wait_indirect_dma semaphore(%arg17 : memref<!tpu.dma_semaphore, #tpu.memory_space<semaphore_mem>>) src(%dma_wait3A_392 : memref<16777216xf32, #tpu.memory_space<hbm>>) dst(%dma_wait3A_388 : memref<128xf32, #tpu.memory_space<vmem>>)
    %dma_wait3A_393 = arith.constant 2048 : i32
    %dma_wait3A_394 = tpu.memref_slice %arg10[%dma_wait3A_393] : memref<4096xf32, #tpu.memory_space<vmem>> -> memref<128xf32, #tpu.memory_space<vmem>>
    %dma_wait3A_395 = arith.constant 2048 : i32
    %dma_wait3A_396 = tpu.memref_slice %arg8[%dma_wait3A_395] : memref<4096xi32, #tpu.memory_space<vmem>> -> memref<128xi32, #tpu.memory_space<vmem>>
    %dma_wait3A_397 = arith.constant 0 : i32
    %dma_wait3A_398 = tpu.memref_slice %arg5[%dma_wait3A_397] : memref<16777216xf32, #tpu.memory_space<hbm>> -> memref<16777216xf32, #tpu.memory_space<hbm>>
    tpu.wait_indirect_dma semaphore(%arg17 : memref<!tpu.dma_semaphore, #tpu.memory_space<semaphore_mem>>) src(%dma_wait3A_398 : memref<16777216xf32, #tpu.memory_space<hbm>>) dst(%dma_wait3A_394 : memref<128xf32, #tpu.memory_space<vmem>>)
    %dma_wait3A_399 = arith.constant 2176 : i32
    %dma_wait3A_400 = tpu.memref_slice %arg10[%dma_wait3A_399] : memref<4096xf32, #tpu.memory_space<vmem>> -> memref<128xf32, #tpu.memory_space<vmem>>
    %dma_wait3A_401 = arith.constant 2176 : i32
    %dma_wait3A_402 = tpu.memref_slice %arg8[%dma_wait3A_401] : memref<4096xi32, #tpu.memory_space<vmem>> -> memref<128xi32, #tpu.memory_space<vmem>>
    %dma_wait3A_403 = arith.constant 0 : i32
    %dma_wait3A_404 = tpu.memref_slice %arg5[%dma_wait3A_403] : memref<16777216xf32, #tpu.memory_space<hbm>> -> memref<16777216xf32, #tpu.memory_space<hbm>>
    tpu.wait_indirect_dma semaphore(%arg17 : memref<!tpu.dma_semaphore, #tpu.memory_space<semaphore_mem>>) src(%dma_wait3A_404 : memref<16777216xf32, #tpu.memory_space<hbm>>) dst(%dma_wait3A_400 : memref<128xf32, #tpu.memory_space<vmem>>)
    %dma_wait3A_405 = arith.constant 2304 : i32
    %dma_wait3A_406 = tpu.memref_slice %arg10[%dma_wait3A_405] : memref<4096xf32, #tpu.memory_space<vmem>> -> memref<128xf32, #tpu.memory_space<vmem>>
    %dma_wait3A_407 = arith.constant 2304 : i32
    %dma_wait3A_408 = tpu.memref_slice %arg8[%dma_wait3A_407] : memref<4096xi32, #tpu.memory_space<vmem>> -> memref<128xi32, #tpu.memory_space<vmem>>
    %dma_wait3A_409 = arith.constant 0 : i32
    %dma_wait3A_410 = tpu.memref_slice %arg5[%dma_wait3A_409] : memref<16777216xf32, #tpu.memory_space<hbm>> -> memref<16777216xf32, #tpu.memory_space<hbm>>
    tpu.wait_indirect_dma semaphore(%arg17 : memref<!tpu.dma_semaphore, #tpu.memory_space<semaphore_mem>>) src(%dma_wait3A_410 : memref<16777216xf32, #tpu.memory_space<hbm>>) dst(%dma_wait3A_406 : memref<128xf32, #tpu.memory_space<vmem>>)
    %dma_wait3A_411 = arith.constant 2432 : i32
    %dma_wait3A_412 = tpu.memref_slice %arg10[%dma_wait3A_411] : memref<4096xf32, #tpu.memory_space<vmem>> -> memref<128xf32, #tpu.memory_space<vmem>>
    %dma_wait3A_413 = arith.constant 2432 : i32
    %dma_wait3A_414 = tpu.memref_slice %arg8[%dma_wait3A_413] : memref<4096xi32, #tpu.memory_space<vmem>> -> memref<128xi32, #tpu.memory_space<vmem>>
    %dma_wait3A_415 = arith.constant 0 : i32
    %dma_wait3A_416 = tpu.memref_slice %arg5[%dma_wait3A_415] : memref<16777216xf32, #tpu.memory_space<hbm>> -> memref<16777216xf32, #tpu.memory_space<hbm>>
    tpu.wait_indirect_dma semaphore(%arg17 : memref<!tpu.dma_semaphore, #tpu.memory_space<semaphore_mem>>) src(%dma_wait3A_416 : memref<16777216xf32, #tpu.memory_space<hbm>>) dst(%dma_wait3A_412 : memref<128xf32, #tpu.memory_space<vmem>>)
    %dma_wait3A_417 = arith.constant 2560 : i32
    %dma_wait3A_418 = tpu.memref_slice %arg10[%dma_wait3A_417] : memref<4096xf32, #tpu.memory_space<vmem>> -> memref<128xf32, #tpu.memory_space<vmem>>
    %dma_wait3A_419 = arith.constant 2560 : i32
    %dma_wait3A_420 = tpu.memref_slice %arg8[%dma_wait3A_419] : memref<4096xi32, #tpu.memory_space<vmem>> -> memref<128xi32, #tpu.memory_space<vmem>>
    %dma_wait3A_421 = arith.constant 0 : i32
    %dma_wait3A_422 = tpu.memref_slice %arg5[%dma_wait3A_421] : memref<16777216xf32, #tpu.memory_space<hbm>> -> memref<16777216xf32, #tpu.memory_space<hbm>>
    tpu.wait_indirect_dma semaphore(%arg17 : memref<!tpu.dma_semaphore, #tpu.memory_space<semaphore_mem>>) src(%dma_wait3A_422 : memref<16777216xf32, #tpu.memory_space<hbm>>) dst(%dma_wait3A_418 : memref<128xf32, #tpu.memory_space<vmem>>)
    %dma_wait3A_423 = arith.constant 2688 : i32
    %dma_wait3A_424 = tpu.memref_slice %arg10[%dma_wait3A_423] : memref<4096xf32, #tpu.memory_space<vmem>> -> memref<128xf32, #tpu.memory_space<vmem>>
    %dma_wait3A_425 = arith.constant 2688 : i32
    %dma_wait3A_426 = tpu.memref_slice %arg8[%dma_wait3A_425] : memref<4096xi32, #tpu.memory_space<vmem>> -> memref<128xi32, #tpu.memory_space<vmem>>
    %dma_wait3A_427 = arith.constant 0 : i32
    %dma_wait3A_428 = tpu.memref_slice %arg5[%dma_wait3A_427] : memref<16777216xf32, #tpu.memory_space<hbm>> -> memref<16777216xf32, #tpu.memory_space<hbm>>
    tpu.wait_indirect_dma semaphore(%arg17 : memref<!tpu.dma_semaphore, #tpu.memory_space<semaphore_mem>>) src(%dma_wait3A_428 : memref<16777216xf32, #tpu.memory_space<hbm>>) dst(%dma_wait3A_424 : memref<128xf32, #tpu.memory_space<vmem>>)
    %dma_wait3A_429 = arith.constant 2816 : i32
    %dma_wait3A_430 = tpu.memref_slice %arg10[%dma_wait3A_429] : memref<4096xf32, #tpu.memory_space<vmem>> -> memref<128xf32, #tpu.memory_space<vmem>>
    %dma_wait3A_431 = arith.constant 2816 : i32
    %dma_wait3A_432 = tpu.memref_slice %arg8[%dma_wait3A_431] : memref<4096xi32, #tpu.memory_space<vmem>> -> memref<128xi32, #tpu.memory_space<vmem>>
    %dma_wait3A_433 = arith.constant 0 : i32
    %dma_wait3A_434 = tpu.memref_slice %arg5[%dma_wait3A_433] : memref<16777216xf32, #tpu.memory_space<hbm>> -> memref<16777216xf32, #tpu.memory_space<hbm>>
    tpu.wait_indirect_dma semaphore(%arg17 : memref<!tpu.dma_semaphore, #tpu.memory_space<semaphore_mem>>) src(%dma_wait3A_434 : memref<16777216xf32, #tpu.memory_space<hbm>>) dst(%dma_wait3A_430 : memref<128xf32, #tpu.memory_space<vmem>>)
    %dma_wait3A_435 = arith.constant 2944 : i32
    %dma_wait3A_436 = tpu.memref_slice %arg10[%dma_wait3A_435] : memref<4096xf32, #tpu.memory_space<vmem>> -> memref<128xf32, #tpu.memory_space<vmem>>
    %dma_wait3A_437 = arith.constant 2944 : i32
    %dma_wait3A_438 = tpu.memref_slice %arg8[%dma_wait3A_437] : memref<4096xi32, #tpu.memory_space<vmem>> -> memref<128xi32, #tpu.memory_space<vmem>>
    %dma_wait3A_439 = arith.constant 0 : i32
    %dma_wait3A_440 = tpu.memref_slice %arg5[%dma_wait3A_439] : memref<16777216xf32, #tpu.memory_space<hbm>> -> memref<16777216xf32, #tpu.memory_space<hbm>>
    tpu.wait_indirect_dma semaphore(%arg17 : memref<!tpu.dma_semaphore, #tpu.memory_space<semaphore_mem>>) src(%dma_wait3A_440 : memref<16777216xf32, #tpu.memory_space<hbm>>) dst(%dma_wait3A_436 : memref<128xf32, #tpu.memory_space<vmem>>)
    %dma_wait3A_441 = arith.constant 3072 : i32
    %dma_wait3A_442 = tpu.memref_slice %arg10[%dma_wait3A_441] : memref<4096xf32, #tpu.memory_space<vmem>> -> memref<128xf32, #tpu.memory_space<vmem>>
    %dma_wait3A_443 = arith.constant 3072 : i32
    %dma_wait3A_444 = tpu.memref_slice %arg8[%dma_wait3A_443] : memref<4096xi32, #tpu.memory_space<vmem>> -> memref<128xi32, #tpu.memory_space<vmem>>
    %dma_wait3A_445 = arith.constant 0 : i32
    %dma_wait3A_446 = tpu.memref_slice %arg5[%dma_wait3A_445] : memref<16777216xf32, #tpu.memory_space<hbm>> -> memref<16777216xf32, #tpu.memory_space<hbm>>
    tpu.wait_indirect_dma semaphore(%arg17 : memref<!tpu.dma_semaphore, #tpu.memory_space<semaphore_mem>>) src(%dma_wait3A_446 : memref<16777216xf32, #tpu.memory_space<hbm>>) dst(%dma_wait3A_442 : memref<128xf32, #tpu.memory_space<vmem>>)
    %dma_wait3A_447 = arith.constant 3200 : i32
    %dma_wait3A_448 = tpu.memref_slice %arg10[%dma_wait3A_447] : memref<4096xf32, #tpu.memory_space<vmem>> -> memref<128xf32, #tpu.memory_space<vmem>>
    %dma_wait3A_449 = arith.constant 3200 : i32
    %dma_wait3A_450 = tpu.memref_slice %arg8[%dma_wait3A_449] : memref<4096xi32, #tpu.memory_space<vmem>> -> memref<128xi32, #tpu.memory_space<vmem>>
    %dma_wait3A_451 = arith.constant 0 : i32
    %dma_wait3A_452 = tpu.memref_slice %arg5[%dma_wait3A_451] : memref<16777216xf32, #tpu.memory_space<hbm>> -> memref<16777216xf32, #tpu.memory_space<hbm>>
    tpu.wait_indirect_dma semaphore(%arg17 : memref<!tpu.dma_semaphore, #tpu.memory_space<semaphore_mem>>) src(%dma_wait3A_452 : memref<16777216xf32, #tpu.memory_space<hbm>>) dst(%dma_wait3A_448 : memref<128xf32, #tpu.memory_space<vmem>>)
    %dma_wait3A_453 = arith.constant 3328 : i32
    %dma_wait3A_454 = tpu.memref_slice %arg10[%dma_wait3A_453] : memref<4096xf32, #tpu.memory_space<vmem>> -> memref<128xf32, #tpu.memory_space<vmem>>
    %dma_wait3A_455 = arith.constant 3328 : i32
    %dma_wait3A_456 = tpu.memref_slice %arg8[%dma_wait3A_455] : memref<4096xi32, #tpu.memory_space<vmem>> -> memref<128xi32, #tpu.memory_space<vmem>>
    %dma_wait3A_457 = arith.constant 0 : i32
    %dma_wait3A_458 = tpu.memref_slice %arg5[%dma_wait3A_457] : memref<16777216xf32, #tpu.memory_space<hbm>> -> memref<16777216xf32, #tpu.memory_space<hbm>>
    tpu.wait_indirect_dma semaphore(%arg17 : memref<!tpu.dma_semaphore, #tpu.memory_space<semaphore_mem>>) src(%dma_wait3A_458 : memref<16777216xf32, #tpu.memory_space<hbm>>) dst(%dma_wait3A_454 : memref<128xf32, #tpu.memory_space<vmem>>)
    %dma_wait3A_459 = arith.constant 3456 : i32
    %dma_wait3A_460 = tpu.memref_slice %arg10[%dma_wait3A_459] : memref<4096xf32, #tpu.memory_space<vmem>> -> memref<128xf32, #tpu.memory_space<vmem>>
    %dma_wait3A_461 = arith.constant 3456 : i32
    %dma_wait3A_462 = tpu.memref_slice %arg8[%dma_wait3A_461] : memref<4096xi32, #tpu.memory_space<vmem>> -> memref<128xi32, #tpu.memory_space<vmem>>
    %dma_wait3A_463 = arith.constant 0 : i32
    %dma_wait3A_464 = tpu.memref_slice %arg5[%dma_wait3A_463] : memref<16777216xf32, #tpu.memory_space<hbm>> -> memref<16777216xf32, #tpu.memory_space<hbm>>
    tpu.wait_indirect_dma semaphore(%arg17 : memref<!tpu.dma_semaphore, #tpu.memory_space<semaphore_mem>>) src(%dma_wait3A_464 : memref<16777216xf32, #tpu.memory_space<hbm>>) dst(%dma_wait3A_460 : memref<128xf32, #tpu.memory_space<vmem>>)
    %dma_wait3A_465 = arith.constant 3584 : i32
    %dma_wait3A_466 = tpu.memref_slice %arg10[%dma_wait3A_465] : memref<4096xf32, #tpu.memory_space<vmem>> -> memref<128xf32, #tpu.memory_space<vmem>>
    %dma_wait3A_467 = arith.constant 3584 : i32
    %dma_wait3A_468 = tpu.memref_slice %arg8[%dma_wait3A_467] : memref<4096xi32, #tpu.memory_space<vmem>> -> memref<128xi32, #tpu.memory_space<vmem>>
    %dma_wait3A_469 = arith.constant 0 : i32
    %dma_wait3A_470 = tpu.memref_slice %arg5[%dma_wait3A_469] : memref<16777216xf32, #tpu.memory_space<hbm>> -> memref<16777216xf32, #tpu.memory_space<hbm>>
    tpu.wait_indirect_dma semaphore(%arg17 : memref<!tpu.dma_semaphore, #tpu.memory_space<semaphore_mem>>) src(%dma_wait3A_470 : memref<16777216xf32, #tpu.memory_space<hbm>>) dst(%dma_wait3A_466 : memref<128xf32, #tpu.memory_space<vmem>>)
    %dma_wait3A_471 = arith.constant 3712 : i32
    %dma_wait3A_472 = tpu.memref_slice %arg10[%dma_wait3A_471] : memref<4096xf32, #tpu.memory_space<vmem>> -> memref<128xf32, #tpu.memory_space<vmem>>
    %dma_wait3A_473 = arith.constant 3712 : i32
    %dma_wait3A_474 = tpu.memref_slice %arg8[%dma_wait3A_473] : memref<4096xi32, #tpu.memory_space<vmem>> -> memref<128xi32, #tpu.memory_space<vmem>>
    %dma_wait3A_475 = arith.constant 0 : i32
    %dma_wait3A_476 = tpu.memref_slice %arg5[%dma_wait3A_475] : memref<16777216xf32, #tpu.memory_space<hbm>> -> memref<16777216xf32, #tpu.memory_space<hbm>>
    tpu.wait_indirect_dma semaphore(%arg17 : memref<!tpu.dma_semaphore, #tpu.memory_space<semaphore_mem>>) src(%dma_wait3A_476 : memref<16777216xf32, #tpu.memory_space<hbm>>) dst(%dma_wait3A_472 : memref<128xf32, #tpu.memory_space<vmem>>)
    %dma_wait3A_477 = arith.constant 3840 : i32
    %dma_wait3A_478 = tpu.memref_slice %arg10[%dma_wait3A_477] : memref<4096xf32, #tpu.memory_space<vmem>> -> memref<128xf32, #tpu.memory_space<vmem>>
    %dma_wait3A_479 = arith.constant 3840 : i32
    %dma_wait3A_480 = tpu.memref_slice %arg8[%dma_wait3A_479] : memref<4096xi32, #tpu.memory_space<vmem>> -> memref<128xi32, #tpu.memory_space<vmem>>
    %dma_wait3A_481 = arith.constant 0 : i32
    %dma_wait3A_482 = tpu.memref_slice %arg5[%dma_wait3A_481] : memref<16777216xf32, #tpu.memory_space<hbm>> -> memref<16777216xf32, #tpu.memory_space<hbm>>
    tpu.wait_indirect_dma semaphore(%arg17 : memref<!tpu.dma_semaphore, #tpu.memory_space<semaphore_mem>>) src(%dma_wait3A_482 : memref<16777216xf32, #tpu.memory_space<hbm>>) dst(%dma_wait3A_478 : memref<128xf32, #tpu.memory_space<vmem>>)
    %dma_wait3A_483 = arith.constant 3968 : i32
    %dma_wait3A_484 = tpu.memref_slice %arg10[%dma_wait3A_483] : memref<4096xf32, #tpu.memory_space<vmem>> -> memref<128xf32, #tpu.memory_space<vmem>>
    %dma_wait3A_485 = arith.constant 3968 : i32
    %dma_wait3A_486 = tpu.memref_slice %arg8[%dma_wait3A_485] : memref<4096xi32, #tpu.memory_space<vmem>> -> memref<128xi32, #tpu.memory_space<vmem>>
    %dma_wait3A_487 = arith.constant 0 : i32
    %dma_wait3A_488 = tpu.memref_slice %arg5[%dma_wait3A_487] : memref<16777216xf32, #tpu.memory_space<hbm>> -> memref<16777216xf32, #tpu.memory_space<hbm>>
    tpu.wait_indirect_dma semaphore(%arg17 : memref<!tpu.dma_semaphore, #tpu.memory_space<semaphore_mem>>) src(%dma_wait3A_488 : memref<16777216xf32, #tpu.memory_space<hbm>>) dst(%dma_wait3A_484 : memref<128xf32, #tpu.memory_space<vmem>>)
    %iota3A = tpu.iota {dimensions = array<i32: 0>} : vector<16xi32>
    %get3A = arith.constant 0 : index
    %get3A_489 = tpu.vector_load %arg10[%get3A] {strides = array<i32>} : memref<4096xf32, #tpu.memory_space<vmem>>, vector<16xf32>,
    %get3A_490 = arith.constant 16 : index
    %get3A_491 = tpu.vector_load %arg10[%get3A_490] {strides = array<i32>} : memref<4096xf32, #tpu.memory_space<vmem>>, vector<16xf32>,
    %add3A_492 = arith.addf %get3A_489, %get3A_491 : vector<16xf32>
    %get3A_493 = arith.constant 32 : index
    %get3A_494 = tpu.vector_load %arg10[%get3A_493] {strides = array<i32>} : memref<4096xf32, #tpu.memory_space<vmem>>, vector<16xf32>,
    %add3A_495 = arith.addf %add3A_492, %get3A_494 : vector<16xf32>
    %get3A_496 = arith.constant 48 : index
    %get3A_497 = tpu.vector_load %arg10[%get3A_496] {strides = array<i32>} : memref<4096xf32, #tpu.memory_space<vmem>>, vector<16xf32>,
    %add3A_498 = arith.addf %add3A_495, %get3A_497 : vector<16xf32>
    %get3A_499 = arith.constant 64 : index
    %get3A_500 = tpu.vector_load %arg10[%get3A_499] {strides = array<i32>} : memref<4096xf32, #tpu.memory_space<vmem>>, vector<16xf32>,
    %add3A_501 = arith.addf %add3A_498, %get3A_500 : vector<16xf32>
    %get3A_502 = arith.constant 80 : index
    %get3A_503 = tpu.vector_load %arg10[%get3A_502] {strides = array<i32>} : memref<4096xf32, #tpu.memory_space<vmem>>, vector<16xf32>,
    %add3A_504 = arith.addf %add3A_501, %get3A_503 : vector<16xf32>
    %get3A_505 = arith.constant 96 : index
    %get3A_506 = tpu.vector_load %arg10[%get3A_505] {strides = array<i32>} : memref<4096xf32, #tpu.memory_space<vmem>>, vector<16xf32>,
    %add3A_507 = arith.addf %add3A_504, %get3A_506 : vector<16xf32>
    %get3A_508 = arith.constant 112 : index
    %get3A_509 = tpu.vector_load %arg10[%get3A_508] {strides = array<i32>} : memref<4096xf32, #tpu.memory_space<vmem>>, vector<16xf32>,
    %add3A_510 = arith.addf %add3A_507, %get3A_509 : vector<16xf32>
    %get3A_511 = arith.constant 128 : index
    %get3A_512 = tpu.vector_load %arg10[%get3A_511] {strides = array<i32>} : memref<4096xf32, #tpu.memory_space<vmem>>, vector<16xf32>,
    %add3A_513 = arith.addf %add3A_510, %get3A_512 : vector<16xf32>
    %get3A_514 = arith.constant 144 : index
    %get3A_515 = tpu.vector_load %arg10[%get3A_514] {strides = array<i32>} : memref<4096xf32, #tpu.memory_space<vmem>>, vector<16xf32>,
    %add3A_516 = arith.addf %add3A_513, %get3A_515 : vector<16xf32>
    %get3A_517 = arith.constant 160 : index
    %get3A_518 = tpu.vector_load %arg10[%get3A_517] {strides = array<i32>} : memref<4096xf32, #tpu.memory_space<vmem>>, vector<16xf32>,
    %add3A_519 = arith.addf %add3A_516, %get3A_518 : vector<16xf32>
    %get3A_520 = arith.constant 176 : index
    %get3A_521 = tpu.vector_load %arg10[%get3A_520] {strides = array<i32>} : memref<4096xf32, #tpu.memory_space<vmem>>, vector<16xf32>,
    %add3A_522 = arith.addf %add3A_519, %get3A_521 : vector<16xf32>
    %get3A_523 = arith.constant 192 : index
    %get3A_524 = tpu.vector_load %arg10[%get3A_523] {strides = array<i32>} : memref<4096xf32, #tpu.memory_space<vmem>>, vector<16xf32>,
    %add3A_525 = arith.addf %add3A_522, %get3A_524 : vector<16xf32>
    %get3A_526 = arith.constant 208 : index
    %get3A_527 = tpu.vector_load %arg10[%get3A_526] {strides = array<i32>} : memref<4096xf32, #tpu.memory_space<vmem>>, vector<16xf32>,
    %add3A_528 = arith.addf %add3A_525, %get3A_527 : vector<16xf32>
    %get3A_529 = arith.constant 224 : index
    %get3A_530 = tpu.vector_load %arg10[%get3A_529] {strides = array<i32>} : memref<4096xf32, #tpu.memory_space<vmem>>, vector<16xf32>,
    %add3A_531 = arith.addf %add3A_528, %get3A_530 : vector<16xf32>
    %get3A_532 = arith.constant 240 : index
    %get3A_533 = tpu.vector_load %arg10[%get3A_532] {strides = array<i32>} : memref<4096xf32, #tpu.memory_space<vmem>>, vector<16xf32>,
    %add3A_534 = arith.addf %add3A_531, %get3A_533 : vector<16xf32>
    %get3A_535 = arith.constant 256 : index
    %get3A_536 = tpu.vector_load %arg10[%get3A_535] {strides = array<i32>} : memref<4096xf32, #tpu.memory_space<vmem>>, vector<16xf32>,
    %get3A_537 = arith.constant 272 : index
    %get3A_538 = tpu.vector_load %arg10[%get3A_537] {strides = array<i32>} : memref<4096xf32, #tpu.memory_space<vmem>>, vector<16xf32>,
    %add3A_539 = arith.addf %get3A_536, %get3A_538 : vector<16xf32>
    %get3A_540 = arith.constant 288 : index
    %get3A_541 = tpu.vector_load %arg10[%get3A_540] {strides = array<i32>} : memref<4096xf32, #tpu.memory_space<vmem>>, vector<16xf32>,
    %add3A_542 = arith.addf %add3A_539, %get3A_541 : vector<16xf32>
    %get3A_543 = arith.constant 304 : index
    %get3A_544 = tpu.vector_load %arg10[%get3A_543] {strides = array<i32>} : memref<4096xf32, #tpu.memory_space<vmem>>, vector<16xf32>,
    %add3A_545 = arith.addf %add3A_542, %get3A_544 : vector<16xf32>
    %get3A_546 = arith.constant 320 : index
    %get3A_547 = tpu.vector_load %arg10[%get3A_546] {strides = array<i32>} : memref<4096xf32, #tpu.memory_space<vmem>>, vector<16xf32>,
    %add3A_548 = arith.addf %add3A_545, %get3A_547 : vector<16xf32>
    %get3A_549 = arith.constant 336 : index
    %get3A_550 = tpu.vector_load %arg10[%get3A_549] {strides = array<i32>} : memref<4096xf32, #tpu.memory_space<vmem>>, vector<16xf32>,
    %add3A_551 = arith.addf %add3A_548, %get3A_550 : vector<16xf32>
    %get3A_552 = arith.constant 352 : index
    %get3A_553 = tpu.vector_load %arg10[%get3A_552] {strides = array<i32>} : memref<4096xf32, #tpu.memory_space<vmem>>, vector<16xf32>,
    %add3A_554 = arith.addf %add3A_551, %get3A_553 : vector<16xf32>
    %get3A_555 = arith.constant 368 : index
    %get3A_556 = tpu.vector_load %arg10[%get3A_555] {strides = array<i32>} : memref<4096xf32, #tpu.memory_space<vmem>>, vector<16xf32>,
    %add3A_557 = arith.addf %add3A_554, %get3A_556 : vector<16xf32>
    %get3A_558 = arith.constant 384 : index
    %get3A_559 = tpu.vector_load %arg10[%get3A_558] {strides = array<i32>} : memref<4096xf32, #tpu.memory_space<vmem>>, vector<16xf32>,
    %add3A_560 = arith.addf %add3A_557, %get3A_559 : vector<16xf32>
    %get3A_561 = arith.constant 400 : index
    %get3A_562 = tpu.vector_load %arg10[%get3A_561] {strides = array<i32>} : memref<4096xf32, #tpu.memory_space<vmem>>, vector<16xf32>,
    %add3A_563 = arith.addf %add3A_560, %get3A_562 : vector<16xf32>
    %get3A_564 = arith.constant 416 : index
    %get3A_565 = tpu.vector_load %arg10[%get3A_564] {strides = array<i32>} : memref<4096xf32, #tpu.memory_space<vmem>>, vector<16xf32>,
    %add3A_566 = arith.addf %add3A_563, %get3A_565 : vector<16xf32>
    %get3A_567 = arith.constant 432 : index
    %get3A_568 = tpu.vector_load %arg10[%get3A_567] {strides = array<i32>} : memref<4096xf32, #tpu.memory_space<vmem>>, vector<16xf32>,
    %add3A_569 = arith.addf %add3A_566, %get3A_568 : vector<16xf32>
    %get3A_570 = arith.constant 448 : index
    %get3A_571 = tpu.vector_load %arg10[%get3A_570] {strides = array<i32>} : memref<4096xf32, #tpu.memory_space<vmem>>, vector<16xf32>,
    %add3A_572 = arith.addf %add3A_569, %get3A_571 : vector<16xf32>
    %get3A_573 = arith.constant 464 : index
    %get3A_574 = tpu.vector_load %arg10[%get3A_573] {strides = array<i32>} : memref<4096xf32, #tpu.memory_space<vmem>>, vector<16xf32>,
    %add3A_575 = arith.addf %add3A_572, %get3A_574 : vector<16xf32>
    %get3A_576 = arith.constant 480 : index
    %get3A_577 = tpu.vector_load %arg10[%get3A_576] {strides = array<i32>} : memref<4096xf32, #tpu.memory_space<vmem>>, vector<16xf32>,
    %add3A_578 = arith.addf %add3A_575, %get3A_577 : vector<16xf32>
    %get3A_579 = arith.constant 496 : index
    %get3A_580 = tpu.vector_load %arg10[%get3A_579] {strides = array<i32>} : memref<4096xf32, #tpu.memory_space<vmem>>, vector<16xf32>,
    %add3A_581 = arith.addf %add3A_578, %get3A_580 : vector<16xf32>
    %get3A_582 = arith.constant 512 : index
    %get3A_583 = tpu.vector_load %arg10[%get3A_582] {strides = array<i32>} : memref<4096xf32, #tpu.memory_space<vmem>>, vector<16xf32>,
    %get3A_584 = arith.constant 528 : index
    %get3A_585 = tpu.vector_load %arg10[%get3A_584] {strides = array<i32>} : memref<4096xf32, #tpu.memory_space<vmem>>, vector<16xf32>,
    %add3A_586 = arith.addf %get3A_583, %get3A_585 : vector<16xf32>
    %get3A_587 = arith.constant 544 : index
    %get3A_588 = tpu.vector_load %arg10[%get3A_587] {strides = array<i32>} : memref<4096xf32, #tpu.memory_space<vmem>>, vector<16xf32>,
    %add3A_589 = arith.addf %add3A_586, %get3A_588 : vector<16xf32>
    %get3A_590 = arith.constant 560 : index
    %get3A_591 = tpu.vector_load %arg10[%get3A_590] {strides = array<i32>} : memref<4096xf32, #tpu.memory_space<vmem>>, vector<16xf32>,
    %add3A_592 = arith.addf %add3A_589, %get3A_591 : vector<16xf32>
    %get3A_593 = arith.constant 576 : index
    %get3A_594 = tpu.vector_load %arg10[%get3A_593] {strides = array<i32>} : memref<4096xf32, #tpu.memory_space<vmem>>, vector<16xf32>,
    %add3A_595 = arith.addf %add3A_592, %get3A_594 : vector<16xf32>
    %get3A_596 = arith.constant 592 : index
    %get3A_597 = tpu.vector_load %arg10[%get3A_596] {strides = array<i32>} : memref<4096xf32, #tpu.memory_space<vmem>>, vector<16xf32>,
    %add3A_598 = arith.addf %add3A_595, %get3A_597 : vector<16xf32>
    %get3A_599 = arith.constant 608 : index
    %get3A_600 = tpu.vector_load %arg10[%get3A_599] {strides = array<i32>} : memref<4096xf32, #tpu.memory_space<vmem>>, vector<16xf32>,
    %add3A_601 = arith.addf %add3A_598, %get3A_600 : vector<16xf32>
    %get3A_602 = arith.constant 624 : index
    %get3A_603 = tpu.vector_load %arg10[%get3A_602] {strides = array<i32>} : memref<4096xf32, #tpu.memory_space<vmem>>, vector<16xf32>,
    %add3A_604 = arith.addf %add3A_601, %get3A_603 : vector<16xf32>
    %get3A_605 = arith.constant 640 : index
    %get3A_606 = tpu.vector_load %arg10[%get3A_605] {strides = array<i32>} : memref<4096xf32, #tpu.memory_space<vmem>>, vector<16xf32>,
    %add3A_607 = arith.addf %add3A_604, %get3A_606 : vector<16xf32>
    %get3A_608 = arith.constant 656 : index
    %get3A_609 = tpu.vector_load %arg10[%get3A_608] {strides = array<i32>} : memref<4096xf32, #tpu.memory_space<vmem>>, vector<16xf32>,
    %add3A_610 = arith.addf %add3A_607, %get3A_609 : vector<16xf32>
    %get3A_611 = arith.constant 672 : index
    %get3A_612 = tpu.vector_load %arg10[%get3A_611] {strides = array<i32>} : memref<4096xf32, #tpu.memory_space<vmem>>, vector<16xf32>,
    %add3A_613 = arith.addf %add3A_610, %get3A_612 : vector<16xf32>
    %get3A_614 = arith.constant 688 : index
    %get3A_615 = tpu.vector_load %arg10[%get3A_614] {strides = array<i32>} : memref<4096xf32, #tpu.memory_space<vmem>>, vector<16xf32>,
    %add3A_616 = arith.addf %add3A_613, %get3A_615 : vector<16xf32>
    %get3A_617 = arith.constant 704 : index
    %get3A_618 = tpu.vector_load %arg10[%get3A_617] {strides = array<i32>} : memref<4096xf32, #tpu.memory_space<vmem>>, vector<16xf32>,
    %add3A_619 = arith.addf %add3A_616, %get3A_618 : vector<16xf32>
    %get3A_620 = arith.constant 720 : index
    %get3A_621 = tpu.vector_load %arg10[%get3A_620] {strides = array<i32>} : memref<4096xf32, #tpu.memory_space<vmem>>, vector<16xf32>,
    %add3A_622 = arith.addf %add3A_619, %get3A_621 : vector<16xf32>
    %get3A_623 = arith.constant 736 : index
    %get3A_624 = tpu.vector_load %arg10[%get3A_623] {strides = array<i32>} : memref<4096xf32, #tpu.memory_space<vmem>>, vector<16xf32>,
    %add3A_625 = arith.addf %add3A_622, %get3A_624 : vector<16xf32>
    %get3A_626 = arith.constant 752 : index
    %get3A_627 = tpu.vector_load %arg10[%get3A_626] {strides = array<i32>} : memref<4096xf32, #tpu.memory_space<vmem>>, vector<16xf32>,
    %add3A_628 = arith.addf %add3A_625, %get3A_627 : vector<16xf32>
    %get3A_629 = arith.constant 768 : index
    %get3A_630 = tpu.vector_load %arg10[%get3A_629] {strides = array<i32>} : memref<4096xf32, #tpu.memory_space<vmem>>, vector<16xf32>,
    %get3A_631 = arith.constant 784 : index
    %get3A_632 = tpu.vector_load %arg10[%get3A_631] {strides = array<i32>} : memref<4096xf32, #tpu.memory_space<vmem>>, vector<16xf32>,
    %add3A_633 = arith.addf %get3A_630, %get3A_632 : vector<16xf32>
    %get3A_634 = arith.constant 800 : index
    %get3A_635 = tpu.vector_load %arg10[%get3A_634] {strides = array<i32>} : memref<4096xf32, #tpu.memory_space<vmem>>, vector<16xf32>,
    %add3A_636 = arith.addf %add3A_633, %get3A_635 : vector<16xf32>
    %get3A_637 = arith.constant 816 : index
    %get3A_638 = tpu.vector_load %arg10[%get3A_637] {strides = array<i32>} : memref<4096xf32, #tpu.memory_space<vmem>>, vector<16xf32>,
    %add3A_639 = arith.addf %add3A_636, %get3A_638 : vector<16xf32>
    %get3A_640 = arith.constant 832 : index
    %get3A_641 = tpu.vector_load %arg10[%get3A_640] {strides = array<i32>} : memref<4096xf32, #tpu.memory_space<vmem>>, vector<16xf32>,
    %add3A_642 = arith.addf %add3A_639, %get3A_641 : vector<16xf32>
    %get3A_643 = arith.constant 848 : index
    %get3A_644 = tpu.vector_load %arg10[%get3A_643] {strides = array<i32>} : memref<4096xf32, #tpu.memory_space<vmem>>, vector<16xf32>,
    %add3A_645 = arith.addf %add3A_642, %get3A_644 : vector<16xf32>
    %get3A_646 = arith.constant 864 : index
    %get3A_647 = tpu.vector_load %arg10[%get3A_646] {strides = array<i32>} : memref<4096xf32, #tpu.memory_space<vmem>>, vector<16xf32>,
    %add3A_648 = arith.addf %add3A_645, %get3A_647 : vector<16xf32>
    %get3A_649 = arith.constant 880 : index
    %get3A_650 = tpu.vector_load %arg10[%get3A_649] {strides = array<i32>} : memref<4096xf32, #tpu.memory_space<vmem>>, vector<16xf32>,
    %add3A_651 = arith.addf %add3A_648, %get3A_650 : vector<16xf32>
    %get3A_652 = arith.constant 896 : index
    %get3A_653 = tpu.vector_load %arg10[%get3A_652] {strides = array<i32>} : memref<4096xf32, #tpu.memory_space<vmem>>, vector<16xf32>,
    %add3A_654 = arith.addf %add3A_651, %get3A_653 : vector<16xf32>
    %get3A_655 = arith.constant 912 : index
    %get3A_656 = tpu.vector_load %arg10[%get3A_655] {strides = array<i32>} : memref<4096xf32, #tpu.memory_space<vmem>>, vector<16xf32>,
    %add3A_657 = arith.addf %add3A_654, %get3A_656 : vector<16xf32>
    %get3A_658 = arith.constant 928 : index
    %get3A_659 = tpu.vector_load %arg10[%get3A_658] {strides = array<i32>} : memref<4096xf32, #tpu.memory_space<vmem>>, vector<16xf32>,
    %add3A_660 = arith.addf %add3A_657, %get3A_659 : vector<16xf32>
    %get3A_661 = arith.constant 944 : index
    %get3A_662 = tpu.vector_load %arg10[%get3A_661] {strides = array<i32>} : memref<4096xf32, #tpu.memory_space<vmem>>, vector<16xf32>,
    %add3A_663 = arith.addf %add3A_660, %get3A_662 : vector<16xf32>
    %get3A_664 = arith.constant 960 : index
    %get3A_665 = tpu.vector_load %arg10[%get3A_664] {strides = array<i32>} : memref<4096xf32, #tpu.memory_space<vmem>>, vector<16xf32>,
    %add3A_666 = arith.addf %add3A_663, %get3A_665 : vector<16xf32>
    %get3A_667 = arith.constant 976 : index
    %get3A_668 = tpu.vector_load %arg10[%get3A_667] {strides = array<i32>} : memref<4096xf32, #tpu.memory_space<vmem>>, vector<16xf32>,
    %add3A_669 = arith.addf %add3A_666, %get3A_668 : vector<16xf32>
    %get3A_670 = arith.constant 992 : index
    %get3A_671 = tpu.vector_load %arg10[%get3A_670] {strides = array<i32>} : memref<4096xf32, #tpu.memory_space<vmem>>, vector<16xf32>,
    %add3A_672 = arith.addf %add3A_669, %get3A_671 : vector<16xf32>
    %get3A_673 = arith.constant 1008 : index
    %get3A_674 = tpu.vector_load %arg10[%get3A_673] {strides = array<i32>} : memref<4096xf32, #tpu.memory_space<vmem>>, vector<16xf32>,
    %add3A_675 = arith.addf %add3A_672, %get3A_674 : vector<16xf32>
    %get3A_676 = arith.constant 1024 : index
    %get3A_677 = tpu.vector_load %arg10[%get3A_676] {strides = array<i32>} : memref<4096xf32, #tpu.memory_space<vmem>>, vector<16xf32>,
    %get3A_678 = arith.constant 1040 : index
    %get3A_679 = tpu.vector_load %arg10[%get3A_678] {strides = array<i32>} : memref<4096xf32, #tpu.memory_space<vmem>>, vector<16xf32>,
    %add3A_680 = arith.addf %get3A_677, %get3A_679 : vector<16xf32>
    %get3A_681 = arith.constant 1056 : index
    %get3A_682 = tpu.vector_load %arg10[%get3A_681] {strides = array<i32>} : memref<4096xf32, #tpu.memory_space<vmem>>, vector<16xf32>,
    %add3A_683 = arith.addf %add3A_680, %get3A_682 : vector<16xf32>
    %get3A_684 = arith.constant 1072 : index
    %get3A_685 = tpu.vector_load %arg10[%get3A_684] {strides = array<i32>} : memref<4096xf32, #tpu.memory_space<vmem>>, vector<16xf32>,
    %add3A_686 = arith.addf %add3A_683, %get3A_685 : vector<16xf32>
    %get3A_687 = arith.constant 1088 : index
    %get3A_688 = tpu.vector_load %arg10[%get3A_687] {strides = array<i32>} : memref<4096xf32, #tpu.memory_space<vmem>>, vector<16xf32>,
    %add3A_689 = arith.addf %add3A_686, %get3A_688 : vector<16xf32>
    %get3A_690 = arith.constant 1104 : index
    %get3A_691 = tpu.vector_load %arg10[%get3A_690] {strides = array<i32>} : memref<4096xf32, #tpu.memory_space<vmem>>, vector<16xf32>,
    %add3A_692 = arith.addf %add3A_689, %get3A_691 : vector<16xf32>
    %get3A_693 = arith.constant 1120 : index
    %get3A_694 = tpu.vector_load %arg10[%get3A_693] {strides = array<i32>} : memref<4096xf32, #tpu.memory_space<vmem>>, vector<16xf32>,
    %add3A_695 = arith.addf %add3A_692, %get3A_694 : vector<16xf32>
    %get3A_696 = arith.constant 1136 : index
    %get3A_697 = tpu.vector_load %arg10[%get3A_696] {strides = array<i32>} : memref<4096xf32, #tpu.memory_space<vmem>>, vector<16xf32>,
    %add3A_698 = arith.addf %add3A_695, %get3A_697 : vector<16xf32>
    %get3A_699 = arith.constant 1152 : index
    %get3A_700 = tpu.vector_load %arg10[%get3A_699] {strides = array<i32>} : memref<4096xf32, #tpu.memory_space<vmem>>, vector<16xf32>,
    %add3A_701 = arith.addf %add3A_698, %get3A_700 : vector<16xf32>
    %get3A_702 = arith.constant 1168 : index
    %get3A_703 = tpu.vector_load %arg10[%get3A_702] {strides = array<i32>} : memref<4096xf32, #tpu.memory_space<vmem>>, vector<16xf32>,
    %add3A_704 = arith.addf %add3A_701, %get3A_703 : vector<16xf32>
    %get3A_705 = arith.constant 1184 : index
    %get3A_706 = tpu.vector_load %arg10[%get3A_705] {strides = array<i32>} : memref<4096xf32, #tpu.memory_space<vmem>>, vector<16xf32>,
    %add3A_707 = arith.addf %add3A_704, %get3A_706 : vector<16xf32>
    %get3A_708 = arith.constant 1200 : index
    %get3A_709 = tpu.vector_load %arg10[%get3A_708] {strides = array<i32>} : memref<4096xf32, #tpu.memory_space<vmem>>, vector<16xf32>,
    %add3A_710 = arith.addf %add3A_707, %get3A_709 : vector<16xf32>
    %get3A_711 = arith.constant 1216 : index
    %get3A_712 = tpu.vector_load %arg10[%get3A_711] {strides = array<i32>} : memref<4096xf32, #tpu.memory_space<vmem>>, vector<16xf32>,
    %add3A_713 = arith.addf %add3A_710, %get3A_712 : vector<16xf32>
    %get3A_714 = arith.constant 1232 : index
    %get3A_715 = tpu.vector_load %arg10[%get3A_714] {strides = array<i32>} : memref<4096xf32, #tpu.memory_space<vmem>>, vector<16xf32>,
    %add3A_716 = arith.addf %add3A_713, %get3A_715 : vector<16xf32>
    %get3A_717 = arith.constant 1248 : index
    %get3A_718 = tpu.vector_load %arg10[%get3A_717] {strides = array<i32>} : memref<4096xf32, #tpu.memory_space<vmem>>, vector<16xf32>,
    %add3A_719 = arith.addf %add3A_716, %get3A_718 : vector<16xf32>
    %get3A_720 = arith.constant 1264 : index
    %get3A_721 = tpu.vector_load %arg10[%get3A_720] {strides = array<i32>} : memref<4096xf32, #tpu.memory_space<vmem>>, vector<16xf32>,
    %add3A_722 = arith.addf %add3A_719, %get3A_721 : vector<16xf32>
    %get3A_723 = arith.constant 1280 : index
    %get3A_724 = tpu.vector_load %arg10[%get3A_723] {strides = array<i32>} : memref<4096xf32, #tpu.memory_space<vmem>>, vector<16xf32>,
    %get3A_725 = arith.constant 1296 : index
    %get3A_726 = tpu.vector_load %arg10[%get3A_725] {strides = array<i32>} : memref<4096xf32, #tpu.memory_space<vmem>>, vector<16xf32>,
    %add3A_727 = arith.addf %get3A_724, %get3A_726 : vector<16xf32>
    %get3A_728 = arith.constant 1312 : index
    %get3A_729 = tpu.vector_load %arg10[%get3A_728] {strides = array<i32>} : memref<4096xf32, #tpu.memory_space<vmem>>, vector<16xf32>,
    %add3A_730 = arith.addf %add3A_727, %get3A_729 : vector<16xf32>
    %get3A_731 = arith.constant 1328 : index
    %get3A_732 = tpu.vector_load %arg10[%get3A_731] {strides = array<i32>} : memref<4096xf32, #tpu.memory_space<vmem>>, vector<16xf32>,
    %add3A_733 = arith.addf %add3A_730, %get3A_732 : vector<16xf32>
    %get3A_734 = arith.constant 1344 : index
    %get3A_735 = tpu.vector_load %arg10[%get3A_734] {strides = array<i32>} : memref<4096xf32, #tpu.memory_space<vmem>>, vector<16xf32>,
    %add3A_736 = arith.addf %add3A_733, %get3A_735 : vector<16xf32>
    %get3A_737 = arith.constant 1360 : index
    %get3A_738 = tpu.vector_load %arg10[%get3A_737] {strides = array<i32>} : memref<4096xf32, #tpu.memory_space<vmem>>, vector<16xf32>,
    %add3A_739 = arith.addf %add3A_736, %get3A_738 : vector<16xf32>
    %get3A_740 = arith.constant 1376 : index
    %get3A_741 = tpu.vector_load %arg10[%get3A_740] {strides = array<i32>} : memref<4096xf32, #tpu.memory_space<vmem>>, vector<16xf32>,
    %add3A_742 = arith.addf %add3A_739, %get3A_741 : vector<16xf32>
    %get3A_743 = arith.constant 1392 : index
    %get3A_744 = tpu.vector_load %arg10[%get3A_743] {strides = array<i32>} : memref<4096xf32, #tpu.memory_space<vmem>>, vector<16xf32>,
    %add3A_745 = arith.addf %add3A_742, %get3A_744 : vector<16xf32>
    %get3A_746 = arith.constant 1408 : index
    %get3A_747 = tpu.vector_load %arg10[%get3A_746] {strides = array<i32>} : memref<4096xf32, #tpu.memory_space<vmem>>, vector<16xf32>,
    %add3A_748 = arith.addf %add3A_745, %get3A_747 : vector<16xf32>
    %get3A_749 = arith.constant 1424 : index
    %get3A_750 = tpu.vector_load %arg10[%get3A_749] {strides = array<i32>} : memref<4096xf32, #tpu.memory_space<vmem>>, vector<16xf32>,
    %add3A_751 = arith.addf %add3A_748, %get3A_750 : vector<16xf32>
    %get3A_752 = arith.constant 1440 : index
    %get3A_753 = tpu.vector_load %arg10[%get3A_752] {strides = array<i32>} : memref<4096xf32, #tpu.memory_space<vmem>>, vector<16xf32>,
    %add3A_754 = arith.addf %add3A_751, %get3A_753 : vector<16xf32>
    %get3A_755 = arith.constant 1456 : index
    %get3A_756 = tpu.vector_load %arg10[%get3A_755] {strides = array<i32>} : memref<4096xf32, #tpu.memory_space<vmem>>, vector<16xf32>,
    %add3A_757 = arith.addf %add3A_754, %get3A_756 : vector<16xf32>
    %get3A_758 = arith.constant 1472 : index
    %get3A_759 = tpu.vector_load %arg10[%get3A_758] {strides = array<i32>} : memref<4096xf32, #tpu.memory_space<vmem>>, vector<16xf32>,
    %add3A_760 = arith.addf %add3A_757, %get3A_759 : vector<16xf32>
    %get3A_761 = arith.constant 1488 : index
    %get3A_762 = tpu.vector_load %arg10[%get3A_761] {strides = array<i32>} : memref<4096xf32, #tpu.memory_space<vmem>>, vector<16xf32>,
    %add3A_763 = arith.addf %add3A_760, %get3A_762 : vector<16xf32>
    %get3A_764 = arith.constant 1504 : index
    %get3A_765 = tpu.vector_load %arg10[%get3A_764] {strides = array<i32>} : memref<4096xf32, #tpu.memory_space<vmem>>, vector<16xf32>,
    %add3A_766 = arith.addf %add3A_763, %get3A_765 : vector<16xf32>
    %get3A_767 = arith.constant 1520 : index
    %get3A_768 = tpu.vector_load %arg10[%get3A_767] {strides = array<i32>} : memref<4096xf32, #tpu.memory_space<vmem>>, vector<16xf32>,
    %add3A_769 = arith.addf %add3A_766, %get3A_768 : vector<16xf32>
    %get3A_770 = arith.constant 1536 : index
    %get3A_771 = tpu.vector_load %arg10[%get3A_770] {strides = array<i32>} : memref<4096xf32, #tpu.memory_space<vmem>>, vector<16xf32>,
    %get3A_772 = arith.constant 1552 : index
    %get3A_773 = tpu.vector_load %arg10[%get3A_772] {strides = array<i32>} : memref<4096xf32, #tpu.memory_space<vmem>>, vector<16xf32>,
    %add3A_774 = arith.addf %get3A_771, %get3A_773 : vector<16xf32>
    %get3A_775 = arith.constant 1568 : index
    %get3A_776 = tpu.vector_load %arg10[%get3A_775] {strides = array<i32>} : memref<4096xf32, #tpu.memory_space<vmem>>, vector<16xf32>,
    %add3A_777 = arith.addf %add3A_774, %get3A_776 : vector<16xf32>
    %get3A_778 = arith.constant 1584 : index
    %get3A_779 = tpu.vector_load %arg10[%get3A_778] {strides = array<i32>} : memref<4096xf32, #tpu.memory_space<vmem>>, vector<16xf32>,
    %add3A_780 = arith.addf %add3A_777, %get3A_779 : vector<16xf32>
    %get3A_781 = arith.constant 1600 : index
    %get3A_782 = tpu.vector_load %arg10[%get3A_781] {strides = array<i32>} : memref<4096xf32, #tpu.memory_space<vmem>>, vector<16xf32>,
    %add3A_783 = arith.addf %add3A_780, %get3A_782 : vector<16xf32>
    %get3A_784 = arith.constant 1616 : index
    %get3A_785 = tpu.vector_load %arg10[%get3A_784] {strides = array<i32>} : memref<4096xf32, #tpu.memory_space<vmem>>, vector<16xf32>,
    %add3A_786 = arith.addf %add3A_783, %get3A_785 : vector<16xf32>
    %get3A_787 = arith.constant 1632 : index
    %get3A_788 = tpu.vector_load %arg10[%get3A_787] {strides = array<i32>} : memref<4096xf32, #tpu.memory_space<vmem>>, vector<16xf32>,
    %add3A_789 = arith.addf %add3A_786, %get3A_788 : vector<16xf32>
    %get3A_790 = arith.constant 1648 : index
    %get3A_791 = tpu.vector_load %arg10[%get3A_790] {strides = array<i32>} : memref<4096xf32, #tpu.memory_space<vmem>>, vector<16xf32>,
    %add3A_792 = arith.addf %add3A_789, %get3A_791 : vector<16xf32>
    %get3A_793 = arith.constant 1664 : index
    %get3A_794 = tpu.vector_load %arg10[%get3A_793] {strides = array<i32>} : memref<4096xf32, #tpu.memory_space<vmem>>, vector<16xf32>,
    %add3A_795 = arith.addf %add3A_792, %get3A_794 : vector<16xf32>
    %get3A_796 = arith.constant 1680 : index
    %get3A_797 = tpu.vector_load %arg10[%get3A_796] {strides = array<i32>} : memref<4096xf32, #tpu.memory_space<vmem>>, vector<16xf32>,
    %add3A_798 = arith.addf %add3A_795, %get3A_797 : vector<16xf32>
    %get3A_799 = arith.constant 1696 : index
    %get3A_800 = tpu.vector_load %arg10[%get3A_799] {strides = array<i32>} : memref<4096xf32, #tpu.memory_space<vmem>>, vector<16xf32>,
    %add3A_801 = arith.addf %add3A_798, %get3A_800 : vector<16xf32>
    %get3A_802 = arith.constant 1712 : index
    %get3A_803 = tpu.vector_load %arg10[%get3A_802] {strides = array<i32>} : memref<4096xf32, #tpu.memory_space<vmem>>, vector<16xf32>,
    %add3A_804 = arith.addf %add3A_801, %get3A_803 : vector<16xf32>
    %get3A_805 = arith.constant 1728 : index
    %get3A_806 = tpu.vector_load %arg10[%get3A_805] {strides = array<i32>} : memref<4096xf32, #tpu.memory_space<vmem>>, vector<16xf32>,
    %add3A_807 = arith.addf %add3A_804, %get3A_806 : vector<16xf32>
    %get3A_808 = arith.constant 1744 : index
    %get3A_809 = tpu.vector_load %arg10[%get3A_808] {strides = array<i32>} : memref<4096xf32, #tpu.memory_space<vmem>>, vector<16xf32>,
    %add3A_810 = arith.addf %add3A_807, %get3A_809 : vector<16xf32>
    %get3A_811 = arith.constant 1760 : index
    %get3A_812 = tpu.vector_load %arg10[%get3A_811] {strides = array<i32>} : memref<4096xf32, #tpu.memory_space<vmem>>, vector<16xf32>,
    %add3A_813 = arith.addf %add3A_810, %get3A_812 : vector<16xf32>
    %get3A_814 = arith.constant 1776 : index
    %get3A_815 = tpu.vector_load %arg10[%get3A_814] {strides = array<i32>} : memref<4096xf32, #tpu.memory_space<vmem>>, vector<16xf32>,
    %add3A_816 = arith.addf %add3A_813, %get3A_815 : vector<16xf32>
    %get3A_817 = arith.constant 1792 : index
    %get3A_818 = tpu.vector_load %arg10[%get3A_817] {strides = array<i32>} : memref<4096xf32, #tpu.memory_space<vmem>>, vector<16xf32>,
    %get3A_819 = arith.constant 1808 : index
    %get3A_820 = tpu.vector_load %arg10[%get3A_819] {strides = array<i32>} : memref<4096xf32, #tpu.memory_space<vmem>>, vector<16xf32>,
    %add3A_821 = arith.addf %get3A_818, %get3A_820 : vector<16xf32>
    %get3A_822 = arith.constant 1824 : index
    %get3A_823 = tpu.vector_load %arg10[%get3A_822] {strides = array<i32>} : memref<4096xf32, #tpu.memory_space<vmem>>, vector<16xf32>,
    %add3A_824 = arith.addf %add3A_821, %get3A_823 : vector<16xf32>
    %get3A_825 = arith.constant 1840 : index
    %get3A_826 = tpu.vector_load %arg10[%get3A_825] {strides = array<i32>} : memref<4096xf32, #tpu.memory_space<vmem>>, vector<16xf32>,
    %add3A_827 = arith.addf %add3A_824, %get3A_826 : vector<16xf32>
    %get3A_828 = arith.constant 1856 : index
    %get3A_829 = tpu.vector_load %arg10[%get3A_828] {strides = array<i32>} : memref<4096xf32, #tpu.memory_space<vmem>>, vector<16xf32>,
    %add3A_830 = arith.addf %add3A_827, %get3A_829 : vector<16xf32>
    %get3A_831 = arith.constant 1872 : index
    %get3A_832 = tpu.vector_load %arg10[%get3A_831] {strides = array<i32>} : memref<4096xf32, #tpu.memory_space<vmem>>, vector<16xf32>,
    %add3A_833 = arith.addf %add3A_830, %get3A_832 : vector<16xf32>
    %get3A_834 = arith.constant 1888 : index
    %get3A_835 = tpu.vector_load %arg10[%get3A_834] {strides = array<i32>} : memref<4096xf32, #tpu.memory_space<vmem>>, vector<16xf32>,
    %add3A_836 = arith.addf %add3A_833, %get3A_835 : vector<16xf32>
    %get3A_837 = arith.constant 1904 : index
    %get3A_838 = tpu.vector_load %arg10[%get3A_837] {strides = array<i32>} : memref<4096xf32, #tpu.memory_space<vmem>>, vector<16xf32>,
    %add3A_839 = arith.addf %add3A_836, %get3A_838 : vector<16xf32>
    %get3A_840 = arith.constant 1920 : index
    %get3A_841 = tpu.vector_load %arg10[%get3A_840] {strides = array<i32>} : memref<4096xf32, #tpu.memory_space<vmem>>, vector<16xf32>,
    %add3A_842 = arith.addf %add3A_839, %get3A_841 : vector<16xf32>
    %get3A_843 = arith.constant 1936 : index
    %get3A_844 = tpu.vector_load %arg10[%get3A_843] {strides = array<i32>} : memref<4096xf32, #tpu.memory_space<vmem>>, vector<16xf32>,
    %add3A_845 = arith.addf %add3A_842, %get3A_844 : vector<16xf32>
    %get3A_846 = arith.constant 1952 : index
    %get3A_847 = tpu.vector_load %arg10[%get3A_846] {strides = array<i32>} : memref<4096xf32, #tpu.memory_space<vmem>>, vector<16xf32>,
    %add3A_848 = arith.addf %add3A_845, %get3A_847 : vector<16xf32>
    %get3A_849 = arith.constant 1968 : index
    %get3A_850 = tpu.vector_load %arg10[%get3A_849] {strides = array<i32>} : memref<4096xf32, #tpu.memory_space<vmem>>, vector<16xf32>,
    %add3A_851 = arith.addf %add3A_848, %get3A_850 : vector<16xf32>
    %get3A_852 = arith.constant 1984 : index
    %get3A_853 = tpu.vector_load %arg10[%get3A_852] {strides = array<i32>} : memref<4096xf32, #tpu.memory_space<vmem>>, vector<16xf32>,
    %add3A_854 = arith.addf %add3A_851, %get3A_853 : vector<16xf32>
    %get3A_855 = arith.constant 2000 : index
    %get3A_856 = tpu.vector_load %arg10[%get3A_855] {strides = array<i32>} : memref<4096xf32, #tpu.memory_space<vmem>>, vector<16xf32>,
    %add3A_857 = arith.addf %add3A_854, %get3A_856 : vector<16xf32>
    %get3A_858 = arith.constant 2016 : index
    %get3A_859 = tpu.vector_load %arg10[%get3A_858] {strides = array<i32>} : memref<4096xf32, #tpu.memory_space<vmem>>, vector<16xf32>,
    %add3A_860 = arith.addf %add3A_857, %get3A_859 : vector<16xf32>
    %get3A_861 = arith.constant 2032 : index
    %get3A_862 = tpu.vector_load %arg10[%get3A_861] {strides = array<i32>} : memref<4096xf32, #tpu.memory_space<vmem>>, vector<16xf32>,
    %add3A_863 = arith.addf %add3A_860, %get3A_862 : vector<16xf32>
    %get3A_864 = arith.constant 2048 : index
    %get3A_865 = tpu.vector_load %arg10[%get3A_864] {strides = array<i32>} : memref<4096xf32, #tpu.memory_space<vmem>>, vector<16xf32>,
    %get3A_866 = arith.constant 2064 : index
    %get3A_867 = tpu.vector_load %arg10[%get3A_866] {strides = array<i32>} : memref<4096xf32, #tpu.memory_space<vmem>>, vector<16xf32>,
    %add3A_868 = arith.addf %get3A_865, %get3A_867 : vector<16xf32>
    %get3A_869 = arith.constant 2080 : index
    %get3A_870 = tpu.vector_load %arg10[%get3A_869] {strides = array<i32>} : memref<4096xf32, #tpu.memory_space<vmem>>, vector<16xf32>,
    %add3A_871 = arith.addf %add3A_868, %get3A_870 : vector<16xf32>
    %get3A_872 = arith.constant 2096 : index
    %get3A_873 = tpu.vector_load %arg10[%get3A_872] {strides = array<i32>} : memref<4096xf32, #tpu.memory_space<vmem>>, vector<16xf32>,
    %add3A_874 = arith.addf %add3A_871, %get3A_873 : vector<16xf32>
    %get3A_875 = arith.constant 2112 : index
    %get3A_876 = tpu.vector_load %arg10[%get3A_875] {strides = array<i32>} : memref<4096xf32, #tpu.memory_space<vmem>>, vector<16xf32>,
    %add3A_877 = arith.addf %add3A_874, %get3A_876 : vector<16xf32>
    %get3A_878 = arith.constant 2128 : index
    %get3A_879 = tpu.vector_load %arg10[%get3A_878] {strides = array<i32>} : memref<4096xf32, #tpu.memory_space<vmem>>, vector<16xf32>,
    %add3A_880 = arith.addf %add3A_877, %get3A_879 : vector<16xf32>
    %get3A_881 = arith.constant 2144 : index
    %get3A_882 = tpu.vector_load %arg10[%get3A_881] {strides = array<i32>} : memref<4096xf32, #tpu.memory_space<vmem>>, vector<16xf32>,
    %add3A_883 = arith.addf %add3A_880, %get3A_882 : vector<16xf32>
    %get3A_884 = arith.constant 2160 : index
    %get3A_885 = tpu.vector_load %arg10[%get3A_884] {strides = array<i32>} : memref<4096xf32, #tpu.memory_space<vmem>>, vector<16xf32>,
    %add3A_886 = arith.addf %add3A_883, %get3A_885 : vector<16xf32>
    %get3A_887 = arith.constant 2176 : index
    %get3A_888 = tpu.vector_load %arg10[%get3A_887] {strides = array<i32>} : memref<4096xf32, #tpu.memory_space<vmem>>, vector<16xf32>,
    %add3A_889 = arith.addf %add3A_886, %get3A_888 : vector<16xf32>
    %get3A_890 = arith.constant 2192 : index
    %get3A_891 = tpu.vector_load %arg10[%get3A_890] {strides = array<i32>} : memref<4096xf32, #tpu.memory_space<vmem>>, vector<16xf32>,
    %add3A_892 = arith.addf %add3A_889, %get3A_891 : vector<16xf32>
    %get3A_893 = arith.constant 2208 : index
    %get3A_894 = tpu.vector_load %arg10[%get3A_893] {strides = array<i32>} : memref<4096xf32, #tpu.memory_space<vmem>>, vector<16xf32>,
    %add3A_895 = arith.addf %add3A_892, %get3A_894 : vector<16xf32>
    %get3A_896 = arith.constant 2224 : index
    %get3A_897 = tpu.vector_load %arg10[%get3A_896] {strides = array<i32>} : memref<4096xf32, #tpu.memory_space<vmem>>, vector<16xf32>,
    %add3A_898 = arith.addf %add3A_895, %get3A_897 : vector<16xf32>
    %get3A_899 = arith.constant 2240 : index
    %get3A_900 = tpu.vector_load %arg10[%get3A_899] {strides = array<i32>} : memref<4096xf32, #tpu.memory_space<vmem>>, vector<16xf32>,
    %add3A_901 = arith.addf %add3A_898, %get3A_900 : vector<16xf32>
    %get3A_902 = arith.constant 2256 : index
    %get3A_903 = tpu.vector_load %arg10[%get3A_902] {strides = array<i32>} : memref<4096xf32, #tpu.memory_space<vmem>>, vector<16xf32>,
    %add3A_904 = arith.addf %add3A_901, %get3A_903 : vector<16xf32>
    %get3A_905 = arith.constant 2272 : index
    %get3A_906 = tpu.vector_load %arg10[%get3A_905] {strides = array<i32>} : memref<4096xf32, #tpu.memory_space<vmem>>, vector<16xf32>,
    %add3A_907 = arith.addf %add3A_904, %get3A_906 : vector<16xf32>
    %get3A_908 = arith.constant 2288 : index
    %get3A_909 = tpu.vector_load %arg10[%get3A_908] {strides = array<i32>} : memref<4096xf32, #tpu.memory_space<vmem>>, vector<16xf32>,
    %add3A_910 = arith.addf %add3A_907, %get3A_909 : vector<16xf32>
    %get3A_911 = arith.constant 2304 : index
    %get3A_912 = tpu.vector_load %arg10[%get3A_911] {strides = array<i32>} : memref<4096xf32, #tpu.memory_space<vmem>>, vector<16xf32>,
    %get3A_913 = arith.constant 2320 : index
    %get3A_914 = tpu.vector_load %arg10[%get3A_913] {strides = array<i32>} : memref<4096xf32, #tpu.memory_space<vmem>>, vector<16xf32>,
    %add3A_915 = arith.addf %get3A_912, %get3A_914 : vector<16xf32>
    %get3A_916 = arith.constant 2336 : index
    %get3A_917 = tpu.vector_load %arg10[%get3A_916] {strides = array<i32>} : memref<4096xf32, #tpu.memory_space<vmem>>, vector<16xf32>,
    %add3A_918 = arith.addf %add3A_915, %get3A_917 : vector<16xf32>
    %get3A_919 = arith.constant 2352 : index
    %get3A_920 = tpu.vector_load %arg10[%get3A_919] {strides = array<i32>} : memref<4096xf32, #tpu.memory_space<vmem>>, vector<16xf32>,
    %add3A_921 = arith.addf %add3A_918, %get3A_920 : vector<16xf32>
    %get3A_922 = arith.constant 2368 : index
    %get3A_923 = tpu.vector_load %arg10[%get3A_922] {strides = array<i32>} : memref<4096xf32, #tpu.memory_space<vmem>>, vector<16xf32>,
    %add3A_924 = arith.addf %add3A_921, %get3A_923 : vector<16xf32>
    %get3A_925 = arith.constant 2384 : index
    %get3A_926 = tpu.vector_load %arg10[%get3A_925] {strides = array<i32>} : memref<4096xf32, #tpu.memory_space<vmem>>, vector<16xf32>,
    %add3A_927 = arith.addf %add3A_924, %get3A_926 : vector<16xf32>
    %get3A_928 = arith.constant 2400 : index
    %get3A_929 = tpu.vector_load %arg10[%get3A_928] {strides = array<i32>} : memref<4096xf32, #tpu.memory_space<vmem>>, vector<16xf32>,
    %add3A_930 = arith.addf %add3A_927, %get3A_929 : vector<16xf32>
    %get3A_931 = arith.constant 2416 : index
    %get3A_932 = tpu.vector_load %arg10[%get3A_931] {strides = array<i32>} : memref<4096xf32, #tpu.memory_space<vmem>>, vector<16xf32>,
    %add3A_933 = arith.addf %add3A_930, %get3A_932 : vector<16xf32>
    %get3A_934 = arith.constant 2432 : index
    %get3A_935 = tpu.vector_load %arg10[%get3A_934] {strides = array<i32>} : memref<4096xf32, #tpu.memory_space<vmem>>, vector<16xf32>,
    %add3A_936 = arith.addf %add3A_933, %get3A_935 : vector<16xf32>
    %get3A_937 = arith.constant 2448 : index
    %get3A_938 = tpu.vector_load %arg10[%get3A_937] {strides = array<i32>} : memref<4096xf32, #tpu.memory_space<vmem>>, vector<16xf32>,
    %add3A_939 = arith.addf %add3A_936, %get3A_938 : vector<16xf32>
    %get3A_940 = arith.constant 2464 : index
    %get3A_941 = tpu.vector_load %arg10[%get3A_940] {strides = array<i32>} : memref<4096xf32, #tpu.memory_space<vmem>>, vector<16xf32>,
    %add3A_942 = arith.addf %add3A_939, %get3A_941 : vector<16xf32>
    %get3A_943 = arith.constant 2480 : index
    %get3A_944 = tpu.vector_load %arg10[%get3A_943] {strides = array<i32>} : memref<4096xf32, #tpu.memory_space<vmem>>, vector<16xf32>,
    %add3A_945 = arith.addf %add3A_942, %get3A_944 : vector<16xf32>
    %get3A_946 = arith.constant 2496 : index
    %get3A_947 = tpu.vector_load %arg10[%get3A_946] {strides = array<i32>} : memref<4096xf32, #tpu.memory_space<vmem>>, vector<16xf32>,
    %add3A_948 = arith.addf %add3A_945, %get3A_947 : vector<16xf32>
    %get3A_949 = arith.constant 2512 : index
    %get3A_950 = tpu.vector_load %arg10[%get3A_949] {strides = array<i32>} : memref<4096xf32, #tpu.memory_space<vmem>>, vector<16xf32>,
    %add3A_951 = arith.addf %add3A_948, %get3A_950 : vector<16xf32>
    %get3A_952 = arith.constant 2528 : index
    %get3A_953 = tpu.vector_load %arg10[%get3A_952] {strides = array<i32>} : memref<4096xf32, #tpu.memory_space<vmem>>, vector<16xf32>,
    %add3A_954 = arith.addf %add3A_951, %get3A_953 : vector<16xf32>
    %get3A_955 = arith.constant 2544 : index
    %get3A_956 = tpu.vector_load %arg10[%get3A_955] {strides = array<i32>} : memref<4096xf32, #tpu.memory_space<vmem>>, vector<16xf32>,
    %add3A_957 = arith.addf %add3A_954, %get3A_956 : vector<16xf32>
    %get3A_958 = arith.constant 2560 : index
    %get3A_959 = tpu.vector_load %arg10[%get3A_958] {strides = array<i32>} : memref<4096xf32, #tpu.memory_space<vmem>>, vector<16xf32>,
    %get3A_960 = arith.constant 2576 : index
    %get3A_961 = tpu.vector_load %arg10[%get3A_960] {strides = array<i32>} : memref<4096xf32, #tpu.memory_space<vmem>>, vector<16xf32>,
    %add3A_962 = arith.addf %get3A_959, %get3A_961 : vector<16xf32>
    %get3A_963 = arith.constant 2592 : index
    %get3A_964 = tpu.vector_load %arg10[%get3A_963] {strides = array<i32>} : memref<4096xf32, #tpu.memory_space<vmem>>, vector<16xf32>,
    %add3A_965 = arith.addf %add3A_962, %get3A_964 : vector<16xf32>
    %get3A_966 = arith.constant 2608 : index
    %get3A_967 = tpu.vector_load %arg10[%get3A_966] {strides = array<i32>} : memref<4096xf32, #tpu.memory_space<vmem>>, vector<16xf32>,
    %add3A_968 = arith.addf %add3A_965, %get3A_967 : vector<16xf32>
    %get3A_969 = arith.constant 2624 : index
    %get3A_970 = tpu.vector_load %arg10[%get3A_969] {strides = array<i32>} : memref<4096xf32, #tpu.memory_space<vmem>>, vector<16xf32>,
    %add3A_971 = arith.addf %add3A_968, %get3A_970 : vector<16xf32>
    %get3A_972 = arith.constant 2640 : index
    %get3A_973 = tpu.vector_load %arg10[%get3A_972] {strides = array<i32>} : memref<4096xf32, #tpu.memory_space<vmem>>, vector<16xf32>,
    %add3A_974 = arith.addf %add3A_971, %get3A_973 : vector<16xf32>
    %get3A_975 = arith.constant 2656 : index
    %get3A_976 = tpu.vector_load %arg10[%get3A_975] {strides = array<i32>} : memref<4096xf32, #tpu.memory_space<vmem>>, vector<16xf32>,
    %add3A_977 = arith.addf %add3A_974, %get3A_976 : vector<16xf32>
    %get3A_978 = arith.constant 2672 : index
    %get3A_979 = tpu.vector_load %arg10[%get3A_978] {strides = array<i32>} : memref<4096xf32, #tpu.memory_space<vmem>>, vector<16xf32>,
    %add3A_980 = arith.addf %add3A_977, %get3A_979 : vector<16xf32>
    %get3A_981 = arith.constant 2688 : index
    %get3A_982 = tpu.vector_load %arg10[%get3A_981] {strides = array<i32>} : memref<4096xf32, #tpu.memory_space<vmem>>, vector<16xf32>,
    %add3A_983 = arith.addf %add3A_980, %get3A_982 : vector<16xf32>
    %get3A_984 = arith.constant 2704 : index
    %get3A_985 = tpu.vector_load %arg10[%get3A_984] {strides = array<i32>} : memref<4096xf32, #tpu.memory_space<vmem>>, vector<16xf32>,
    %add3A_986 = arith.addf %add3A_983, %get3A_985 : vector<16xf32>
    %get3A_987 = arith.constant 2720 : index
    %get3A_988 = tpu.vector_load %arg10[%get3A_987] {strides = array<i32>} : memref<4096xf32, #tpu.memory_space<vmem>>, vector<16xf32>,
    %add3A_989 = arith.addf %add3A_986, %get3A_988 : vector<16xf32>
    %get3A_990 = arith.constant 2736 : index
    %get3A_991 = tpu.vector_load %arg10[%get3A_990] {strides = array<i32>} : memref<4096xf32, #tpu.memory_space<vmem>>, vector<16xf32>,
    %add3A_992 = arith.addf %add3A_989, %get3A_991 : vector<16xf32>
    %get3A_993 = arith.constant 2752 : index
    %get3A_994 = tpu.vector_load %arg10[%get3A_993] {strides = array<i32>} : memref<4096xf32, #tpu.memory_space<vmem>>, vector<16xf32>,
    %add3A_995 = arith.addf %add3A_992, %get3A_994 : vector<16xf32>
    %get3A_996 = arith.constant 2768 : index
    %get3A_997 = tpu.vector_load %arg10[%get3A_996] {strides = array<i32>} : memref<4096xf32, #tpu.memory_space<vmem>>, vector<16xf32>,
    %add3A_998 = arith.addf %add3A_995, %get3A_997 : vector<16xf32>
    %get3A_999 = arith.constant 2784 : index
    %get3A_1000 = tpu.vector_load %arg10[%get3A_999] {strides = array<i32>} : memref<4096xf32, #tpu.memory_space<vmem>>, vector<16xf32>,
    %add3A_1001 = arith.addf %add3A_998, %get3A_1000 : vector<16xf32>
    %get3A_1002 = arith.constant 2800 : index
    %get3A_1003 = tpu.vector_load %arg10[%get3A_1002] {strides = array<i32>} : memref<4096xf32, #tpu.memory_space<vmem>>, vector<16xf32>,
    %add3A_1004 = arith.addf %add3A_1001, %get3A_1003 : vector<16xf32>
    %get3A_1005 = arith.constant 2816 : index
    %get3A_1006 = tpu.vector_load %arg10[%get3A_1005] {strides = array<i32>} : memref<4096xf32, #tpu.memory_space<vmem>>, vector<16xf32>,
    %get3A_1007 = arith.constant 2832 : index
    %get3A_1008 = tpu.vector_load %arg10[%get3A_1007] {strides = array<i32>} : memref<4096xf32, #tpu.memory_space<vmem>>, vector<16xf32>,
    %add3A_1009 = arith.addf %get3A_1006, %get3A_1008 : vector<16xf32>
    %get3A_1010 = arith.constant 2848 : index
    %get3A_1011 = tpu.vector_load %arg10[%get3A_1010] {strides = array<i32>} : memref<4096xf32, #tpu.memory_space<vmem>>, vector<16xf32>,
    %add3A_1012 = arith.addf %add3A_1009, %get3A_1011 : vector<16xf32>
    %get3A_1013 = arith.constant 2864 : index
    %get3A_1014 = tpu.vector_load %arg10[%get3A_1013] {strides = array<i32>} : memref<4096xf32, #tpu.memory_space<vmem>>, vector<16xf32>,
    %add3A_1015 = arith.addf %add3A_1012, %get3A_1014 : vector<16xf32>
    %get3A_1016 = arith.constant 2880 : index
    %get3A_1017 = tpu.vector_load %arg10[%get3A_1016] {strides = array<i32>} : memref<4096xf32, #tpu.memory_space<vmem>>, vector<16xf32>,
    %add3A_1018 = arith.addf %add3A_1015, %get3A_1017 : vector<16xf32>
    %get3A_1019 = arith.constant 2896 : index
    %get3A_1020 = tpu.vector_load %arg10[%get3A_1019] {strides = array<i32>} : memref<4096xf32, #tpu.memory_space<vmem>>, vector<16xf32>,
    %add3A_1021 = arith.addf %add3A_1018, %get3A_1020 : vector<16xf32>
    %get3A_1022 = arith.constant 2912 : index
    %get3A_1023 = tpu.vector_load %arg10[%get3A_1022] {strides = array<i32>} : memref<4096xf32, #tpu.memory_space<vmem>>, vector<16xf32>,
    %add3A_1024 = arith.addf %add3A_1021, %get3A_1023 : vector<16xf32>
    %get3A_1025 = arith.constant 2928 : index
    %get3A_1026 = tpu.vector_load %arg10[%get3A_1025] {strides = array<i32>} : memref<4096xf32, #tpu.memory_space<vmem>>, vector<16xf32>,
    %add3A_1027 = arith.addf %add3A_1024, %get3A_1026 : vector<16xf32>
    %get3A_1028 = arith.constant 2944 : index
    %get3A_1029 = tpu.vector_load %arg10[%get3A_1028] {strides = array<i32>} : memref<4096xf32, #tpu.memory_space<vmem>>, vector<16xf32>,
    %add3A_1030 = arith.addf %add3A_1027, %get3A_1029 : vector<16xf32>
    %get3A_1031 = arith.constant 2960 : index
    %get3A_1032 = tpu.vector_load %arg10[%get3A_1031] {strides = array<i32>} : memref<4096xf32, #tpu.memory_space<vmem>>, vector<16xf32>,
    %add3A_1033 = arith.addf %add3A_1030, %get3A_1032 : vector<16xf32>
    %get3A_1034 = arith.constant 2976 : index
    %get3A_1035 = tpu.vector_load %arg10[%get3A_1034] {strides = array<i32>} : memref<4096xf32, #tpu.memory_space<vmem>>, vector<16xf32>,
    %add3A_1036 = arith.addf %add3A_1033, %get3A_1035 : vector<16xf32>
    %get3A_1037 = arith.constant 2992 : index
    %get3A_1038 = tpu.vector_load %arg10[%get3A_1037] {strides = array<i32>} : memref<4096xf32, #tpu.memory_space<vmem>>, vector<16xf32>,
    %add3A_1039 = arith.addf %add3A_1036, %get3A_1038 : vector<16xf32>
    %get3A_1040 = arith.constant 3008 : index
    %get3A_1041 = tpu.vector_load %arg10[%get3A_1040] {strides = array<i32>} : memref<4096xf32, #tpu.memory_space<vmem>>, vector<16xf32>,
    %add3A_1042 = arith.addf %add3A_1039, %get3A_1041 : vector<16xf32>
    %get3A_1043 = arith.constant 3024 : index
    %get3A_1044 = tpu.vector_load %arg10[%get3A_1043] {strides = array<i32>} : memref<4096xf32, #tpu.memory_space<vmem>>, vector<16xf32>,
    %add3A_1045 = arith.addf %add3A_1042, %get3A_1044 : vector<16xf32>
    %get3A_1046 = arith.constant 3040 : index
    %get3A_1047 = tpu.vector_load %arg10[%get3A_1046] {strides = array<i32>} : memref<4096xf32, #tpu.memory_space<vmem>>, vector<16xf32>,
    %add3A_1048 = arith.addf %add3A_1045, %get3A_1047 : vector<16xf32>
    %get3A_1049 = arith.constant 3056 : index
    %get3A_1050 = tpu.vector_load %arg10[%get3A_1049] {strides = array<i32>} : memref<4096xf32, #tpu.memory_space<vmem>>, vector<16xf32>,
    %add3A_1051 = arith.addf %add3A_1048, %get3A_1050 : vector<16xf32>
    %get3A_1052 = arith.constant 3072 : index
    %get3A_1053 = tpu.vector_load %arg10[%get3A_1052] {strides = array<i32>} : memref<4096xf32, #tpu.memory_space<vmem>>, vector<16xf32>,
    %get3A_1054 = arith.constant 3088 : index
    %get3A_1055 = tpu.vector_load %arg10[%get3A_1054] {strides = array<i32>} : memref<4096xf32, #tpu.memory_space<vmem>>, vector<16xf32>,
    %add3A_1056 = arith.addf %get3A_1053, %get3A_1055 : vector<16xf32>
    %get3A_1057 = arith.constant 3104 : index
    %get3A_1058 = tpu.vector_load %arg10[%get3A_1057] {strides = array<i32>} : memref<4096xf32, #tpu.memory_space<vmem>>, vector<16xf32>,
    %add3A_1059 = arith.addf %add3A_1056, %get3A_1058 : vector<16xf32>
    %get3A_1060 = arith.constant 3120 : index
    %get3A_1061 = tpu.vector_load %arg10[%get3A_1060] {strides = array<i32>} : memref<4096xf32, #tpu.memory_space<vmem>>, vector<16xf32>,
    %add3A_1062 = arith.addf %add3A_1059, %get3A_1061 : vector<16xf32>
    %get3A_1063 = arith.constant 3136 : index
    %get3A_1064 = tpu.vector_load %arg10[%get3A_1063] {strides = array<i32>} : memref<4096xf32, #tpu.memory_space<vmem>>, vector<16xf32>,
    %add3A_1065 = arith.addf %add3A_1062, %get3A_1064 : vector<16xf32>
    %get3A_1066 = arith.constant 3152 : index
    %get3A_1067 = tpu.vector_load %arg10[%get3A_1066] {strides = array<i32>} : memref<4096xf32, #tpu.memory_space<vmem>>, vector<16xf32>,
    %add3A_1068 = arith.addf %add3A_1065, %get3A_1067 : vector<16xf32>
    %get3A_1069 = arith.constant 3168 : index
    %get3A_1070 = tpu.vector_load %arg10[%get3A_1069] {strides = array<i32>} : memref<4096xf32, #tpu.memory_space<vmem>>, vector<16xf32>,
    %add3A_1071 = arith.addf %add3A_1068, %get3A_1070 : vector<16xf32>
    %get3A_1072 = arith.constant 3184 : index
    %get3A_1073 = tpu.vector_load %arg10[%get3A_1072] {strides = array<i32>} : memref<4096xf32, #tpu.memory_space<vmem>>, vector<16xf32>,
    %add3A_1074 = arith.addf %add3A_1071, %get3A_1073 : vector<16xf32>
    %get3A_1075 = arith.constant 3200 : index
    %get3A_1076 = tpu.vector_load %arg10[%get3A_1075] {strides = array<i32>} : memref<4096xf32, #tpu.memory_space<vmem>>, vector<16xf32>,
    %add3A_1077 = arith.addf %add3A_1074, %get3A_1076 : vector<16xf32>
    %get3A_1078 = arith.constant 3216 : index
    %get3A_1079 = tpu.vector_load %arg10[%get3A_1078] {strides = array<i32>} : memref<4096xf32, #tpu.memory_space<vmem>>, vector<16xf32>,
    %add3A_1080 = arith.addf %add3A_1077, %get3A_1079 : vector<16xf32>
    %get3A_1081 = arith.constant 3232 : index
    %get3A_1082 = tpu.vector_load %arg10[%get3A_1081] {strides = array<i32>} : memref<4096xf32, #tpu.memory_space<vmem>>, vector<16xf32>,
    %add3A_1083 = arith.addf %add3A_1080, %get3A_1082 : vector<16xf32>
    %get3A_1084 = arith.constant 3248 : index
    %get3A_1085 = tpu.vector_load %arg10[%get3A_1084] {strides = array<i32>} : memref<4096xf32, #tpu.memory_space<vmem>>, vector<16xf32>,
    %add3A_1086 = arith.addf %add3A_1083, %get3A_1085 : vector<16xf32>
    %get3A_1087 = arith.constant 3264 : index
    %get3A_1088 = tpu.vector_load %arg10[%get3A_1087] {strides = array<i32>} : memref<4096xf32, #tpu.memory_space<vmem>>, vector<16xf32>,
    %add3A_1089 = arith.addf %add3A_1086, %get3A_1088 : vector<16xf32>
    %get3A_1090 = arith.constant 3280 : index
    %get3A_1091 = tpu.vector_load %arg10[%get3A_1090] {strides = array<i32>} : memref<4096xf32, #tpu.memory_space<vmem>>, vector<16xf32>,
    %add3A_1092 = arith.addf %add3A_1089, %get3A_1091 : vector<16xf32>
    %get3A_1093 = arith.constant 3296 : index
    %get3A_1094 = tpu.vector_load %arg10[%get3A_1093] {strides = array<i32>} : memref<4096xf32, #tpu.memory_space<vmem>>, vector<16xf32>,
    %add3A_1095 = arith.addf %add3A_1092, %get3A_1094 : vector<16xf32>
    %get3A_1096 = arith.constant 3312 : index
    %get3A_1097 = tpu.vector_load %arg10[%get3A_1096] {strides = array<i32>} : memref<4096xf32, #tpu.memory_space<vmem>>, vector<16xf32>,
    %add3A_1098 = arith.addf %add3A_1095, %get3A_1097 : vector<16xf32>
    %get3A_1099 = arith.constant 3328 : index
    %get3A_1100 = tpu.vector_load %arg10[%get3A_1099] {strides = array<i32>} : memref<4096xf32, #tpu.memory_space<vmem>>, vector<16xf32>,
    %get3A_1101 = arith.constant 3344 : index
    %get3A_1102 = tpu.vector_load %arg10[%get3A_1101] {strides = array<i32>} : memref<4096xf32, #tpu.memory_space<vmem>>, vector<16xf32>,
    %add3A_1103 = arith.addf %get3A_1100, %get3A_1102 : vector<16xf32>
    %get3A_1104 = arith.constant 3360 : index
    %get3A_1105 = tpu.vector_load %arg10[%get3A_1104] {strides = array<i32>} : memref<4096xf32, #tpu.memory_space<vmem>>, vector<16xf32>,
    %add3A_1106 = arith.addf %add3A_1103, %get3A_1105 : vector<16xf32>
    %get3A_1107 = arith.constant 3376 : index
    %get3A_1108 = tpu.vector_load %arg10[%get3A_1107] {strides = array<i32>} : memref<4096xf32, #tpu.memory_space<vmem>>, vector<16xf32>,
    %add3A_1109 = arith.addf %add3A_1106, %get3A_1108 : vector<16xf32>
    %get3A_1110 = arith.constant 3392 : index
    %get3A_1111 = tpu.vector_load %arg10[%get3A_1110] {strides = array<i32>} : memref<4096xf32, #tpu.memory_space<vmem>>, vector<16xf32>,
    %add3A_1112 = arith.addf %add3A_1109, %get3A_1111 : vector<16xf32>
    %get3A_1113 = arith.constant 3408 : index
    %get3A_1114 = tpu.vector_load %arg10[%get3A_1113] {strides = array<i32>} : memref<4096xf32, #tpu.memory_space<vmem>>, vector<16xf32>,
    %add3A_1115 = arith.addf %add3A_1112, %get3A_1114 : vector<16xf32>
    %get3A_1116 = arith.constant 3424 : index
    %get3A_1117 = tpu.vector_load %arg10[%get3A_1116] {strides = array<i32>} : memref<4096xf32, #tpu.memory_space<vmem>>, vector<16xf32>,
    %add3A_1118 = arith.addf %add3A_1115, %get3A_1117 : vector<16xf32>
    %get3A_1119 = arith.constant 3440 : index
    %get3A_1120 = tpu.vector_load %arg10[%get3A_1119] {strides = array<i32>} : memref<4096xf32, #tpu.memory_space<vmem>>, vector<16xf32>,
    %add3A_1121 = arith.addf %add3A_1118, %get3A_1120 : vector<16xf32>
    %get3A_1122 = arith.constant 3456 : index
    %get3A_1123 = tpu.vector_load %arg10[%get3A_1122] {strides = array<i32>} : memref<4096xf32, #tpu.memory_space<vmem>>, vector<16xf32>,
    %add3A_1124 = arith.addf %add3A_1121, %get3A_1123 : vector<16xf32>
    %get3A_1125 = arith.constant 3472 : index
    %get3A_1126 = tpu.vector_load %arg10[%get3A_1125] {strides = array<i32>} : memref<4096xf32, #tpu.memory_space<vmem>>, vector<16xf32>,
    %add3A_1127 = arith.addf %add3A_1124, %get3A_1126 : vector<16xf32>
    %get3A_1128 = arith.constant 3488 : index
    %get3A_1129 = tpu.vector_load %arg10[%get3A_1128] {strides = array<i32>} : memref<4096xf32, #tpu.memory_space<vmem>>, vector<16xf32>,
    %add3A_1130 = arith.addf %add3A_1127, %get3A_1129 : vector<16xf32>
    %get3A_1131 = arith.constant 3504 : index
    %get3A_1132 = tpu.vector_load %arg10[%get3A_1131] {strides = array<i32>} : memref<4096xf32, #tpu.memory_space<vmem>>, vector<16xf32>,
    %add3A_1133 = arith.addf %add3A_1130, %get3A_1132 : vector<16xf32>
    %get3A_1134 = arith.constant 3520 : index
    %get3A_1135 = tpu.vector_load %arg10[%get3A_1134] {strides = array<i32>} : memref<4096xf32, #tpu.memory_space<vmem>>, vector<16xf32>,
    %add3A_1136 = arith.addf %add3A_1133, %get3A_1135 : vector<16xf32>
    %get3A_1137 = arith.constant 3536 : index
    %get3A_1138 = tpu.vector_load %arg10[%get3A_1137] {strides = array<i32>} : memref<4096xf32, #tpu.memory_space<vmem>>, vector<16xf32>,
    %add3A_1139 = arith.addf %add3A_1136, %get3A_1138 : vector<16xf32>
    %get3A_1140 = arith.constant 3552 : index
    %get3A_1141 = tpu.vector_load %arg10[%get3A_1140] {strides = array<i32>} : memref<4096xf32, #tpu.memory_space<vmem>>, vector<16xf32>,
    %add3A_1142 = arith.addf %add3A_1139, %get3A_1141 : vector<16xf32>
    %get3A_1143 = arith.constant 3568 : index
    %get3A_1144 = tpu.vector_load %arg10[%get3A_1143] {strides = array<i32>} : memref<4096xf32, #tpu.memory_space<vmem>>, vector<16xf32>,
    %add3A_1145 = arith.addf %add3A_1142, %get3A_1144 : vector<16xf32>
    %get3A_1146 = arith.constant 3584 : index
    %get3A_1147 = tpu.vector_load %arg10[%get3A_1146] {strides = array<i32>} : memref<4096xf32, #tpu.memory_space<vmem>>, vector<16xf32>,
    %get3A_1148 = arith.constant 3600 : index
    %get3A_1149 = tpu.vector_load %arg10[%get3A_1148] {strides = array<i32>} : memref<4096xf32, #tpu.memory_space<vmem>>, vector<16xf32>,
    %add3A_1150 = arith.addf %get3A_1147, %get3A_1149 : vector<16xf32>
    %get3A_1151 = arith.constant 3616 : index
    %get3A_1152 = tpu.vector_load %arg10[%get3A_1151] {strides = array<i32>} : memref<4096xf32, #tpu.memory_space<vmem>>, vector<16xf32>,
    %add3A_1153 = arith.addf %add3A_1150, %get3A_1152 : vector<16xf32>
    %get3A_1154 = arith.constant 3632 : index
    %get3A_1155 = tpu.vector_load %arg10[%get3A_1154] {strides = array<i32>} : memref<4096xf32, #tpu.memory_space<vmem>>, vector<16xf32>,
    %add3A_1156 = arith.addf %add3A_1153, %get3A_1155 : vector<16xf32>
    %get3A_1157 = arith.constant 3648 : index
    %get3A_1158 = tpu.vector_load %arg10[%get3A_1157] {strides = array<i32>} : memref<4096xf32, #tpu.memory_space<vmem>>, vector<16xf32>,
    %add3A_1159 = arith.addf %add3A_1156, %get3A_1158 : vector<16xf32>
    %get3A_1160 = arith.constant 3664 : index
    %get3A_1161 = tpu.vector_load %arg10[%get3A_1160] {strides = array<i32>} : memref<4096xf32, #tpu.memory_space<vmem>>, vector<16xf32>,
    %add3A_1162 = arith.addf %add3A_1159, %get3A_1161 : vector<16xf32>
    %get3A_1163 = arith.constant 3680 : index
    %get3A_1164 = tpu.vector_load %arg10[%get3A_1163] {strides = array<i32>} : memref<4096xf32, #tpu.memory_space<vmem>>, vector<16xf32>,
    %add3A_1165 = arith.addf %add3A_1162, %get3A_1164 : vector<16xf32>
    %get3A_1166 = arith.constant 3696 : index
    %get3A_1167 = tpu.vector_load %arg10[%get3A_1166] {strides = array<i32>} : memref<4096xf32, #tpu.memory_space<vmem>>, vector<16xf32>,
    %add3A_1168 = arith.addf %add3A_1165, %get3A_1167 : vector<16xf32>
    %get3A_1169 = arith.constant 3712 : index
    %get3A_1170 = tpu.vector_load %arg10[%get3A_1169] {strides = array<i32>} : memref<4096xf32, #tpu.memory_space<vmem>>, vector<16xf32>,
    %add3A_1171 = arith.addf %add3A_1168, %get3A_1170 : vector<16xf32>
    %get3A_1172 = arith.constant 3728 : index
    %get3A_1173 = tpu.vector_load %arg10[%get3A_1172] {strides = array<i32>} : memref<4096xf32, #tpu.memory_space<vmem>>, vector<16xf32>,
    %add3A_1174 = arith.addf %add3A_1171, %get3A_1173 : vector<16xf32>
    %get3A_1175 = arith.constant 3744 : index
    %get3A_1176 = tpu.vector_load %arg10[%get3A_1175] {strides = array<i32>} : memref<4096xf32, #tpu.memory_space<vmem>>, vector<16xf32>,
    %add3A_1177 = arith.addf %add3A_1174, %get3A_1176 : vector<16xf32>
    %get3A_1178 = arith.constant 3760 : index
    %get3A_1179 = tpu.vector_load %arg10[%get3A_1178] {strides = array<i32>} : memref<4096xf32, #tpu.memory_space<vmem>>, vector<16xf32>,
    %add3A_1180 = arith.addf %add3A_1177, %get3A_1179 : vector<16xf32>
    %get3A_1181 = arith.constant 3776 : index
    %get3A_1182 = tpu.vector_load %arg10[%get3A_1181] {strides = array<i32>} : memref<4096xf32, #tpu.memory_space<vmem>>, vector<16xf32>,
    %add3A_1183 = arith.addf %add3A_1180, %get3A_1182 : vector<16xf32>
    %get3A_1184 = arith.constant 3792 : index
    %get3A_1185 = tpu.vector_load %arg10[%get3A_1184] {strides = array<i32>} : memref<4096xf32, #tpu.memory_space<vmem>>, vector<16xf32>,
    %add3A_1186 = arith.addf %add3A_1183, %get3A_1185 : vector<16xf32>
    %get3A_1187 = arith.constant 3808 : index
    %get3A_1188 = tpu.vector_load %arg10[%get3A_1187] {strides = array<i32>} : memref<4096xf32, #tpu.memory_space<vmem>>, vector<16xf32>,
    %add3A_1189 = arith.addf %add3A_1186, %get3A_1188 : vector<16xf32>
    %get3A_1190 = arith.constant 3824 : index
    %get3A_1191 = tpu.vector_load %arg10[%get3A_1190] {strides = array<i32>} : memref<4096xf32, #tpu.memory_space<vmem>>, vector<16xf32>,
    %add3A_1192 = arith.addf %add3A_1189, %get3A_1191 : vector<16xf32>
    %get3A_1193 = arith.constant 3840 : index
    %get3A_1194 = tpu.vector_load %arg10[%get3A_1193] {strides = array<i32>} : memref<4096xf32, #tpu.memory_space<vmem>>, vector<16xf32>,
    %get3A_1195 = arith.constant 3856 : index
    %get3A_1196 = tpu.vector_load %arg10[%get3A_1195] {strides = array<i32>} : memref<4096xf32, #tpu.memory_space<vmem>>, vector<16xf32>,
    %add3A_1197 = arith.addf %get3A_1194, %get3A_1196 : vector<16xf32>
    %get3A_1198 = arith.constant 3872 : index
    %get3A_1199 = tpu.vector_load %arg10[%get3A_1198] {strides = array<i32>} : memref<4096xf32, #tpu.memory_space<vmem>>, vector<16xf32>,
    %add3A_1200 = arith.addf %add3A_1197, %get3A_1199 : vector<16xf32>
    %get3A_1201 = arith.constant 3888 : index
    %get3A_1202 = tpu.vector_load %arg10[%get3A_1201] {strides = array<i32>} : memref<4096xf32, #tpu.memory_space<vmem>>, vector<16xf32>,
    %add3A_1203 = arith.addf %add3A_1200, %get3A_1202 : vector<16xf32>
    %get3A_1204 = arith.constant 3904 : index
    %get3A_1205 = tpu.vector_load %arg10[%get3A_1204] {strides = array<i32>} : memref<4096xf32, #tpu.memory_space<vmem>>, vector<16xf32>,
    %add3A_1206 = arith.addf %add3A_1203, %get3A_1205 : vector<16xf32>
    %get3A_1207 = arith.constant 3920 : index
    %get3A_1208 = tpu.vector_load %arg10[%get3A_1207] {strides = array<i32>} : memref<4096xf32, #tpu.memory_space<vmem>>, vector<16xf32>,
    %add3A_1209 = arith.addf %add3A_1206, %get3A_1208 : vector<16xf32>
    %get3A_1210 = arith.constant 3936 : index
    %get3A_1211 = tpu.vector_load %arg10[%get3A_1210] {strides = array<i32>} : memref<4096xf32, #tpu.memory_space<vmem>>, vector<16xf32>,
    %add3A_1212 = arith.addf %add3A_1209, %get3A_1211 : vector<16xf32>
    %get3A_1213 = arith.constant 3952 : index
    %get3A_1214 = tpu.vector_load %arg10[%get3A_1213] {strides = array<i32>} : memref<4096xf32, #tpu.memory_space<vmem>>, vector<16xf32>,
    %add3A_1215 = arith.addf %add3A_1212, %get3A_1214 : vector<16xf32>
    %get3A_1216 = arith.constant 3968 : index
    %get3A_1217 = tpu.vector_load %arg10[%get3A_1216] {strides = array<i32>} : memref<4096xf32, #tpu.memory_space<vmem>>, vector<16xf32>,
    %add3A_1218 = arith.addf %add3A_1215, %get3A_1217 : vector<16xf32>
    %get3A_1219 = arith.constant 3984 : index
    %get3A_1220 = tpu.vector_load %arg10[%get3A_1219] {strides = array<i32>} : memref<4096xf32, #tpu.memory_space<vmem>>, vector<16xf32>,
    %add3A_1221 = arith.addf %add3A_1218, %get3A_1220 : vector<16xf32>
    %get3A_1222 = arith.constant 4000 : index
    %get3A_1223 = tpu.vector_load %arg10[%get3A_1222] {strides = array<i32>} : memref<4096xf32, #tpu.memory_space<vmem>>, vector<16xf32>,
    %add3A_1224 = arith.addf %add3A_1221, %get3A_1223 : vector<16xf32>
    %get3A_1225 = arith.constant 4016 : index
    %get3A_1226 = tpu.vector_load %arg10[%get3A_1225] {strides = array<i32>} : memref<4096xf32, #tpu.memory_space<vmem>>, vector<16xf32>,
    %add3A_1227 = arith.addf %add3A_1224, %get3A_1226 : vector<16xf32>
    %get3A_1228 = arith.constant 4032 : index
    %get3A_1229 = tpu.vector_load %arg10[%get3A_1228] {strides = array<i32>} : memref<4096xf32, #tpu.memory_space<vmem>>, vector<16xf32>,
    %add3A_1230 = arith.addf %add3A_1227, %get3A_1229 : vector<16xf32>
    %get3A_1231 = arith.constant 4048 : index
    %get3A_1232 = tpu.vector_load %arg10[%get3A_1231] {strides = array<i32>} : memref<4096xf32, #tpu.memory_space<vmem>>, vector<16xf32>,
    %add3A_1233 = arith.addf %add3A_1230, %get3A_1232 : vector<16xf32>
    %get3A_1234 = arith.constant 4064 : index
    %get3A_1235 = tpu.vector_load %arg10[%get3A_1234] {strides = array<i32>} : memref<4096xf32, #tpu.memory_space<vmem>>, vector<16xf32>,
    %add3A_1236 = arith.addf %add3A_1233, %get3A_1235 : vector<16xf32>
    %get3A_1237 = arith.constant 4080 : index
    %get3A_1238 = tpu.vector_load %arg10[%get3A_1237] {strides = array<i32>} : memref<4096xf32, #tpu.memory_space<vmem>>, vector<16xf32>,
    %add3A_1239 = arith.addf %add3A_1236, %get3A_1238 : vector<16xf32>
    %broadcast_in_dim3A = arith.constant 0 : i32
    %broadcast_in_dim3A_1240 = vector.broadcast %broadcast_in_dim3A : i32 to vector<16xi32>
    tpu.vector_store_idx %arg14[%iota3A, %broadcast_in_dim3A_1240], %add3A_534 : memref<16x16xf32, #tpu.memory_space<vmem>>[vector<16xi32>, vector<16xi32>], vector<16xf32>,
    %broadcast_in_dim3A_1241 = arith.constant 1 : i32
    %broadcast_in_dim3A_1242 = vector.broadcast %broadcast_in_dim3A_1241 : i32 to vector<16xi32>
    tpu.vector_store_idx %arg14[%iota3A, %broadcast_in_dim3A_1242], %add3A_581 : memref<16x16xf32, #tpu.memory_space<vmem>>[vector<16xi32>, vector<16xi32>], vector<16xf32>,
    %broadcast_in_dim3A_1243 = arith.constant 2 : i32
    %broadcast_in_dim3A_1244 = vector.broadcast %broadcast_in_dim3A_1243 : i32 to vector<16xi32>
    tpu.vector_store_idx %arg14[%iota3A, %broadcast_in_dim3A_1244], %add3A_628 : memref<16x16xf32, #tpu.memory_space<vmem>>[vector<16xi32>, vector<16xi32>], vector<16xf32>,
    %broadcast_in_dim3A_1245 = arith.constant 3 : i32
    %broadcast_in_dim3A_1246 = vector.broadcast %broadcast_in_dim3A_1245 : i32 to vector<16xi32>
    tpu.vector_store_idx %arg14[%iota3A, %broadcast_in_dim3A_1246], %add3A_675 : memref<16x16xf32, #tpu.memory_space<vmem>>[vector<16xi32>, vector<16xi32>], vector<16xf32>,
    %broadcast_in_dim3A_1247 = arith.constant 4 : i32
    %broadcast_in_dim3A_1248 = vector.broadcast %broadcast_in_dim3A_1247 : i32 to vector<16xi32>
    tpu.vector_store_idx %arg14[%iota3A, %broadcast_in_dim3A_1248], %add3A_722 : memref<16x16xf32, #tpu.memory_space<vmem>>[vector<16xi32>, vector<16xi32>], vector<16xf32>,
    %broadcast_in_dim3A_1249 = arith.constant 5 : i32
    %broadcast_in_dim3A_1250 = vector.broadcast %broadcast_in_dim3A_1249 : i32 to vector<16xi32>
    tpu.vector_store_idx %arg14[%iota3A, %broadcast_in_dim3A_1250], %add3A_769 : memref<16x16xf32, #tpu.memory_space<vmem>>[vector<16xi32>, vector<16xi32>], vector<16xf32>,
    %broadcast_in_dim3A_1251 = arith.constant 6 : i32
    %broadcast_in_dim3A_1252 = vector.broadcast %broadcast_in_dim3A_1251 : i32 to vector<16xi32>
    tpu.vector_store_idx %arg14[%iota3A, %broadcast_in_dim3A_1252], %add3A_816 : memref<16x16xf32, #tpu.memory_space<vmem>>[vector<16xi32>, vector<16xi32>], vector<16xf32>,
    %broadcast_in_dim3A_1253 = arith.constant 7 : i32
    %broadcast_in_dim3A_1254 = vector.broadcast %broadcast_in_dim3A_1253 : i32 to vector<16xi32>
    tpu.vector_store_idx %arg14[%iota3A, %broadcast_in_dim3A_1254], %add3A_863 : memref<16x16xf32, #tpu.memory_space<vmem>>[vector<16xi32>, vector<16xi32>], vector<16xf32>,
    %broadcast_in_dim3A_1255 = arith.constant 8 : i32
    %broadcast_in_dim3A_1256 = vector.broadcast %broadcast_in_dim3A_1255 : i32 to vector<16xi32>
    tpu.vector_store_idx %arg14[%iota3A, %broadcast_in_dim3A_1256], %add3A_910 : memref<16x16xf32, #tpu.memory_space<vmem>>[vector<16xi32>, vector<16xi32>], vector<16xf32>,
    %broadcast_in_dim3A_1257 = arith.constant 9 : i32
    %broadcast_in_dim3A_1258 = vector.broadcast %broadcast_in_dim3A_1257 : i32 to vector<16xi32>
    tpu.vector_store_idx %arg14[%iota3A, %broadcast_in_dim3A_1258], %add3A_957 : memref<16x16xf32, #tpu.memory_space<vmem>>[vector<16xi32>, vector<16xi32>], vector<16xf32>,
    %broadcast_in_dim3A_1259 = arith.constant 10 : i32
    %broadcast_in_dim3A_1260 = vector.broadcast %broadcast_in_dim3A_1259 : i32 to vector<16xi32>
    tpu.vector_store_idx %arg14[%iota3A, %broadcast_in_dim3A_1260], %add3A_1004 : memref<16x16xf32, #tpu.memory_space<vmem>>[vector<16xi32>, vector<16xi32>], vector<16xf32>,
    %broadcast_in_dim3A_1261 = arith.constant 11 : i32
    %broadcast_in_dim3A_1262 = vector.broadcast %broadcast_in_dim3A_1261 : i32 to vector<16xi32>
    tpu.vector_store_idx %arg14[%iota3A, %broadcast_in_dim3A_1262], %add3A_1051 : memref<16x16xf32, #tpu.memory_space<vmem>>[vector<16xi32>, vector<16xi32>], vector<16xf32>,
    %broadcast_in_dim3A_1263 = arith.constant 12 : i32
    %broadcast_in_dim3A_1264 = vector.broadcast %broadcast_in_dim3A_1263 : i32 to vector<16xi32>
    tpu.vector_store_idx %arg14[%iota3A, %broadcast_in_dim3A_1264], %add3A_1098 : memref<16x16xf32, #tpu.memory_space<vmem>>[vector<16xi32>, vector<16xi32>], vector<16xf32>,
    %broadcast_in_dim3A_1265 = arith.constant 13 : i32
    %broadcast_in_dim3A_1266 = vector.broadcast %broadcast_in_dim3A_1265 : i32 to vector<16xi32>
    tpu.vector_store_idx %arg14[%iota3A, %broadcast_in_dim3A_1266], %add3A_1145 : memref<16x16xf32, #tpu.memory_space<vmem>>[vector<16xi32>, vector<16xi32>], vector<16xf32>,
    %broadcast_in_dim3A_1267 = arith.constant 14 : i32
    %broadcast_in_dim3A_1268 = vector.broadcast %broadcast_in_dim3A_1267 : i32 to vector<16xi32>
    tpu.vector_store_idx %arg14[%iota3A, %broadcast_in_dim3A_1268], %add3A_1192 : memref<16x16xf32, #tpu.memory_space<vmem>>[vector<16xi32>, vector<16xi32>], vector<16xf32>,
    %broadcast_in_dim3A_1269 = arith.constant 15 : i32
    %broadcast_in_dim3A_1270 = vector.broadcast %broadcast_in_dim3A_1269 : i32 to vector<16xi32>
    tpu.vector_store_idx %arg14[%iota3A, %broadcast_in_dim3A_1270], %add3A_1239 : memref<16x16xf32, #tpu.memory_space<vmem>>[vector<16xi32>, vector<16xi32>], vector<16xf32>,
    %get3A_1271 = arith.constant 0 : i32
    %get3A_1272 = arith.index_cast %get3A_1271 : i32 to index
    %get3A_1273 = arith.constant 0 : index
    %get3A_1274 = tpu.vector_load %arg14[%get3A_1272, %get3A_1273] {strides = array<i32>} : memref<16x16xf32, #tpu.memory_space<vmem>>, vector<16xf32>,
    %get3A_1275 = arith.constant 1 : i32
    %get3A_1276 = arith.index_cast %get3A_1275 : i32 to index
    %get3A_1277 = arith.constant 0 : index
    %get3A_1278 = tpu.vector_load %arg14[%get3A_1276, %get3A_1277] {strides = array<i32>} : memref<16x16xf32, #tpu.memory_space<vmem>>, vector<16xf32>,
    %add3A_1279 = arith.addf %get3A_1274, %get3A_1278 : vector<16xf32>
    %get3A_1280 = arith.constant 2 : i32
    %get3A_1281 = arith.index_cast %get3A_1280 : i32 to index
    %get3A_1282 = arith.constant 0 : index
    %get3A_1283 = tpu.vector_load %arg14[%get3A_1281, %get3A_1282] {strides = array<i32>} : memref<16x16xf32, #tpu.memory_space<vmem>>, vector<16xf32>,
    %add3A_1284 = arith.addf %add3A_1279, %get3A_1283 : vector<16xf32>
    %get3A_1285 = arith.constant 3 : i32
    %get3A_1286 = arith.index_cast %get3A_1285 : i32 to index
    %get3A_1287 = arith.constant 0 : index
    %get3A_1288 = tpu.vector_load %arg14[%get3A_1286, %get3A_1287] {strides = array<i32>} : memref<16x16xf32, #tpu.memory_space<vmem>>, vector<16xf32>,
    %add3A_1289 = arith.addf %add3A_1284, %get3A_1288 : vector<16xf32>
    %get3A_1290 = arith.constant 4 : i32
    %get3A_1291 = arith.index_cast %get3A_1290 : i32 to index
    %get3A_1292 = arith.constant 0 : index
    %get3A_1293 = tpu.vector_load %arg14[%get3A_1291, %get3A_1292] {strides = array<i32>} : memref<16x16xf32, #tpu.memory_space<vmem>>, vector<16xf32>,
    %add3A_1294 = arith.addf %add3A_1289, %get3A_1293 : vector<16xf32>
    %get3A_1295 = arith.constant 5 : i32
    %get3A_1296 = arith.index_cast %get3A_1295 : i32 to index
    %get3A_1297 = arith.constant 0 : index
    %get3A_1298 = tpu.vector_load %arg14[%get3A_1296, %get3A_1297] {strides = array<i32>} : memref<16x16xf32, #tpu.memory_space<vmem>>, vector<16xf32>,
    %add3A_1299 = arith.addf %add3A_1294, %get3A_1298 : vector<16xf32>
    %get3A_1300 = arith.constant 6 : i32
    %get3A_1301 = arith.index_cast %get3A_1300 : i32 to index
    %get3A_1302 = arith.constant 0 : index
    %get3A_1303 = tpu.vector_load %arg14[%get3A_1301, %get3A_1302] {strides = array<i32>} : memref<16x16xf32, #tpu.memory_space<vmem>>, vector<16xf32>,
    %add3A_1304 = arith.addf %add3A_1299, %get3A_1303 : vector<16xf32>
    %get3A_1305 = arith.constant 7 : i32
    %get3A_1306 = arith.index_cast %get3A_1305 : i32 to index
    %get3A_1307 = arith.constant 0 : index
    %get3A_1308 = tpu.vector_load %arg14[%get3A_1306, %get3A_1307] {strides = array<i32>} : memref<16x16xf32, #tpu.memory_space<vmem>>, vector<16xf32>,
    %add3A_1309 = arith.addf %add3A_1304, %get3A_1308 : vector<16xf32>
    %get3A_1310 = arith.constant 8 : i32
    %get3A_1311 = arith.index_cast %get3A_1310 : i32 to index
    %get3A_1312 = arith.constant 0 : index
    %get3A_1313 = tpu.vector_load %arg14[%get3A_1311, %get3A_1312] {strides = array<i32>} : memref<16x16xf32, #tpu.memory_space<vmem>>, vector<16xf32>,
    %add3A_1314 = arith.addf %add3A_1309, %get3A_1313 : vector<16xf32>
    %get3A_1315 = arith.constant 9 : i32
    %get3A_1316 = arith.index_cast %get3A_1315 : i32 to index
    %get3A_1317 = arith.constant 0 : index
    %get3A_1318 = tpu.vector_load %arg14[%get3A_1316, %get3A_1317] {strides = array<i32>} : memref<16x16xf32, #tpu.memory_space<vmem>>, vector<16xf32>,
    %add3A_1319 = arith.addf %add3A_1314, %get3A_1318 : vector<16xf32>
    %get3A_1320 = arith.constant 10 : i32
    %get3A_1321 = arith.index_cast %get3A_1320 : i32 to index
    %get3A_1322 = arith.constant 0 : index
    %get3A_1323 = tpu.vector_load %arg14[%get3A_1321, %get3A_1322] {strides = array<i32>} : memref<16x16xf32, #tpu.memory_space<vmem>>, vector<16xf32>,
    %add3A_1324 = arith.addf %add3A_1319, %get3A_1323 : vector<16xf32>
    %get3A_1325 = arith.constant 11 : i32
    %get3A_1326 = arith.index_cast %get3A_1325 : i32 to index
    %get3A_1327 = arith.constant 0 : index
    %get3A_1328 = tpu.vector_load %arg14[%get3A_1326, %get3A_1327] {strides = array<i32>} : memref<16x16xf32, #tpu.memory_space<vmem>>, vector<16xf32>,
    %add3A_1329 = arith.addf %add3A_1324, %get3A_1328 : vector<16xf32>
    %get3A_1330 = arith.constant 12 : i32
    %get3A_1331 = arith.index_cast %get3A_1330 : i32 to index
    %get3A_1332 = arith.constant 0 : index
    %get3A_1333 = tpu.vector_load %arg14[%get3A_1331, %get3A_1332] {strides = array<i32>} : memref<16x16xf32, #tpu.memory_space<vmem>>, vector<16xf32>,
    %add3A_1334 = arith.addf %add3A_1329, %get3A_1333 : vector<16xf32>
    %get3A_1335 = arith.constant 13 : i32
    %get3A_1336 = arith.index_cast %get3A_1335 : i32 to index
    %get3A_1337 = arith.constant 0 : index
    %get3A_1338 = tpu.vector_load %arg14[%get3A_1336, %get3A_1337] {strides = array<i32>} : memref<16x16xf32, #tpu.memory_space<vmem>>, vector<16xf32>,
    %add3A_1339 = arith.addf %add3A_1334, %get3A_1338 : vector<16xf32>
    %get3A_1340 = arith.constant 14 : i32
    %get3A_1341 = arith.index_cast %get3A_1340 : i32 to index
    %get3A_1342 = arith.constant 0 : index
    %get3A_1343 = tpu.vector_load %arg14[%get3A_1341, %get3A_1342] {strides = array<i32>} : memref<16x16xf32, #tpu.memory_space<vmem>>, vector<16xf32>,
    %add3A_1344 = arith.addf %add3A_1339, %get3A_1343 : vector<16xf32>
    %get3A_1345 = arith.constant 15 : i32
    %get3A_1346 = arith.index_cast %get3A_1345 : i32 to index
    %get3A_1347 = arith.constant 0 : index
    %get3A_1348 = tpu.vector_load %arg14[%get3A_1346, %get3A_1347] {strides = array<i32>} : memref<16x16xf32, #tpu.memory_space<vmem>>, vector<16xf32>,
    %add3A_1349 = arith.addf %add3A_1344, %get3A_1348 : vector<16xf32>
    %swap3A = arith.constant 0 : index
    %swap3A_1350 = tpu.vector_load %arg11[%swap3A] {strides = array<i32>} : memref<128xf32, #tpu.memory_space<vmem>>, vector<16xf32>,
    tpu.vector_store %arg11[%swap3A], %add3A_1349 {strides = array<i32>} : memref<128xf32, #tpu.memory_space<vmem>>, vector<16xf32>,
    "tpu.region"() ({
      %run_scoped3A = tpu.sem_alloc : memref<!tpu.dma_semaphore, #tpu.memory_space<semaphore_mem>>
      %dma_start3A_1722 = arith.constant 0 : i32
      %dma_start3A_1723 = tpu.memref_slice %arg15[%arg1, %dma_start3A_1722] : memref<16x128xf32, #tpu.memory_space<vmem_shared>> -> memref<1x128xf32, #tpu.memory_space<vmem_shared>>
      %dma_start3A_1724 = tpu.memref_squeeze %dma_start3A_1723 : memref<1x128xf32, #tpu.memory_space<vmem_shared>> -> memref<128xf32, #tpu.memory_space<vmem_shared>>
      %dma_start3A_1725 = arith.constant 0 : i32
      %dma_start3A_1726 = tpu.memref_slice %arg15[%arg1, %dma_start3A_1725] : memref<16x128xf32, #tpu.memory_space<vmem_shared>> -> memref<1x128xf32, #tpu.memory_space<vmem_shared>>
      %dma_start3A_1727 = tpu.memref_squeeze %dma_start3A_1726 : memref<1x128xf32, #tpu.memory_space<vmem_shared>> -> memref<128xf32, #tpu.memory_space<vmem_shared>>
      tpu.enqueue_dma source(%arg11 : memref<128xf32, #tpu.memory_space<vmem>>) target(%dma_start3A_1727 : memref<128xf32, #tpu.memory_space<vmem_shared>>) target_semaphore(%run_scoped3A : memref<!tpu.dma_semaphore, #tpu.memory_space<semaphore_mem>>)
      %dma_wait3A_1728 = arith.constant 0 : i32
      %dma_wait3A_1729 = tpu.memref_slice %arg15[%arg1, %dma_wait3A_1728] : memref<16x128xf32, #tpu.memory_space<vmem_shared>> -> memref<1x128xf32, #tpu.memory_space<vmem_shared>>
      %dma_wait3A_1730 = tpu.memref_squeeze %dma_wait3A_1729 : memref<1x128xf32, #tpu.memory_space<vmem_shared>> -> memref<128xf32, #tpu.memory_space<vmem_shared>>
      %dma_wait3A_1731 = arith.constant 0 : i32
      %dma_wait3A_1732 = tpu.memref_slice %arg15[%arg1, %dma_wait3A_1731] : memref<16x128xf32, #tpu.memory_space<vmem_shared>> -> memref<1x128xf32, #tpu.memory_space<vmem_shared>>
      %dma_wait3A_1733 = tpu.memref_squeeze %dma_wait3A_1732 : memref<1x128xf32, #tpu.memory_space<vmem_shared>> -> memref<128xf32, #tpu.memory_space<vmem_shared>>
      tpu.wait_dma2 semaphore(%run_scoped3A : memref<!tpu.dma_semaphore, #tpu.memory_space<semaphore_mem>>) src(%arg11 : memref<128xf32, #tpu.memory_space<vmem>>) dst(%dma_wait3A_1733 : memref<128xf32, #tpu.memory_space<vmem_shared>>)
      tpu.yield
    }) : () -> ()
    %barrier3A = arith.constant 0 : index
    tpu.barrier barrier_id(%barrier3A)
    "tpu.region"() ({
      %run_scoped3A = tpu.sem_alloc : memref<!tpu.dma_semaphore, #tpu.memory_space<semaphore_mem>>
      tpu.enqueue_dma source(%arg15 : memref<16x128xf32, #tpu.memory_space<vmem_shared>>) target(%arg12 : memref<16x128xf32, #tpu.memory_space<vmem>>) target_semaphore(%run_scoped3A : memref<!tpu.dma_semaphore, #tpu.memory_space<semaphore_mem>>)
      tpu.wait_dma2 semaphore(%run_scoped3A : memref<!tpu.dma_semaphore, #tpu.memory_space<semaphore_mem>>) src(%arg15 : memref<16x128xf32, #tpu.memory_space<vmem_shared>>) dst(%arg12 : memref<16x128xf32, #tpu.memory_space<vmem>>)
      tpu.yield
    }) : () -> ()
    %broadcast_in_dim3A_1351 = arith.constant 0.000000e+00 : f32
    %broadcast_in_dim3A_1352 = vector.broadcast %broadcast_in_dim3A_1351 : f32 to vector<16xf32>
    %get3A_1353 = arith.constant 0 : i32
    %get3A_1354 = arith.index_cast %get3A_1353 : i32 to index
    %get3A_1355 = arith.constant 0 : index
    %get3A_1356 = tpu.vector_load %arg12[%get3A_1354, %get3A_1355] {strides = array<i32>} : memref<16x128xf32, #tpu.memory_space<vmem>>, vector<16xf32>,
    %add3A_1357 = arith.addf %broadcast_in_dim3A_1352, %get3A_1356 : vector<16xf32>
    %get3A_1358 = arith.constant 1 : i32
    %get3A_1359 = arith.index_cast %get3A_1358 : i32 to index
    %get3A_1360 = arith.constant 0 : index
    %get3A_1361 = tpu.vector_load %arg12[%get3A_1359, %get3A_1360] {strides = array<i32>} : memref<16x128xf32, #tpu.memory_space<vmem>>, vector<16xf32>,
    %add3A_1362 = arith.addf %add3A_1357, %get3A_1361 : vector<16xf32>
    %get3A_1363 = arith.constant 2 : i32
    %get3A_1364 = arith.index_cast %get3A_1363 : i32 to index
    %get3A_1365 = arith.constant 0 : index
    %get3A_1366 = tpu.vector_load %arg12[%get3A_1364, %get3A_1365] {strides = array<i32>} : memref<16x128xf32, #tpu.memory_space<vmem>>, vector<16xf32>,
    %add3A_1367 = arith.addf %add3A_1362, %get3A_1366 : vector<16xf32>
    %get3A_1368 = arith.constant 3 : i32
    %get3A_1369 = arith.index_cast %get3A_1368 : i32 to index
    %get3A_1370 = arith.constant 0 : index
    %get3A_1371 = tpu.vector_load %arg12[%get3A_1369, %get3A_1370] {strides = array<i32>} : memref<16x128xf32, #tpu.memory_space<vmem>>, vector<16xf32>,
    %add3A_1372 = arith.addf %add3A_1367, %get3A_1371 : vector<16xf32>
    %get3A_1373 = arith.constant 4 : i32
    %get3A_1374 = arith.index_cast %get3A_1373 : i32 to index
    %get3A_1375 = arith.constant 0 : index
    %get3A_1376 = tpu.vector_load %arg12[%get3A_1374, %get3A_1375] {strides = array<i32>} : memref<16x128xf32, #tpu.memory_space<vmem>>, vector<16xf32>,
    %add3A_1377 = arith.addf %add3A_1372, %get3A_1376 : vector<16xf32>
    %get3A_1378 = arith.constant 5 : i32
    %get3A_1379 = arith.index_cast %get3A_1378 : i32 to index
    %get3A_1380 = arith.constant 0 : index
    %get3A_1381 = tpu.vector_load %arg12[%get3A_1379, %get3A_1380] {strides = array<i32>} : memref<16x128xf32, #tpu.memory_space<vmem>>, vector<16xf32>,
    %add3A_1382 = arith.addf %add3A_1377, %get3A_1381 : vector<16xf32>
    %get3A_1383 = arith.constant 6 : i32
    %get3A_1384 = arith.index_cast %get3A_1383 : i32 to index
    %get3A_1385 = arith.constant 0 : index
    %get3A_1386 = tpu.vector_load %arg12[%get3A_1384, %get3A_1385] {strides = array<i32>} : memref<16x128xf32, #tpu.memory_space<vmem>>, vector<16xf32>,
    %add3A_1387 = arith.addf %add3A_1382, %get3A_1386 : vector<16xf32>
    %get3A_1388 = arith.constant 7 : i32
    %get3A_1389 = arith.index_cast %get3A_1388 : i32 to index
    %get3A_1390 = arith.constant 0 : index
    %get3A_1391 = tpu.vector_load %arg12[%get3A_1389, %get3A_1390] {strides = array<i32>} : memref<16x128xf32, #tpu.memory_space<vmem>>, vector<16xf32>,
    %add3A_1392 = arith.addf %add3A_1387, %get3A_1391 : vector<16xf32>
    %get3A_1393 = arith.constant 8 : i32
    %get3A_1394 = arith.index_cast %get3A_1393 : i32 to index
    %get3A_1395 = arith.constant 0 : index
    %get3A_1396 = tpu.vector_load %arg12[%get3A_1394, %get3A_1395] {strides = array<i32>} : memref<16x128xf32, #tpu.memory_space<vmem>>, vector<16xf32>,
    %add3A_1397 = arith.addf %add3A_1392, %get3A_1396 : vector<16xf32>
    %get3A_1398 = arith.constant 9 : i32
    %get3A_1399 = arith.index_cast %get3A_1398 : i32 to index
    %get3A_1400 = arith.constant 0 : index
    %get3A_1401 = tpu.vector_load %arg12[%get3A_1399, %get3A_1400] {strides = array<i32>} : memref<16x128xf32, #tpu.memory_space<vmem>>, vector<16xf32>,
    %add3A_1402 = arith.addf %add3A_1397, %get3A_1401 : vector<16xf32>
    %get3A_1403 = arith.constant 10 : i32
    %get3A_1404 = arith.index_cast %get3A_1403 : i32 to index
    %get3A_1405 = arith.constant 0 : index
    %get3A_1406 = tpu.vector_load %arg12[%get3A_1404, %get3A_1405] {strides = array<i32>} : memref<16x128xf32, #tpu.memory_space<vmem>>, vector<16xf32>,
    %add3A_1407 = arith.addf %add3A_1402, %get3A_1406 : vector<16xf32>
    %get3A_1408 = arith.constant 11 : i32
    %get3A_1409 = arith.index_cast %get3A_1408 : i32 to index
    %get3A_1410 = arith.constant 0 : index
    %get3A_1411 = tpu.vector_load %arg12[%get3A_1409, %get3A_1410] {strides = array<i32>} : memref<16x128xf32, #tpu.memory_space<vmem>>, vector<16xf32>,
    %add3A_1412 = arith.addf %add3A_1407, %get3A_1411 : vector<16xf32>
    %get3A_1413 = arith.constant 12 : i32
    %get3A_1414 = arith.index_cast %get3A_1413 : i32 to index
    %get3A_1415 = arith.constant 0 : index
    %get3A_1416 = tpu.vector_load %arg12[%get3A_1414, %get3A_1415] {strides = array<i32>} : memref<16x128xf32, #tpu.memory_space<vmem>>, vector<16xf32>,
    %add3A_1417 = arith.addf %add3A_1412, %get3A_1416 : vector<16xf32>
    %get3A_1418 = arith.constant 13 : i32
    %get3A_1419 = arith.index_cast %get3A_1418 : i32 to index
    %get3A_1420 = arith.constant 0 : index
    %get3A_1421 = tpu.vector_load %arg12[%get3A_1419, %get3A_1420] {strides = array<i32>} : memref<16x128xf32, #tpu.memory_space<vmem>>, vector<16xf32>,
    %add3A_1422 = arith.addf %add3A_1417, %get3A_1421 : vector<16xf32>
    %get3A_1423 = arith.constant 14 : i32
    %get3A_1424 = arith.index_cast %get3A_1423 : i32 to index
    %get3A_1425 = arith.constant 0 : index
    %get3A_1426 = tpu.vector_load %arg12[%get3A_1424, %get3A_1425] {strides = array<i32>} : memref<16x128xf32, #tpu.memory_space<vmem>>, vector<16xf32>,
    %add3A_1427 = arith.addf %add3A_1422, %get3A_1426 : vector<16xf32>
    %get3A_1428 = arith.constant 15 : i32
    %get3A_1429 = arith.index_cast %get3A_1428 : i32 to index
    %get3A_1430 = arith.constant 0 : index
    %get3A_1431 = tpu.vector_load %arg12[%get3A_1429, %get3A_1430] {strides = array<i32>} : memref<16x128xf32, #tpu.memory_space<vmem>>, vector<16xf32>,
    %add3A_1432 = arith.addf %add3A_1427, %get3A_1431 : vector<16xf32>
    %broadcast_in_dim3A_1433 = arith.constant 0 : i32
    %broadcast_in_dim3A_1434 = vector.broadcast %broadcast_in_dim3A_1433 : i32 to vector<16xi32>
    %lt3A = arith.constant 0 : i32
    %lt3A_1435 = vector.broadcast %lt3A : i32 to vector<16xi32>
    %lt3A_1436 = arith.cmpi slt, %broadcast_in_dim3A_1434, %lt3A_1435 : vector<16xi32>
    %add3A_1437 = arith.constant 16 : i32
    %add3A_1438 = vector.broadcast %add3A_1437 : i32 to vector<16xi32>
    %add3A_1439 = arith.addi %broadcast_in_dim3A_1434, %add3A_1438 : vector<16xi32>
    %select_n3A = arith.select %lt3A_1436, %add3A_1439, %broadcast_in_dim3A_1434 : vector<16xi1>, vector<16xi32>
    %reshape3A = vector.shape_cast %select_n3A : vector<16xi32> to vector<16x1xi32>
    %gather3A = vector.shape_cast %reshape3A : vector<16x1xi32> to vector<16xi32>
    %gather3A_1440 = tpu.dynamic_gather %add3A_1432[%gather3A] in [0] : vector<16xf32>, vector<16xi32> -> vector<16xf32>
    %broadcast_in_dim3A_1441 = arith.constant 1 : i32
    %broadcast_in_dim3A_1442 = vector.broadcast %broadcast_in_dim3A_1441 : i32 to vector<16xi32>
    %lt3A_1443 = arith.constant 0 : i32
    %lt3A_1444 = vector.broadcast %lt3A_1443 : i32 to vector<16xi32>
    %lt3A_1445 = arith.cmpi slt, %broadcast_in_dim3A_1442, %lt3A_1444 : vector<16xi32>
    %add3A_1446 = arith.constant 16 : i32
    %add3A_1447 = vector.broadcast %add3A_1446 : i32 to vector<16xi32>
    %add3A_1448 = arith.addi %broadcast_in_dim3A_1442, %add3A_1447 : vector<16xi32>
    %select_n3A_1449 = arith.select %lt3A_1445, %add3A_1448, %broadcast_in_dim3A_1442 : vector<16xi1>, vector<16xi32>
    %reshape3A_1450 = vector.shape_cast %select_n3A_1449 : vector<16xi32> to vector<16x1xi32>
    %gather3A_1451 = vector.shape_cast %reshape3A_1450 : vector<16x1xi32> to vector<16xi32>
    %gather3A_1452 = tpu.dynamic_gather %add3A_1432[%gather3A_1451] in [0] : vector<16xf32>, vector<16xi32> -> vector<16xf32>
    %broadcast_in_dim3A_1453 = arith.constant 2 : i32
    %broadcast_in_dim3A_1454 = vector.broadcast %broadcast_in_dim3A_1453 : i32 to vector<16xi32>
    %lt3A_1455 = arith.constant 0 : i32
    %lt3A_1456 = vector.broadcast %lt3A_1455 : i32 to vector<16xi32>
    %lt3A_1457 = arith.cmpi slt, %broadcast_in_dim3A_1454, %lt3A_1456 : vector<16xi32>
    %add3A_1458 = arith.constant 16 : i32
    %add3A_1459 = vector.broadcast %add3A_1458 : i32 to vector<16xi32>
    %add3A_1460 = arith.addi %broadcast_in_dim3A_1454, %add3A_1459 : vector<16xi32>
    %select_n3A_1461 = arith.select %lt3A_1457, %add3A_1460, %broadcast_in_dim3A_1454 : vector<16xi1>, vector<16xi32>
    %reshape3A_1462 = vector.shape_cast %select_n3A_1461 : vector<16xi32> to vector<16x1xi32>
    %gather3A_1463 = vector.shape_cast %reshape3A_1462 : vector<16x1xi32> to vector<16xi32>
    %gather3A_1464 = tpu.dynamic_gather %add3A_1432[%gather3A_1463] in [0] : vector<16xf32>, vector<16xi32> -> vector<16xf32>
    %broadcast_in_dim3A_1465 = arith.constant 3 : i32
    %broadcast_in_dim3A_1466 = vector.broadcast %broadcast_in_dim3A_1465 : i32 to vector<16xi32>
    %lt3A_1467 = arith.constant 0 : i32
    %lt3A_1468 = vector.broadcast %lt3A_1467 : i32 to vector<16xi32>
    %lt3A_1469 = arith.cmpi slt, %broadcast_in_dim3A_1466, %lt3A_1468 : vector<16xi32>
    %add3A_1470 = arith.constant 16 : i32
    %add3A_1471 = vector.broadcast %add3A_1470 : i32 to vector<16xi32>
    %add3A_1472 = arith.addi %broadcast_in_dim3A_1466, %add3A_1471 : vector<16xi32>
    %select_n3A_1473 = arith.select %lt3A_1469, %add3A_1472, %broadcast_in_dim3A_1466 : vector<16xi1>, vector<16xi32>
    %reshape3A_1474 = vector.shape_cast %select_n3A_1473 : vector<16xi32> to vector<16x1xi32>
    %gather3A_1475 = vector.shape_cast %reshape3A_1474 : vector<16x1xi32> to vector<16xi32>
    %gather3A_1476 = tpu.dynamic_gather %add3A_1432[%gather3A_1475] in [0] : vector<16xf32>, vector<16xi32> -> vector<16xf32>
    %broadcast_in_dim3A_1477 = arith.constant 4 : i32
    %broadcast_in_dim3A_1478 = vector.broadcast %broadcast_in_dim3A_1477 : i32 to vector<16xi32>
    %lt3A_1479 = arith.constant 0 : i32
    %lt3A_1480 = vector.broadcast %lt3A_1479 : i32 to vector<16xi32>
    %lt3A_1481 = arith.cmpi slt, %broadcast_in_dim3A_1478, %lt3A_1480 : vector<16xi32>
    %add3A_1482 = arith.constant 16 : i32
    %add3A_1483 = vector.broadcast %add3A_1482 : i32 to vector<16xi32>
    %add3A_1484 = arith.addi %broadcast_in_dim3A_1478, %add3A_1483 : vector<16xi32>
    %select_n3A_1485 = arith.select %lt3A_1481, %add3A_1484, %broadcast_in_dim3A_1478 : vector<16xi1>, vector<16xi32>
    %reshape3A_1486 = vector.shape_cast %select_n3A_1485 : vector<16xi32> to vector<16x1xi32>
    %gather3A_1487 = vector.shape_cast %reshape3A_1486 : vector<16x1xi32> to vector<16xi32>
    %gather3A_1488 = tpu.dynamic_gather %add3A_1432[%gather3A_1487] in [0] : vector<16xf32>, vector<16xi32> -> vector<16xf32>
    %broadcast_in_dim3A_1489 = arith.constant 5 : i32
    %broadcast_in_dim3A_1490 = vector.broadcast %broadcast_in_dim3A_1489 : i32 to vector<16xi32>
    %lt3A_1491 = arith.constant 0 : i32
    %lt3A_1492 = vector.broadcast %lt3A_1491 : i32 to vector<16xi32>
    %lt3A_1493 = arith.cmpi slt, %broadcast_in_dim3A_1490, %lt3A_1492 : vector<16xi32>
    %add3A_1494 = arith.constant 16 : i32
    %add3A_1495 = vector.broadcast %add3A_1494 : i32 to vector<16xi32>
    %add3A_1496 = arith.addi %broadcast_in_dim3A_1490, %add3A_1495 : vector<16xi32>
    %select_n3A_1497 = arith.select %lt3A_1493, %add3A_1496, %broadcast_in_dim3A_1490 : vector<16xi1>, vector<16xi32>
    %reshape3A_1498 = vector.shape_cast %select_n3A_1497 : vector<16xi32> to vector<16x1xi32>
    %gather3A_1499 = vector.shape_cast %reshape3A_1498 : vector<16x1xi32> to vector<16xi32>
    %gather3A_1500 = tpu.dynamic_gather %add3A_1432[%gather3A_1499] in [0] : vector<16xf32>, vector<16xi32> -> vector<16xf32>
    %broadcast_in_dim3A_1501 = arith.constant 6 : i32
    %broadcast_in_dim3A_1502 = vector.broadcast %broadcast_in_dim3A_1501 : i32 to vector<16xi32>
    %lt3A_1503 = arith.constant 0 : i32
    %lt3A_1504 = vector.broadcast %lt3A_1503 : i32 to vector<16xi32>
    %lt3A_1505 = arith.cmpi slt, %broadcast_in_dim3A_1502, %lt3A_1504 : vector<16xi32>
    %add3A_1506 = arith.constant 16 : i32
    %add3A_1507 = vector.broadcast %add3A_1506 : i32 to vector<16xi32>
    %add3A_1508 = arith.addi %broadcast_in_dim3A_1502, %add3A_1507 : vector<16xi32>
    %select_n3A_1509 = arith.select %lt3A_1505, %add3A_1508, %broadcast_in_dim3A_1502 : vector<16xi1>, vector<16xi32>
    %reshape3A_1510 = vector.shape_cast %select_n3A_1509 : vector<16xi32> to vector<16x1xi32>
    %gather3A_1511 = vector.shape_cast %reshape3A_1510 : vector<16x1xi32> to vector<16xi32>
    %gather3A_1512 = tpu.dynamic_gather %add3A_1432[%gather3A_1511] in [0] : vector<16xf32>, vector<16xi32> -> vector<16xf32>
    %broadcast_in_dim3A_1513 = arith.constant 7 : i32
    %broadcast_in_dim3A_1514 = vector.broadcast %broadcast_in_dim3A_1513 : i32 to vector<16xi32>
    %lt3A_1515 = arith.constant 0 : i32
    %lt3A_1516 = vector.broadcast %lt3A_1515 : i32 to vector<16xi32>
    %lt3A_1517 = arith.cmpi slt, %broadcast_in_dim3A_1514, %lt3A_1516 : vector<16xi32>
    %add3A_1518 = arith.constant 16 : i32
    %add3A_1519 = vector.broadcast %add3A_1518 : i32 to vector<16xi32>
    %add3A_1520 = arith.addi %broadcast_in_dim3A_1514, %add3A_1519 : vector<16xi32>
    %select_n3A_1521 = arith.select %lt3A_1517, %add3A_1520, %broadcast_in_dim3A_1514 : vector<16xi1>, vector<16xi32>
    %reshape3A_1522 = vector.shape_cast %select_n3A_1521 : vector<16xi32> to vector<16x1xi32>
    %gather3A_1523 = vector.shape_cast %reshape3A_1522 : vector<16x1xi32> to vector<16xi32>
    %gather3A_1524 = tpu.dynamic_gather %add3A_1432[%gather3A_1523] in [0] : vector<16xf32>, vector<16xi32> -> vector<16xf32>
    %broadcast_in_dim3A_1525 = arith.constant 8 : i32
    %broadcast_in_dim3A_1526 = vector.broadcast %broadcast_in_dim3A_1525 : i32 to vector<16xi32>
    %lt3A_1527 = arith.constant 0 : i32
    %lt3A_1528 = vector.broadcast %lt3A_1527 : i32 to vector<16xi32>
    %lt3A_1529 = arith.cmpi slt, %broadcast_in_dim3A_1526, %lt3A_1528 : vector<16xi32>
    %add3A_1530 = arith.constant 16 : i32
    %add3A_1531 = vector.broadcast %add3A_1530 : i32 to vector<16xi32>
    %add3A_1532 = arith.addi %broadcast_in_dim3A_1526, %add3A_1531 : vector<16xi32>
    %select_n3A_1533 = arith.select %lt3A_1529, %add3A_1532, %broadcast_in_dim3A_1526 : vector<16xi1>, vector<16xi32>
    %reshape3A_1534 = vector.shape_cast %select_n3A_1533 : vector<16xi32> to vector<16x1xi32>
    %gather3A_1535 = vector.shape_cast %reshape3A_1534 : vector<16x1xi32> to vector<16xi32>
    %gather3A_1536 = tpu.dynamic_gather %add3A_1432[%gather3A_1535] in [0] : vector<16xf32>, vector<16xi32> -> vector<16xf32>
    %broadcast_in_dim3A_1537 = arith.constant 9 : i32
    %broadcast_in_dim3A_1538 = vector.broadcast %broadcast_in_dim3A_1537 : i32 to vector<16xi32>
    %lt3A_1539 = arith.constant 0 : i32
    %lt3A_1540 = vector.broadcast %lt3A_1539 : i32 to vector<16xi32>
    %lt3A_1541 = arith.cmpi slt, %broadcast_in_dim3A_1538, %lt3A_1540 : vector<16xi32>
    %add3A_1542 = arith.constant 16 : i32
    %add3A_1543 = vector.broadcast %add3A_1542 : i32 to vector<16xi32>
    %add3A_1544 = arith.addi %broadcast_in_dim3A_1538, %add3A_1543 : vector<16xi32>
    %select_n3A_1545 = arith.select %lt3A_1541, %add3A_1544, %broadcast_in_dim3A_1538 : vector<16xi1>, vector<16xi32>
    %reshape3A_1546 = vector.shape_cast %select_n3A_1545 : vector<16xi32> to vector<16x1xi32>
    %gather3A_1547 = vector.shape_cast %reshape3A_1546 : vector<16x1xi32> to vector<16xi32>
    %gather3A_1548 = tpu.dynamic_gather %add3A_1432[%gather3A_1547] in [0] : vector<16xf32>, vector<16xi32> -> vector<16xf32>
    %broadcast_in_dim3A_1549 = arith.constant 10 : i32
    %broadcast_in_dim3A_1550 = vector.broadcast %broadcast_in_dim3A_1549 : i32 to vector<16xi32>
    %lt3A_1551 = arith.constant 0 : i32
    %lt3A_1552 = vector.broadcast %lt3A_1551 : i32 to vector<16xi32>
    %lt3A_1553 = arith.cmpi slt, %broadcast_in_dim3A_1550, %lt3A_1552 : vector<16xi32>
    %add3A_1554 = arith.constant 16 : i32
    %add3A_1555 = vector.broadcast %add3A_1554 : i32 to vector<16xi32>
    %add3A_1556 = arith.addi %broadcast_in_dim3A_1550, %add3A_1555 : vector<16xi32>
    %select_n3A_1557 = arith.select %lt3A_1553, %add3A_1556, %broadcast_in_dim3A_1550 : vector<16xi1>, vector<16xi32>
    %reshape3A_1558 = vector.shape_cast %select_n3A_1557 : vector<16xi32> to vector<16x1xi32>
    %gather3A_1559 = vector.shape_cast %reshape3A_1558 : vector<16x1xi32> to vector<16xi32>
    %gather3A_1560 = tpu.dynamic_gather %add3A_1432[%gather3A_1559] in [0] : vector<16xf32>, vector<16xi32> -> vector<16xf32>
    %broadcast_in_dim3A_1561 = arith.constant 11 : i32
    %broadcast_in_dim3A_1562 = vector.broadcast %broadcast_in_dim3A_1561 : i32 to vector<16xi32>
    %lt3A_1563 = arith.constant 0 : i32
    %lt3A_1564 = vector.broadcast %lt3A_1563 : i32 to vector<16xi32>
    %lt3A_1565 = arith.cmpi slt, %broadcast_in_dim3A_1562, %lt3A_1564 : vector<16xi32>
    %add3A_1566 = arith.constant 16 : i32
    %add3A_1567 = vector.broadcast %add3A_1566 : i32 to vector<16xi32>
    %add3A_1568 = arith.addi %broadcast_in_dim3A_1562, %add3A_1567 : vector<16xi32>
    %select_n3A_1569 = arith.select %lt3A_1565, %add3A_1568, %broadcast_in_dim3A_1562 : vector<16xi1>, vector<16xi32>
    %reshape3A_1570 = vector.shape_cast %select_n3A_1569 : vector<16xi32> to vector<16x1xi32>
    %gather3A_1571 = vector.shape_cast %reshape3A_1570 : vector<16x1xi32> to vector<16xi32>
    %gather3A_1572 = tpu.dynamic_gather %add3A_1432[%gather3A_1571] in [0] : vector<16xf32>, vector<16xi32> -> vector<16xf32>
    %broadcast_in_dim3A_1573 = arith.constant 12 : i32
    %broadcast_in_dim3A_1574 = vector.broadcast %broadcast_in_dim3A_1573 : i32 to vector<16xi32>
    %lt3A_1575 = arith.constant 0 : i32
    %lt3A_1576 = vector.broadcast %lt3A_1575 : i32 to vector<16xi32>
    %lt3A_1577 = arith.cmpi slt, %broadcast_in_dim3A_1574, %lt3A_1576 : vector<16xi32>
    %add3A_1578 = arith.constant 16 : i32
    %add3A_1579 = vector.broadcast %add3A_1578 : i32 to vector<16xi32>
    %add3A_1580 = arith.addi %broadcast_in_dim3A_1574, %add3A_1579 : vector<16xi32>
    %select_n3A_1581 = arith.select %lt3A_1577, %add3A_1580, %broadcast_in_dim3A_1574 : vector<16xi1>, vector<16xi32>
    %reshape3A_1582 = vector.shape_cast %select_n3A_1581 : vector<16xi32> to vector<16x1xi32>
    %gather3A_1583 = vector.shape_cast %reshape3A_1582 : vector<16x1xi32> to vector<16xi32>
    %gather3A_1584 = tpu.dynamic_gather %add3A_1432[%gather3A_1583] in [0] : vector<16xf32>, vector<16xi32> -> vector<16xf32>
    %broadcast_in_dim3A_1585 = arith.constant 13 : i32
    %broadcast_in_dim3A_1586 = vector.broadcast %broadcast_in_dim3A_1585 : i32 to vector<16xi32>
    %lt3A_1587 = arith.constant 0 : i32
    %lt3A_1588 = vector.broadcast %lt3A_1587 : i32 to vector<16xi32>
    %lt3A_1589 = arith.cmpi slt, %broadcast_in_dim3A_1586, %lt3A_1588 : vector<16xi32>
    %add3A_1590 = arith.constant 16 : i32
    %add3A_1591 = vector.broadcast %add3A_1590 : i32 to vector<16xi32>
    %add3A_1592 = arith.addi %broadcast_in_dim3A_1586, %add3A_1591 : vector<16xi32>
    %select_n3A_1593 = arith.select %lt3A_1589, %add3A_1592, %broadcast_in_dim3A_1586 : vector<16xi1>, vector<16xi32>
    %reshape3A_1594 = vector.shape_cast %select_n3A_1593 : vector<16xi32> to vector<16x1xi32>
    %gather3A_1595 = vector.shape_cast %reshape3A_1594 : vector<16x1xi32> to vector<16xi32>
    %gather3A_1596 = tpu.dynamic_gather %add3A_1432[%gather3A_1595] in [0] : vector<16xf32>, vector<16xi32> -> vector<16xf32>
    %broadcast_in_dim3A_1597 = arith.constant 14 : i32
    %broadcast_in_dim3A_1598 = vector.broadcast %broadcast_in_dim3A_1597 : i32 to vector<16xi32>
    %lt3A_1599 = arith.constant 0 : i32
    %lt3A_1600 = vector.broadcast %lt3A_1599 : i32 to vector<16xi32>
    %lt3A_1601 = arith.cmpi slt, %broadcast_in_dim3A_1598, %lt3A_1600 : vector<16xi32>
    %add3A_1602 = arith.constant 16 : i32
    %add3A_1603 = vector.broadcast %add3A_1602 : i32 to vector<16xi32>
    %add3A_1604 = arith.addi %broadcast_in_dim3A_1598, %add3A_1603 : vector<16xi32>
    %select_n3A_1605 = arith.select %lt3A_1601, %add3A_1604, %broadcast_in_dim3A_1598 : vector<16xi1>, vector<16xi32>
    %reshape3A_1606 = vector.shape_cast %select_n3A_1605 : vector<16xi32> to vector<16x1xi32>
    %gather3A_1607 = vector.shape_cast %reshape3A_1606 : vector<16x1xi32> to vector<16xi32>
    %gather3A_1608 = tpu.dynamic_gather %add3A_1432[%gather3A_1607] in [0] : vector<16xf32>, vector<16xi32> -> vector<16xf32>
    %broadcast_in_dim3A_1609 = arith.constant 15 : i32
    %broadcast_in_dim3A_1610 = vector.broadcast %broadcast_in_dim3A_1609 : i32 to vector<16xi32>
    %lt3A_1611 = arith.constant 0 : i32
    %lt3A_1612 = vector.broadcast %lt3A_1611 : i32 to vector<16xi32>
    %lt3A_1613 = arith.cmpi slt, %broadcast_in_dim3A_1610, %lt3A_1612 : vector<16xi32>
    %add3A_1614 = arith.constant 16 : i32
    %add3A_1615 = vector.broadcast %add3A_1614 : i32 to vector<16xi32>
    %add3A_1616 = arith.addi %broadcast_in_dim3A_1610, %add3A_1615 : vector<16xi32>
    %select_n3A_1617 = arith.select %lt3A_1613, %add3A_1616, %broadcast_in_dim3A_1610 : vector<16xi1>, vector<16xi32>
    %reshape3A_1618 = vector.shape_cast %select_n3A_1617 : vector<16xi32> to vector<16x1xi32>
    %gather3A_1619 = vector.shape_cast %reshape3A_1618 : vector<16x1xi32> to vector<16xi32>
    %gather3A_1620 = tpu.dynamic_gather %add3A_1432[%gather3A_1619] in [0] : vector<16xf32>, vector<16xi32> -> vector<16xf32>
    %dma_wait3A_1621 = arith.constant 0 : i32
    %dma_wait3A_1622 = tpu.memref_slice %arg9[%dma_wait3A_1621] : memref<2048xf32, #tpu.memory_space<vmem>> -> memref<128xf32, #tpu.memory_space<vmem>>
    %dma_wait3A_1623 = arith.constant 0 : i32
    %dma_wait3A_1624 = tpu.memref_slice %arg7[%dma_wait3A_1623] : memref<2048xi32, #tpu.memory_space<vmem>> -> memref<128xi32, #tpu.memory_space<vmem>>
    %dma_wait3A_1625 = arith.constant 0 : i32
    %dma_wait3A_1626 = tpu.memref_slice %arg4[%dma_wait3A_1625] : memref<16777216xf32, #tpu.memory_space<hbm>> -> memref<16777216xf32, #tpu.memory_space<hbm>>
    tpu.wait_indirect_dma semaphore(%arg16 : memref<!tpu.dma_semaphore, #tpu.memory_space<semaphore_mem>>) src(%dma_wait3A_1626 : memref<16777216xf32, #tpu.memory_space<hbm>>) dst(%dma_wait3A_1622 : memref<128xf32, #tpu.memory_space<vmem>>)
    %dma_wait3A_1627 = arith.constant 128 : i32
    %dma_wait3A_1628 = tpu.memref_slice %arg9[%dma_wait3A_1627] : memref<2048xf32, #tpu.memory_space<vmem>> -> memref<128xf32, #tpu.memory_space<vmem>>
    %dma_wait3A_1629 = arith.constant 128 : i32
    %dma_wait3A_1630 = tpu.memref_slice %arg7[%dma_wait3A_1629] : memref<2048xi32, #tpu.memory_space<vmem>> -> memref<128xi32, #tpu.memory_space<vmem>>
    %dma_wait3A_1631 = arith.constant 0 : i32
    %dma_wait3A_1632 = tpu.memref_slice %arg4[%dma_wait3A_1631] : memref<16777216xf32, #tpu.memory_space<hbm>> -> memref<16777216xf32, #tpu.memory_space<hbm>>
    tpu.wait_indirect_dma semaphore(%arg16 : memref<!tpu.dma_semaphore, #tpu.memory_space<semaphore_mem>>) src(%dma_wait3A_1632 : memref<16777216xf32, #tpu.memory_space<hbm>>) dst(%dma_wait3A_1628 : memref<128xf32, #tpu.memory_space<vmem>>)
    %dma_wait3A_1633 = arith.constant 256 : i32
    %dma_wait3A_1634 = tpu.memref_slice %arg9[%dma_wait3A_1633] : memref<2048xf32, #tpu.memory_space<vmem>> -> memref<128xf32, #tpu.memory_space<vmem>>
    %dma_wait3A_1635 = arith.constant 256 : i32
    %dma_wait3A_1636 = tpu.memref_slice %arg7[%dma_wait3A_1635] : memref<2048xi32, #tpu.memory_space<vmem>> -> memref<128xi32, #tpu.memory_space<vmem>>
    %dma_wait3A_1637 = arith.constant 0 : i32
    %dma_wait3A_1638 = tpu.memref_slice %arg4[%dma_wait3A_1637] : memref<16777216xf32, #tpu.memory_space<hbm>> -> memref<16777216xf32, #tpu.memory_space<hbm>>
    tpu.wait_indirect_dma semaphore(%arg16 : memref<!tpu.dma_semaphore, #tpu.memory_space<semaphore_mem>>) src(%dma_wait3A_1638 : memref<16777216xf32, #tpu.memory_space<hbm>>) dst(%dma_wait3A_1634 : memref<128xf32, #tpu.memory_space<vmem>>)
    %dma_wait3A_1639 = arith.constant 384 : i32
    %dma_wait3A_1640 = tpu.memref_slice %arg9[%dma_wait3A_1639] : memref<2048xf32, #tpu.memory_space<vmem>> -> memref<128xf32, #tpu.memory_space<vmem>>
    %dma_wait3A_1641 = arith.constant 384 : i32
    %dma_wait3A_1642 = tpu.memref_slice %arg7[%dma_wait3A_1641] : memref<2048xi32, #tpu.memory_space<vmem>> -> memref<128xi32, #tpu.memory_space<vmem>>
    %dma_wait3A_1643 = arith.constant 0 : i32
    %dma_wait3A_1644 = tpu.memref_slice %arg4[%dma_wait3A_1643] : memref<16777216xf32, #tpu.memory_space<hbm>> -> memref<16777216xf32, #tpu.memory_space<hbm>>
    tpu.wait_indirect_dma semaphore(%arg16 : memref<!tpu.dma_semaphore, #tpu.memory_space<semaphore_mem>>) src(%dma_wait3A_1644 : memref<16777216xf32, #tpu.memory_space<hbm>>) dst(%dma_wait3A_1640 : memref<128xf32, #tpu.memory_space<vmem>>)
    %dma_wait3A_1645 = arith.constant 512 : i32
    %dma_wait3A_1646 = tpu.memref_slice %arg9[%dma_wait3A_1645] : memref<2048xf32, #tpu.memory_space<vmem>> -> memref<128xf32, #tpu.memory_space<vmem>>
    %dma_wait3A_1647 = arith.constant 512 : i32
    %dma_wait3A_1648 = tpu.memref_slice %arg7[%dma_wait3A_1647] : memref<2048xi32, #tpu.memory_space<vmem>> -> memref<128xi32, #tpu.memory_space<vmem>>
    %dma_wait3A_1649 = arith.constant 0 : i32
    %dma_wait3A_1650 = tpu.memref_slice %arg4[%dma_wait3A_1649] : memref<16777216xf32, #tpu.memory_space<hbm>> -> memref<16777216xf32, #tpu.memory_space<hbm>>
    tpu.wait_indirect_dma semaphore(%arg16 : memref<!tpu.dma_semaphore, #tpu.memory_space<semaphore_mem>>) src(%dma_wait3A_1650 : memref<16777216xf32, #tpu.memory_space<hbm>>) dst(%dma_wait3A_1646 : memref<128xf32, #tpu.memory_space<vmem>>)
    %dma_wait3A_1651 = arith.constant 640 : i32
    %dma_wait3A_1652 = tpu.memref_slice %arg9[%dma_wait3A_1651] : memref<2048xf32, #tpu.memory_space<vmem>> -> memref<128xf32, #tpu.memory_space<vmem>>
    %dma_wait3A_1653 = arith.constant 640 : i32
    %dma_wait3A_1654 = tpu.memref_slice %arg7[%dma_wait3A_1653] : memref<2048xi32, #tpu.memory_space<vmem>> -> memref<128xi32, #tpu.memory_space<vmem>>
    %dma_wait3A_1655 = arith.constant 0 : i32
    %dma_wait3A_1656 = tpu.memref_slice %arg4[%dma_wait3A_1655] : memref<16777216xf32, #tpu.memory_space<hbm>> -> memref<16777216xf32, #tpu.memory_space<hbm>>
    tpu.wait_indirect_dma semaphore(%arg16 : memref<!tpu.dma_semaphore, #tpu.memory_space<semaphore_mem>>) src(%dma_wait3A_1656 : memref<16777216xf32, #tpu.memory_space<hbm>>) dst(%dma_wait3A_1652 : memref<128xf32, #tpu.memory_space<vmem>>)
    %dma_wait3A_1657 = arith.constant 768 : i32
    %dma_wait3A_1658 = tpu.memref_slice %arg9[%dma_wait3A_1657] : memref<2048xf32, #tpu.memory_space<vmem>> -> memref<128xf32, #tpu.memory_space<vmem>>
    %dma_wait3A_1659 = arith.constant 768 : i32
    %dma_wait3A_1660 = tpu.memref_slice %arg7[%dma_wait3A_1659] : memref<2048xi32, #tpu.memory_space<vmem>> -> memref<128xi32, #tpu.memory_space<vmem>>
    %dma_wait3A_1661 = arith.constant 0 : i32
    %dma_wait3A_1662 = tpu.memref_slice %arg4[%dma_wait3A_1661] : memref<16777216xf32, #tpu.memory_space<hbm>> -> memref<16777216xf32, #tpu.memory_space<hbm>>
    tpu.wait_indirect_dma semaphore(%arg16 : memref<!tpu.dma_semaphore, #tpu.memory_space<semaphore_mem>>) src(%dma_wait3A_1662 : memref<16777216xf32, #tpu.memory_space<hbm>>) dst(%dma_wait3A_1658 : memref<128xf32, #tpu.memory_space<vmem>>)
    %dma_wait3A_1663 = arith.constant 896 : i32
    %dma_wait3A_1664 = tpu.memref_slice %arg9[%dma_wait3A_1663] : memref<2048xf32, #tpu.memory_space<vmem>> -> memref<128xf32, #tpu.memory_space<vmem>>
    %dma_wait3A_1665 = arith.constant 896 : i32
    %dma_wait3A_1666 = tpu.memref_slice %arg7[%dma_wait3A_1665] : memref<2048xi32, #tpu.memory_space<vmem>> -> memref<128xi32, #tpu.memory_space<vmem>>
    %dma_wait3A_1667 = arith.constant 0 : i32
    %dma_wait3A_1668 = tpu.memref_slice %arg4[%dma_wait3A_1667] : memref<16777216xf32, #tpu.memory_space<hbm>> -> memref<16777216xf32, #tpu.memory_space<hbm>>
    tpu.wait_indirect_dma semaphore(%arg16 : memref<!tpu.dma_semaphore, #tpu.memory_space<semaphore_mem>>) src(%dma_wait3A_1668 : memref<16777216xf32, #tpu.memory_space<hbm>>) dst(%dma_wait3A_1664 : memref<128xf32, #tpu.memory_space<vmem>>)
    %dma_wait3A_1669 = arith.constant 1024 : i32
    %dma_wait3A_1670 = tpu.memref_slice %arg9[%dma_wait3A_1669] : memref<2048xf32, #tpu.memory_space<vmem>> -> memref<128xf32, #tpu.memory_space<vmem>>
    %dma_wait3A_1671 = arith.constant 1024 : i32
    %dma_wait3A_1672 = tpu.memref_slice %arg7[%dma_wait3A_1671] : memref<2048xi32, #tpu.memory_space<vmem>> -> memref<128xi32, #tpu.memory_space<vmem>>
    %dma_wait3A_1673 = arith.constant 0 : i32
    %dma_wait3A_1674 = tpu.memref_slice %arg4[%dma_wait3A_1673] : memref<16777216xf32, #tpu.memory_space<hbm>> -> memref<16777216xf32, #tpu.memory_space<hbm>>
    tpu.wait_indirect_dma semaphore(%arg16 : memref<!tpu.dma_semaphore, #tpu.memory_space<semaphore_mem>>) src(%dma_wait3A_1674 : memref<16777216xf32, #tpu.memory_space<hbm>>) dst(%dma_wait3A_1670 : memref<128xf32, #tpu.memory_space<vmem>>)
    %dma_wait3A_1675 = arith.constant 1152 : i32
    %dma_wait3A_1676 = tpu.memref_slice %arg9[%dma_wait3A_1675] : memref<2048xf32, #tpu.memory_space<vmem>> -> memref<128xf32, #tpu.memory_space<vmem>>
    %dma_wait3A_1677 = arith.constant 1152 : i32
    %dma_wait3A_1678 = tpu.memref_slice %arg7[%dma_wait3A_1677] : memref<2048xi32, #tpu.memory_space<vmem>> -> memref<128xi32, #tpu.memory_space<vmem>>
    %dma_wait3A_1679 = arith.constant 0 : i32
    %dma_wait3A_1680 = tpu.memref_slice %arg4[%dma_wait3A_1679] : memref<16777216xf32, #tpu.memory_space<hbm>> -> memref<16777216xf32, #tpu.memory_space<hbm>>
    tpu.wait_indirect_dma semaphore(%arg16 : memref<!tpu.dma_semaphore, #tpu.memory_space<semaphore_mem>>) src(%dma_wait3A_1680 : memref<16777216xf32, #tpu.memory_space<hbm>>) dst(%dma_wait3A_1676 : memref<128xf32, #tpu.memory_space<vmem>>)
    %dma_wait3A_1681 = arith.constant 1280 : i32
    %dma_wait3A_1682 = tpu.memref_slice %arg9[%dma_wait3A_1681] : memref<2048xf32, #tpu.memory_space<vmem>> -> memref<128xf32, #tpu.memory_space<vmem>>
    %dma_wait3A_1683 = arith.constant 1280 : i32
    %dma_wait3A_1684 = tpu.memref_slice %arg7[%dma_wait3A_1683] : memref<2048xi32, #tpu.memory_space<vmem>> -> memref<128xi32, #tpu.memory_space<vmem>>
    %dma_wait3A_1685 = arith.constant 0 : i32
    %dma_wait3A_1686 = tpu.memref_slice %arg4[%dma_wait3A_1685] : memref<16777216xf32, #tpu.memory_space<hbm>> -> memref<16777216xf32, #tpu.memory_space<hbm>>
    tpu.wait_indirect_dma semaphore(%arg16 : memref<!tpu.dma_semaphore, #tpu.memory_space<semaphore_mem>>) src(%dma_wait3A_1686 : memref<16777216xf32, #tpu.memory_space<hbm>>) dst(%dma_wait3A_1682 : memref<128xf32, #tpu.memory_space<vmem>>)
    %dma_wait3A_1687 = arith.constant 1408 : i32
    %dma_wait3A_1688 = tpu.memref_slice %arg9[%dma_wait3A_1687] : memref<2048xf32, #tpu.memory_space<vmem>> -> memref<128xf32, #tpu.memory_space<vmem>>
    %dma_wait3A_1689 = arith.constant 1408 : i32
    %dma_wait3A_1690 = tpu.memref_slice %arg7[%dma_wait3A_1689] : memref<2048xi32, #tpu.memory_space<vmem>> -> memref<128xi32, #tpu.memory_space<vmem>>
    %dma_wait3A_1691 = arith.constant 0 : i32
    %dma_wait3A_1692 = tpu.memref_slice %arg4[%dma_wait3A_1691] : memref<16777216xf32, #tpu.memory_space<hbm>> -> memref<16777216xf32, #tpu.memory_space<hbm>>
    tpu.wait_indirect_dma semaphore(%arg16 : memref<!tpu.dma_semaphore, #tpu.memory_space<semaphore_mem>>) src(%dma_wait3A_1692 : memref<16777216xf32, #tpu.memory_space<hbm>>) dst(%dma_wait3A_1688 : memref<128xf32, #tpu.memory_space<vmem>>)
    %dma_wait3A_1693 = arith.constant 1536 : i32
    %dma_wait3A_1694 = tpu.memref_slice %arg9[%dma_wait3A_1693] : memref<2048xf32, #tpu.memory_space<vmem>> -> memref<128xf32, #tpu.memory_space<vmem>>
    %dma_wait3A_1695 = arith.constant 1536 : i32
    %dma_wait3A_1696 = tpu.memref_slice %arg7[%dma_wait3A_1695] : memref<2048xi32, #tpu.memory_space<vmem>> -> memref<128xi32, #tpu.memory_space<vmem>>
    %dma_wait3A_1697 = arith.constant 0 : i32
    %dma_wait3A_1698 = tpu.memref_slice %arg4[%dma_wait3A_1697] : memref<16777216xf32, #tpu.memory_space<hbm>> -> memref<16777216xf32, #tpu.memory_space<hbm>>
    tpu.wait_indirect_dma semaphore(%arg16 : memref<!tpu.dma_semaphore, #tpu.memory_space<semaphore_mem>>) src(%dma_wait3A_1698 : memref<16777216xf32, #tpu.memory_space<hbm>>) dst(%dma_wait3A_1694 : memref<128xf32, #tpu.memory_space<vmem>>)
    %dma_wait3A_1699 = arith.constant 1664 : i32
    %dma_wait3A_1700 = tpu.memref_slice %arg9[%dma_wait3A_1699] : memref<2048xf32, #tpu.memory_space<vmem>> -> memref<128xf32, #tpu.memory_space<vmem>>
    %dma_wait3A_1701 = arith.constant 1664 : i32
    %dma_wait3A_1702 = tpu.memref_slice %arg7[%dma_wait3A_1701] : memref<2048xi32, #tpu.memory_space<vmem>> -> memref<128xi32, #tpu.memory_space<vmem>>
    %dma_wait3A_1703 = arith.constant 0 : i32
    %dma_wait3A_1704 = tpu.memref_slice %arg4[%dma_wait3A_1703] : memref<16777216xf32, #tpu.memory_space<hbm>> -> memref<16777216xf32, #tpu.memory_space<hbm>>
    tpu.wait_indirect_dma semaphore(%arg16 : memref<!tpu.dma_semaphore, #tpu.memory_space<semaphore_mem>>) src(%dma_wait3A_1704 : memref<16777216xf32, #tpu.memory_space<hbm>>) dst(%dma_wait3A_1700 : memref<128xf32, #tpu.memory_space<vmem>>)
    %dma_wait3A_1705 = arith.constant 1792 : i32
    %dma_wait3A_1706 = tpu.memref_slice %arg9[%dma_wait3A_1705] : memref<2048xf32, #tpu.memory_space<vmem>> -> memref<128xf32, #tpu.memory_space<vmem>>
    %dma_wait3A_1707 = arith.constant 1792 : i32
    %dma_wait3A_1708 = tpu.memref_slice %arg7[%dma_wait3A_1707] : memref<2048xi32, #tpu.memory_space<vmem>> -> memref<128xi32, #tpu.memory_space<vmem>>
    %dma_wait3A_1709 = arith.constant 0 : i32
    %dma_wait3A_1710 = tpu.memref_slice %arg4[%dma_wait3A_1709] : memref<16777216xf32, #tpu.memory_space<hbm>> -> memref<16777216xf32, #tpu.memory_space<hbm>>
    tpu.wait_indirect_dma semaphore(%arg16 : memref<!tpu.dma_semaphore, #tpu.memory_space<semaphore_mem>>) src(%dma_wait3A_1710 : memref<16777216xf32, #tpu.memory_space<hbm>>) dst(%dma_wait3A_1706 : memref<128xf32, #tpu.memory_space<vmem>>)
    %dma_wait3A_1711 = arith.constant 1920 : i32
    %dma_wait3A_1712 = tpu.memref_slice %arg9[%dma_wait3A_1711] : memref<2048xf32, #tpu.memory_space<vmem>> -> memref<128xf32, #tpu.memory_space<vmem>>
    %dma_wait3A_1713 = arith.constant 1920 : i32
    %dma_wait3A_1714 = tpu.memref_slice %arg7[%dma_wait3A_1713] : memref<2048xi32, #tpu.memory_space<vmem>> -> memref<128xi32, #tpu.memory_space<vmem>>
    %dma_wait3A_1715 = arith.constant 0 : i32
    %dma_wait3A_1716 = tpu.memref_slice %arg4[%dma_wait3A_1715] : memref<16777216xf32, #tpu.memory_space<hbm>> -> memref<16777216xf32, #tpu.memory_space<hbm>>
    tpu.wait_indirect_dma semaphore(%arg16 : memref<!tpu.dma_semaphore, #tpu.memory_space<semaphore_mem>>) src(%dma_wait3A_1716 : memref<16777216xf32, #tpu.memory_space<hbm>>) dst(%dma_wait3A_1712 : memref<128xf32, #tpu.memory_space<vmem>>)
    %scan3A = arith.constant 0 : i32
    %scan3A_1717 = arith.constant 0 : i32
    %scan3A_1718 = arith.constant 8 : i32
    %scan3A_1719 = arith.addi %scan3A_1717, %scan3A_1718 : i32
    %scan3A_1720 = arith.constant 1 : i32
    scf.for %scan3A_1722 = %scan3A_1717 to %scan3A_1719 step %scan3A_1720  : i32 {
      %mul3A_1723 = arith.constant 16 : i32
      %mul3A_1724 = arith.muli %scan3A_1722, %mul3A_1723 : i32
      %get3A_1725 = arith.index_cast %mul3A_1724 : i32 to index
      %get3A_1726 = tpu.vector_load %arg9[%get3A_1725] {strides = array<i32>} : memref<2048xf32, #tpu.memory_space<vmem>>, vector<16xf32>,
      %mul3A_1727 = arith.mulf %gather3A_1440, %get3A_1726 : vector<16xf32>
      %mul3A_1728 = arith.constant 16 : i32
      %mul3A_1729 = arith.muli %scan3A_1722, %mul3A_1728 : i32
      %add3A_1730 = arith.constant 128 : i32
      %add3A_1731 = arith.addi %add3A_1730, %mul3A_1729 : i32
      %get3A_1732 = arith.index_cast %add3A_1731 : i32 to index
      %get3A_1733 = tpu.vector_load %arg9[%get3A_1732] {strides = array<i32>} : memref<2048xf32, #tpu.memory_space<vmem>>, vector<16xf32>,
      %mul3A_1734 = arith.mulf %gather3A_1452, %get3A_1733 : vector<16xf32>
      %add3A_1735 = arith.addf %mul3A_1727, %mul3A_1734 : vector<16xf32>
      %mul3A_1736 = arith.constant 16 : i32
      %mul3A_1737 = arith.muli %scan3A_1722, %mul3A_1736 : i32
      %add3A_1738 = arith.constant 256 : i32
      %add3A_1739 = arith.addi %add3A_1738, %mul3A_1737 : i32
      %get3A_1740 = arith.index_cast %add3A_1739 : i32 to index
      %get3A_1741 = tpu.vector_load %arg9[%get3A_1740] {strides = array<i32>} : memref<2048xf32, #tpu.memory_space<vmem>>, vector<16xf32>,
      %mul3A_1742 = arith.mulf %gather3A_1464, %get3A_1741 : vector<16xf32>
      %add3A_1743 = arith.addf %add3A_1735, %mul3A_1742 : vector<16xf32>
      %mul3A_1744 = arith.constant 16 : i32
      %mul3A_1745 = arith.muli %scan3A_1722, %mul3A_1744 : i32
      %add3A_1746 = arith.constant 384 : i32
      %add3A_1747 = arith.addi %add3A_1746, %mul3A_1745 : i32
      %get3A_1748 = arith.index_cast %add3A_1747 : i32 to index
      %get3A_1749 = tpu.vector_load %arg9[%get3A_1748] {strides = array<i32>} : memref<2048xf32, #tpu.memory_space<vmem>>, vector<16xf32>,
      %mul3A_1750 = arith.mulf %gather3A_1476, %get3A_1749 : vector<16xf32>
      %add3A_1751 = arith.addf %add3A_1743, %mul3A_1750 : vector<16xf32>
      %mul3A_1752 = arith.constant 16 : i32
      %mul3A_1753 = arith.muli %scan3A_1722, %mul3A_1752 : i32
      %add3A_1754 = arith.constant 512 : i32
      %add3A_1755 = arith.addi %add3A_1754, %mul3A_1753 : i32
      %get3A_1756 = arith.index_cast %add3A_1755 : i32 to index
      %get3A_1757 = tpu.vector_load %arg9[%get3A_1756] {strides = array<i32>} : memref<2048xf32, #tpu.memory_space<vmem>>, vector<16xf32>,
      %mul3A_1758 = arith.mulf %gather3A_1488, %get3A_1757 : vector<16xf32>
      %add3A_1759 = arith.addf %add3A_1751, %mul3A_1758 : vector<16xf32>
      %mul3A_1760 = arith.constant 16 : i32
      %mul3A_1761 = arith.muli %scan3A_1722, %mul3A_1760 : i32
      %add3A_1762 = arith.constant 640 : i32
      %add3A_1763 = arith.addi %add3A_1762, %mul3A_1761 : i32
      %get3A_1764 = arith.index_cast %add3A_1763 : i32 to index
      %get3A_1765 = tpu.vector_load %arg9[%get3A_1764] {strides = array<i32>} : memref<2048xf32, #tpu.memory_space<vmem>>, vector<16xf32>,
      %mul3A_1766 = arith.mulf %gather3A_1500, %get3A_1765 : vector<16xf32>
      %add3A_1767 = arith.addf %add3A_1759, %mul3A_1766 : vector<16xf32>
      %mul3A_1768 = arith.constant 16 : i32
      %mul3A_1769 = arith.muli %scan3A_1722, %mul3A_1768 : i32
      %add3A_1770 = arith.constant 768 : i32
      %add3A_1771 = arith.addi %add3A_1770, %mul3A_1769 : i32
      %get3A_1772 = arith.index_cast %add3A_1771 : i32 to index
      %get3A_1773 = tpu.vector_load %arg9[%get3A_1772] {strides = array<i32>} : memref<2048xf32, #tpu.memory_space<vmem>>, vector<16xf32>,
      %mul3A_1774 = arith.mulf %gather3A_1512, %get3A_1773 : vector<16xf32>
      %add3A_1775 = arith.addf %add3A_1767, %mul3A_1774 : vector<16xf32>
      %mul3A_1776 = arith.constant 16 : i32
      %mul3A_1777 = arith.muli %scan3A_1722, %mul3A_1776 : i32
      %add3A_1778 = arith.constant 896 : i32
      %add3A_1779 = arith.addi %add3A_1778, %mul3A_1777 : i32
      %get3A_1780 = arith.index_cast %add3A_1779 : i32 to index
      %get3A_1781 = tpu.vector_load %arg9[%get3A_1780] {strides = array<i32>} : memref<2048xf32, #tpu.memory_space<vmem>>, vector<16xf32>,
      %mul3A_1782 = arith.mulf %gather3A_1524, %get3A_1781 : vector<16xf32>
      %add3A_1783 = arith.addf %add3A_1775, %mul3A_1782 : vector<16xf32>
      %mul3A_1784 = arith.constant 16 : i32
      %mul3A_1785 = arith.muli %scan3A_1722, %mul3A_1784 : i32
      %add3A_1786 = arith.constant 1024 : i32
      %add3A_1787 = arith.addi %add3A_1786, %mul3A_1785 : i32
      %get3A_1788 = arith.index_cast %add3A_1787 : i32 to index
      %get3A_1789 = tpu.vector_load %arg9[%get3A_1788] {strides = array<i32>} : memref<2048xf32, #tpu.memory_space<vmem>>, vector<16xf32>,
      %mul3A_1790 = arith.mulf %gather3A_1536, %get3A_1789 : vector<16xf32>
      %add3A_1791 = arith.addf %add3A_1783, %mul3A_1790 : vector<16xf32>
      %mul3A_1792 = arith.constant 16 : i32
      %mul3A_1793 = arith.muli %scan3A_1722, %mul3A_1792 : i32
      %add3A_1794 = arith.constant 1152 : i32
      %add3A_1795 = arith.addi %add3A_1794, %mul3A_1793 : i32
      %get3A_1796 = arith.index_cast %add3A_1795 : i32 to index
      %get3A_1797 = tpu.vector_load %arg9[%get3A_1796] {strides = array<i32>} : memref<2048xf32, #tpu.memory_space<vmem>>, vector<16xf32>,
      %mul3A_1798 = arith.mulf %gather3A_1548, %get3A_1797 : vector<16xf32>
      %add3A_1799 = arith.addf %add3A_1791, %mul3A_1798 : vector<16xf32>
      %mul3A_1800 = arith.constant 16 : i32
      %mul3A_1801 = arith.muli %scan3A_1722, %mul3A_1800 : i32
      %add3A_1802 = arith.constant 1280 : i32
      %add3A_1803 = arith.addi %add3A_1802, %mul3A_1801 : i32
      %get3A_1804 = arith.index_cast %add3A_1803 : i32 to index
      %get3A_1805 = tpu.vector_load %arg9[%get3A_1804] {strides = array<i32>} : memref<2048xf32, #tpu.memory_space<vmem>>, vector<16xf32>,
      %mul3A_1806 = arith.mulf %gather3A_1560, %get3A_1805 : vector<16xf32>
      %add3A_1807 = arith.addf %add3A_1799, %mul3A_1806 : vector<16xf32>
      %mul3A_1808 = arith.constant 16 : i32
      %mul3A_1809 = arith.muli %scan3A_1722, %mul3A_1808 : i32
      %add3A_1810 = arith.constant 1408 : i32
      %add3A_1811 = arith.addi %add3A_1810, %mul3A_1809 : i32
      %get3A_1812 = arith.index_cast %add3A_1811 : i32 to index
      %get3A_1813 = tpu.vector_load %arg9[%get3A_1812] {strides = array<i32>} : memref<2048xf32, #tpu.memory_space<vmem>>, vector<16xf32>,
      %mul3A_1814 = arith.mulf %gather3A_1572, %get3A_1813 : vector<16xf32>
      %add3A_1815 = arith.addf %add3A_1807, %mul3A_1814 : vector<16xf32>
      %mul3A_1816 = arith.constant 16 : i32
      %mul3A_1817 = arith.muli %scan3A_1722, %mul3A_1816 : i32
      %add3A_1818 = arith.constant 1536 : i32
      %add3A_1819 = arith.addi %add3A_1818, %mul3A_1817 : i32
      %get3A_1820 = arith.index_cast %add3A_1819 : i32 to index
      %get3A_1821 = tpu.vector_load %arg9[%get3A_1820] {strides = array<i32>} : memref<2048xf32, #tpu.memory_space<vmem>>, vector<16xf32>,
      %mul3A_1822 = arith.mulf %gather3A_1584, %get3A_1821 : vector<16xf32>
      %add3A_1823 = arith.addf %add3A_1815, %mul3A_1822 : vector<16xf32>
      %mul3A_1824 = arith.constant 16 : i32
      %mul3A_1825 = arith.muli %scan3A_1722, %mul3A_1824 : i32
      %add3A_1826 = arith.constant 1664 : i32
      %add3A_1827 = arith.addi %add3A_1826, %mul3A_1825 : i32
      %get3A_1828 = arith.index_cast %add3A_1827 : i32 to index
      %get3A_1829 = tpu.vector_load %arg9[%get3A_1828] {strides = array<i32>} : memref<2048xf32, #tpu.memory_space<vmem>>, vector<16xf32>,
      %mul3A_1830 = arith.mulf %gather3A_1596, %get3A_1829 : vector<16xf32>
      %add3A_1831 = arith.addf %add3A_1823, %mul3A_1830 : vector<16xf32>
      %mul3A_1832 = arith.constant 16 : i32
      %mul3A_1833 = arith.muli %scan3A_1722, %mul3A_1832 : i32
      %add3A_1834 = arith.constant 1792 : i32
      %add3A_1835 = arith.addi %add3A_1834, %mul3A_1833 : i32
      %get3A_1836 = arith.index_cast %add3A_1835 : i32 to index
      %get3A_1837 = tpu.vector_load %arg9[%get3A_1836] {strides = array<i32>} : memref<2048xf32, #tpu.memory_space<vmem>>, vector<16xf32>,
      %mul3A_1838 = arith.mulf %gather3A_1608, %get3A_1837 : vector<16xf32>
      %add3A_1839 = arith.addf %add3A_1831, %mul3A_1838 : vector<16xf32>
      %mul3A_1840 = arith.constant 16 : i32
      %mul3A_1841 = arith.muli %scan3A_1722, %mul3A_1840 : i32
      %add3A_1842 = arith.constant 1920 : i32
      %add3A_1843 = arith.addi %add3A_1842, %mul3A_1841 : i32
      %get3A_1844 = arith.index_cast %add3A_1843 : i32 to index
      %get3A_1845 = tpu.vector_load %arg9[%get3A_1844] {strides = array<i32>} : memref<2048xf32, #tpu.memory_space<vmem>>, vector<16xf32>,
      %mul3A_1846 = arith.mulf %gather3A_1620, %get3A_1845 : vector<16xf32>
      %add3A_1847 = arith.addf %add3A_1839, %mul3A_1846 : vector<16xf32>
      %mul3A_1848 = arith.constant 16 : i32
      %mul3A_1849 = arith.muli %scan3A_1722, %mul3A_1848 : i32
      %swap3A_1850 = arith.index_cast %mul3A_1849 : i32 to index
      %swap3A_1851 = tpu.vector_load %arg13[%swap3A_1850] {strides = array<i32>} : memref<128xf32, #tpu.memory_space<vmem>>, vector<16xf32>,
      tpu.vector_store %arg13[%swap3A_1850], %add3A_1847 {strides = array<i32>} : memref<128xf32, #tpu.memory_space<vmem>>, vector<16xf32>,
    }
    %scan3A_1721 = arith.constant 8 : i32
    "tpu.region"() ({
      %run_scoped3A = tpu.sem_alloc : memref<!tpu.dma_semaphore, #tpu.memory_space<semaphore_mem>>
      %dma_start3A_1722 = tpu.memref_slice %arg6[%mul3A_2] : memref<4096xf32, #tpu.memory_space<hbm>> -> memref<128xf32, #tpu.memory_space<hbm>>
      %dma_start3A_1723 = tpu.memref_slice %arg6[%mul3A_2] : memref<4096xf32, #tpu.memory_space<hbm>> -> memref<128xf32, #tpu.memory_space<hbm>>
      tpu.enqueue_dma source(%arg13 : memref<128xf32, #tpu.memory_space<vmem>>) target(%dma_start3A_1723 : memref<128xf32, #tpu.memory_space<hbm>>) target_semaphore(%run_scoped3A : memref<!tpu.dma_semaphore, #tpu.memory_space<semaphore_mem>>)
      %dma_wait3A_1724 = tpu.memref_slice %arg6[%mul3A_2] : memref<4096xf32, #tpu.memory_space<hbm>> -> memref<128xf32, #tpu.memory_space<hbm>>
      %dma_wait3A_1725 = tpu.memref_slice %arg6[%mul3A_2] : memref<4096xf32, #tpu.memory_space<hbm>> -> memref<128xf32, #tpu.memory_space<hbm>>
      tpu.wait_dma2 semaphore(%run_scoped3A : memref<!tpu.dma_semaphore, #tpu.memory_space<semaphore_mem>>) src(%arg13 : memref<128xf32, #tpu.memory_space<vmem>>) dst(%dma_wait3A_1725 : memref<128xf32, #tpu.memory_space<hbm>>)
      tpu.yield
    }) : () -> ()
    return
  }
}

module attributes {stable_mosaic.version = 14 : i64} {
  func.func @_depad_body(%arg0: i32, %arg1: memref<16x65536xf32, #tpu.memory_space<vmem>>, %arg2: memref<16x512x128xf32, #tpu.memory_space<vmem>>) attributes {dimension_semantics = [#tpu.dimension_semantics<arbitrary>], iteration_bounds = array<i64: 16>, scalar_prefetch = 0 : i64, scratch_operands = 0 : i64, tpu.core_type = #tpu.core_type<tc>, window_params = [{transform_indices = @transform_0, window_bounds = array<i64: 16, 65536>}, {transform_indices = @transform_1, window_bounds = array<i64: 16, 512, 128>}]} {
    %get3A = arith.constant 0 : index
    %get3A_0 = arith.constant 0 : index
    %get3A_1 = vector.load %arg1[%get3A, %get3A_0] : memref<16x65536xf32, #tpu.memory_space<vmem>>, vector<16x65536xf32>
    %reshape3A = vector.shape_cast %get3A_1 : vector<16x65536xf32> to vector<16x512x128xf32>
    %swap3A = arith.constant 0 : index
    %swap3A_2 = arith.constant 0 : index
    %swap3A_3 = arith.constant 0 : index
    %swap3A_4 = vector.load %arg2[%swap3A, %swap3A_2, %swap3A_3] : memref<16x512x128xf32, #tpu.memory_space<vmem>>, vector<16x512x128xf32>
    tpu.vector_store %arg2[%swap3A, %swap3A_2, %swap3A_3], %reshape3A {strides = array<i32>} : memref<16x512x128xf32, #tpu.memory_space<vmem>>, vector<16x512x128xf32>,
    return
  }
  func.func @transform_0(%arg0: i32) -> (i32, i32) {
    %c0_i32 = arith.constant 0 : i32
    %c0_i32_0 = arith.constant 0 : i32
    return %c0_i32, %arg0 : i32, i32
  }
  func.func @transform_1(%arg0: i32) -> (i32, i32, i32) {
    %c0_i32 = arith.constant 0 : i32
    %c0_i32_0 = arith.constant 0 : i32
    %c0_i32_1 = arith.constant 0 : i32
    return %c0_i32, %arg0, %c0_i32_0 : i32, i32, i32
  }
}

</mosaic_0001>

<sc_bundles>
// kernel: kernel.5.cloned.1.call-start
scs
__scs_entry_jumppad:
0x0: {  	(pc) =	sbr.rel $0x88, $3  }
0x1: {  	(tag) =	ssettag $0x0;
	lr =	simm.s32 $0x1  }
0x2: {  	[smem:$0x3F9D] =	sst lr;
	_ =	strace $0xD0000000  }
0x3: {  	_ = 	snop  }
0x4: {  	_ = 	snop  }
0x5: {  	_ = 	snop  }
0x6: {  	_ = 	snop  }
0x7: {  	_ = 	snop  }
__scs_overlays_trampoline_lowered:
0x8: {  	[smem:$0x3FAC] =	sst s0  }
0x9: {  	[smem:$0x3FAD] =	sst s1  }
0xa: {  	[smem:$0x3FAE] =	sst s2  }
0xb: {  	[smem:$0x3FAF] =	sst s3  }
0xc: {  	[smem:$0x3FB0] =	sst s4  }
0xd: {  	[smem:$0x3FB1] =	sst s5  }
0xe: {  	[smem:$0x3FB2] =	sst s6  }
0xf: {  	[smem:$0x3FB3] =	sst s7  }
0x10: {  	[smem:$0x3FB4] =	sst s8  }
0x11: {  	[smem:$0x3FB5] =	sst s9;
	s0 =	simm.s32 @!p0 $0x0  }
0x12: {  	s1 =	sld [smem:$0x3F9B];
	s0 =	simm.s32 @p0 $0x1  }
0x13: {  	[smem:$0x3FB6] =	sst s0;
	s0 =	simm.s32 @!p1 $0x0  }
0x14: {  	s2 =	sld [smem:$0x3F9A];
	s0 =	simm.s32 @p1 $0x1  }
0x15: {  	[smem:$0x3FB7] =	sst s0;
	s0 =	simm.s32 @!p2 $0x0  }
0x16: {  	s3 =	sld [smem:$0x3FDB];
	s0 =	simm.s32 @p2 $0x1  }
0x17: {  	s4 =	simm.s32 $0x1BF5;
	[smem:$0x3FB9] =	sst s0  }
0x18: {  	s0 =	sld [smem:$0x3F9C];
	_ =	swait.ge [sflag:s4], $0x0  }
0x19: {  	s7 =	sld [smem:$0x3F9D]  }
0x1a: {  	s8 =	sadd.s32 $0xFFFFE003, lr  }
0x1b: {  	s9 =	sadd.s32 $0xFFFFFEF7, lr;
	s5 =	simm.s32 $0xFFFFFFFF;
	p2 =	slt.u32 s8, $0xFFFFF086  }
0x1c: {  	p1 =	slt.u32 s9, $0xF7A;
	s5 =	simm.s32 @!p2 $0x0  }
0x1d: {  	s5 =	simm.s32 @p1 $0x1;
	p0 =	seq.s32 s7, s2  }
0x1e: {  	s7 =	smul.u32 @!p0 $0xF7A, s2;
	p2 =	seq.s32 @!p0 s5, $0x0  }
0x1f: {  	s9 =	smul.u32 $0xF7A, s1;
	s8 =	simm.s32 @!p0 $0x1BF5;
	p2 =	por !p2, p0  }
0x20: {  	[sflag:s8] =	ssyncset.s32 @!p0 $0xFFFFF086;
	s6 =	sadd.s32 @!p0 s3, s7;
	s7 =	simm.s32 @!p0 $0x108  }
0x21: {  	s3 =	sadd.s32 s3, s9;
	s6 =	sadd.s32 @!p0 $0x88, s6;
	s7 =	simm.s32 @p2 $0x1082  }
0x22: {  	[simem:s7], [sflag:s8] =	dma.local @!p0 [hbm:s6], $0xF7A  }
0x23: {  	s9 =	sor.u32 $0xD0000000, s2;
	s6 =	simm.s32 $0x108;
	_ =	swait.ge @!p0 [sflag:s8], $0x0  }
0x24: {  	s3 =	sadd.s32 $0x88, s3;
	s6 =	simm.s32 @!p1 $0x1082;
	[sflag:s4] =	ssyncset.s32 $0xFFFFF086  }
0x25: {  	[simem:s6], [sflag:s4] =	dma.local [hbm:s3], $0xF7A  }
0x26: {  	[smem:$0x3F9D] =	sst s1;
	(tag) =	ssettag s2;
	_ =	strace s9  }
0x27: {  	s1 =	sld [smem:$0x3FAD]  }
0x28: {  	s2 =	sld [smem:$0x3FAE]  }
0x29: {  	s4 =	sld [smem:$0x3FB0]  }
0x2a: {  	p0 =	seq.s32 s5, $0x0;
	s5 =	sld [smem:$0x3FB1]  }
0x2b: {  	s6 =	sld [smem:$0x3FB2]  }
0x2c: {  	s7 =	sld [smem:$0x3FB3]  }
0x2d: {  	s3 =	simm.s32 $0x108;
	s8 =	sld [smem:$0x3FB4]  }
0x2e: {  	s3 =	simm.s32 @!p0 $0x1082;
	s9 =	sld [smem:$0x3FB5]  }
0x2f: {  	lr =	sadd.s32 s0, s3;
	s0 =	sld [smem:$0x3FAC]  }
0x30: {  	s3 =	sld [smem:$0x3FAF]  }
0x31: {  	[smem:$0x3FB8] =	sst s10  }
0x32: {  	s10 =	sld [smem:$0x3FB6];
	_ =	sdelay $0x3  }
0x33: {  	p0 =	seq.s32 s10, $0x1;
	s10 =	sld [smem:$0x3FB8];
	_ =	sdelay $0x3  }
0x34: {  	[smem:$0x3FB8] =	sst s10  }
0x35: {  	s10 =	sld [smem:$0x3FB7];
	_ =	sdelay $0x3  }
0x36: {  	p1 =	seq.s32 s10, $0x1;
	s10 =	sld [smem:$0x3FB8];
	_ =	sdelay $0x3  }
0x37: {  	[smem:$0x3FB8] =	sst s10  }
0x38: {  	s10 =	sld [smem:$0x3FB9]  }
0x39: {  	_ = 	snop;
	(pc) =	sbr.ind lr, $3  }
0x3a: {  	_ = 	snop  }
0x3b: {  	_ = 	snop  }
0x3c: {  	p2 =	seq.s32 s10, $0x1;
	s10 =	sld [smem:$0x3FB8]  }
0x3d: {  	_ =	shalt  }
0x3e: {  	_ =	shalt  }
0x3f: {  	_ =	shalt  }
0x40: {  	_ =	shalt  }
0x41: {  	_ =	shalt  }
0x42: {  	_ =	shalt  }
0x43: {  	_ =	shalt  }
0x44: {  	_ =	shalt  }
0x45: {  	_ =	shalt  }
0x46: {  	_ =	shalt  }
0x47: {  	_ =	shalt  }
0x48: {  	_ =	shalt  }
0x49: {  	_ =	shalt  }
0x4a: {  	_ =	shalt  }
0x4b: {  	_ =	shalt  }
0x4c: {  	_ =	shalt  }
0x4d: {  	_ =	shalt  }
0x4e: {  	_ =	shalt  }
0x4f: {  	_ =	shalt  }
0x50: {  	_ =	shalt  }
0x51: {  	_ =	shalt  }
0x52: {  	_ =	shalt  }
0x53: {  	_ =	shalt  }
0x54: {  	_ =	shalt  }
0x55: {  	_ =	shalt  }
0x56: {  	_ =	shalt  }
0x57: {  	_ =	shalt  }
0x58: {  	_ =	shalt  }
0x59: {  	_ =	shalt  }
0x5a: {  	_ =	shalt  }
0x5b: {  	_ =	shalt  }
0x5c: {  	_ =	shalt  }
0x5d: {  	_ =	shalt  }
0x5e: {  	_ =	shalt  }
0x5f: {  	_ =	shalt  }
0x60: {  	_ =	shalt  }
0x61: {  	_ =	shalt  }
0x62: {  	_ =	shalt  }
0x63: {  	_ =	shalt  }
0x64: {  	_ =	shalt  }
0x65: {  	_ =	shalt  }
0x66: {  	_ =	shalt  }
0x67: {  	_ =	shalt  }
0x68: {  	_ =	shalt  }
0x69: {  	_ =	shalt  }
0x6a: {  	_ =	shalt  }
0x6b: {  	_ =	shalt  }
0x6c: {  	_ =	shalt  }
0x6d: {  	_ =	shalt  }
0x6e: {  	_ =	shalt  }
0x6f: {  	_ =	shalt  }
0x70: {  	_ =	shalt  }
0x71: {  	_ =	shalt  }
0x72: {  	_ =	shalt  }
0x73: {  	_ =	shalt  }
0x74: {  	_ =	shalt  }
0x75: {  	_ =	shalt  }
0x76: {  	_ =	shalt  }
0x77: {  	_ =	shalt  }
0x78: {  	_ =	shalt  }
0x79: {  	_ =	shalt  }
0x7a: {  	_ =	shalt  }
0x7b: {  	_ =	shalt  }
0x7c: {  	_ =	shalt  }
0x7d: {  	_ =	shalt  }
0x7e: {  	_ =	shalt  }
0x7f: {  	_ =	shalt  }
0x80: {  	_ =	shalt  }
0x81: {  	_ =	shalt  }
0x82: {  	_ =	shalt  }
0x83: {  	_ =	shalt  }
0x84: {  	_ =	shalt  }
0x85: {  	_ =	shalt  }
0x86: {  	_ =	shalt  }
0x87: {  	_ =	shalt  }
.Lfunc_end0:
.L_simem_size_0:
called_computation_lowered:
.L_overlay_start_0:
0x88: {  	s2 =	sld [smem:$0x3FD9]  }
0x89: {  	s3 =	sld [smem:$0x3FFE];
	_ =	sdelay $0x1  }
0x8a: {  	s1 =	srdreg.scid  }
0x8b: {  	s0 =	sand.u32 $0x1, s1  }
0x8c: {  	s17 =	sshll.u32 s0, $0xA;
	s2 =	sadd.s32 s3, s2  }
0x8d: {  	s2 =	sadd.s32 s2, s17  }
0x8e: {  	[smem:$0x3FC4] =	sst s2  }
0x8f: {  	_ = 	snop  }
0x90: {  	s2 =	sld [smem:$0x3FD0];
	(tm) =	ssettm $0x1  }
0x91: {  	s18 =	sld [smem:$0x3FFB];
	_ =	sdelay $0x3  }
0x92: {  	_ =	strace s18  }
0x93: {  	s3 =	sld [smem:$0x3FFC];
	_ =	sdelay $0x3  }
0x94: {  	_ =	strace s3  }
0x95: {  	s3 =	sld [smem:$0x3FFD];
	_ =	sdelay $0x3  }
0x96: {  	_ =	strace s3  }
0x97: {  	_ =	strace $0x8FFFFFFF  }
0x98: {  	s19 =	sld [smem:$0x3FDB];
	_ =	sdelay $0x1  }
0x99: {  	s4 =	simm.s32 $_scs_section_size  }
0x9a: {  	s5 =	simm.s32 $_size__tile_overlayer_lowered;
	s6 =	simm.s32 $_tile_overlayer_lowered  }
0x9b: {  	s22 =	simm.s32 $0x1BFF;
	s21 =	sshll.u32 s6, $0x1;
	s3 =	sadd.s32 s4, s19  }
0x9c: {  	s7 =	simm.s32 $0x0;
	s20 =	sshll.u32 s5, $0x1;
	s5 =	sadd.s32 s21, s3  }
0x9d: {  	[timem:s7], [sflag:s22] =	dma.local [hbm:s5], s20  }
0x9e: {  	_ =	swait.ge [sflag:s22], s20  }
0x9f: {  	s4 =	ssub.s32 $0x0, s20;
	[sflag:s22] =	ssyncset.done $0x0  }
0xa0: {  	[sflag:s22] =	ssyncadd.s32 s4;
	_ =	sdelay $0x1  }
0xa1: {  	s23 =	simm.s32 $0x1B8B  }
0xa2: {  	_ =	swait.ge [sflag:s23], $0x1  }
0xa3: {  	[sflag:s23] =	ssyncset.done $0x0  }
0xa4: {  	s25 =	simm.s32 $0x1B8E;
	s24 =	sld [smem:$0x3FFE];
	[sflag:s23] =	ssyncadd.s32 $0xFFFFFFFF  }
0xa5: {  	s26 =	simm.s32 $execute0_lowered;
	[smem:$0x3FD2] =	sst s25  }
0xa6: {  	s5 =	sshll.u32 s26, $0x1;
	_ =	strace $0x80000046;
	[dreg:$0x1] =	wrdreg $0xFFFFFFFF  }
0xa7: {  	s28 =	simm.s32 $_size_execute0_lowered;
	s3 =	sadd.s32 s3, s5;
	[dreg:$0x0] =	wrdreg $0x0  }
0xa8: {  	s5 =	sshll.u32 s28, $0x1;
	[dreg:$0x2] =	wrdreg s3  }
0xa9: {  	[dreg:$0x3] =	wrdreg s5  }
0xaa: {  	[dreg:$0x4] =	wrdreg $0xC0  }
0xab: {  	_ =	task [dreg:s7], $0x5FFFF  }
0xac: {  	[dreg:$0x1] =	wrdreg $0xFFFFFFFF  }
0xad: {  	[dreg:$0x0] =	wrdreg $0x60  }
0xae: {  	[dreg:$0x2] =	wrdreg s24  }
0xaf: {  	[dreg:$0x3] =	wrdreg s2  }
0xb0: {  	[dreg:$0x4] =	wrdreg $0x3A000  }
0xb1: {  	[dreg:$0x5] =	wrdreg $0x9  }
0xb2: {  	_ =	task.clear_ibuf [dreg:s7], $0x6FFFF;
	_ =	strace $0x90000046  }
0xb3: {  	s29 =	simm.s32 $0x9;
	_ =	strace $0x80000048  }
0xb4: {  	_ =	swait.ge [sflag:s29], $0x1  }
0xb5: {  	[sflag:s29] =	ssyncadd.s32 $0xFFFFFFFF  }
0xb6: {  	_ =	strace $0x90000048  }
0xb7: {  	_ =	sfence  }
0xb8: {  	s30 =	sld [smem:$0x0];
	_ =	sdelay $0x2  }
0xb9: {  	s31 =	sshll.u32 s1, $0xD;
	s1 =	sshrl.u32 s1, $0x2  }
0xba: {  	s3 =	sand.u32 $0x4000, s31;
	s1 =	sadd.s32 s1, s30  }
0xbb: {  	s0 =	sor.u32 s3, s0;
	s1 =	sshll.u32 s1, $0x11  }
0xbc: {  	s0 =	sor.u32 s1, s0  }
0xbd: {  	s0 =	sadd.s32 $0x8F2B, s0  }
0xbe: {  	[sflag:s0] =	ssyncadd.remote.s32 $0x1  }
0xbf: {  	_ =	sfence.sel $0xFFFF  }
0xc0: {  	[dreg:$0x0] =	wrdreg $0xFFFFFFFF;
	(pc) =	sbr.abs _section_cstart, $3  }
0xc1: {  	[dreg:$0x1] =	wrdreg $0xFFFFFFFF  }
0xc2: {  	_ =	task.clear_ibuf [dreg:s7], $0x2FFFF;
	_ =	strace $0x9FFFFFFF  }
0xc3: {  	(tm) =	ssettm $0x7FFFFFFF  }
tec
execute0_lowered:
.L_overlay_start_1:
0x0: {  	(tag) =	ssettag $0x1  }
0x1: {  	s0 =	rddreg [dreg:$0x0];
	v0 =	vlaneseq.u32  }
0x2: {  	s1 =	rddreg [dreg:$0x1];
	s3 =	simm.s32 $0x0;
	v0 =	vmul.u32 $0x10, v0  }
0x3: {  	[smem:$0x7FF] =	sst s3  }
0x4: {  	s10 =	rddreg [dreg:$0x2];
	_ =	strace $0x80000047;
	v1 =	vor.u32 $0x1, v0;
	[tilespmem:$0x1FFE0] =	vst v0  }
0x5: {  	v51 =	vor.u32 $0x2, v0;
	[tilespmem:$0x1FF00] =	vst v1  }
0x6: {  	s2 =	srdreg.scid;
	v52 =	vor.u32 $0x3, v0;
	[tilespmem:$0x1FF10] =	vst v51  }
0x7: {  	s5 =	stileid.u32;
	s11 =	simm.s32 $0x3;
	s12 =	simm.s32 $0x800;
	v53 =	vor.u32 $0x4, v0;
	[tilespmem:$0x1FF20] =	vst v52  }
0x8: {  	s13 =	simm.s32 $0x80;
	s19 =	simm.s32 $0x2D80;
	s20 =	simm.s32 $0x1600;
	v54 =	vor.u32 $0x5, v0;
	[tilespmem:$0x1FF30] =	vst v53  }
0x9: {  	s21 =	simm.s32 $0x1680;
	s22 =	simm.s32 $0x2E80;
	s23 =	simm.s32 $0x1700;
	v55 =	vor.u32 $0x6, v0;
	[tilespmem:$0x1FF40] =	vst v54  }
0xa: {  	s28 =	simm.s32 $0x2;
	s29 =	simm.s32 $0x3900;
	s30 =	simm.s32 $0x3000;
	v56 =	vor.u32 $0x7, v0;
	[tilespmem:$0x1FF50] =	vst v55  }
0xb: {  	s31 =	simm.s32 $0x3080;
	s14 =	simm.s32 $0x0;
	s2 =	sand.u32 $0x1, s2;
	v57 =	vor.u32 $0x8, v0;
	[tilespmem:$0x1FF60] =	vst v56  }
0xc: {  	s4 =	sshll.u32 s5, $0x1;
	s7 =	sshll.u32 s5, $0x9;
	s5 =	sadd.s32 $0x204400, s0;
	v58 =	vor.u32 $0x9, v0;
	[tilespmem:$0x1FF70] =	vst v57  }
0xd: {  	s9 =	sor.u32 s2, s4;
	s8 =	sadd.s32 s7, s0;
	s2 =	ssub.s32 $0x2, s2;
	v59 =	vor.u32 $0xA, v0;
	[tilespmem:$0x1FF80] =	vst v58  }
0xe: {  	s25 =	sshrl.u32 s7, $0x2;
	s4 =	sshll.u32 s9, $0x8;
	s24 =	sshrl.u32 s2, $0x1;
	v60 =	vor.u32 $0xB, v0;
	[tilespmem:$0x1FF90] =	vst v59  }
0xf: {  	s7 =	sadd.s32 $0x400, s8;
	s8 =	sadd.s32 s25, s10;
	s26 =	sshll.u32 s9, $0x4;
	v61 =	vor.u32 $0xC, v0;
	[tilespmem:$0x1FFA0] =	vst v60  }
0x10: {  	v62 =	vor.u32 $0xD, v0;
	s25 =	simm.s32 $0x1780;
	s6 =	sadd.s32 s4, s0;
	s4 =	sadd.s32 $0x4400, s0;
	[tilespmem:$0x1FFB0] =	vst v61  }
0x11: {  	v63 =	vor.u32 $0xE, v0;
	s0 =	ssub.s32 s2, s24;
	s9 =	sadd.s32 s1, s26;
	[tilespmem:$0x1FFC0] =	vst v62;
	s2 =	simm.s32 $0x2E00  }
0x12: {  	v0 =	vor.u32 $0xF, v0;
	[tilespmem:$0x1FFD0] =	vst v63;
	s24 =	simm.s32 $0x2F00;
	s26 =	simm.s32 $0x2F80;
	s1 =	simm.s32 $0x3880  }
0x13: {  	[tilespmem:$0x1FFF0] =	vst v0;
	s6 =	sadd.s32 $0x2400, s6;
	s10 =	smax.u32 s0, $0x1;
	s0 =	simm.s32 $0x1  }
.LBB2_1:
0x14: {  	[tilespmem:s3], [sflag:$0x3] =	stream.linear.gather [hbm4b:s6+s3], $0x800, $0x38;
	[tilespmem:$0x3A80] =	vst v63  }
0x15: {  	_ =	swait.ge [sflag:s11], $0x800  }
0x16: {  	[sflag:s11] =	ssyncset.done $0x0  }
0x17: {  	[sflag:s11] =	ssyncadd.s32 $0xFFFFF800  }
0x18: {  	[tilespmem:s12], [sflag:$0x3] =	stream.linear.gather [hbm4b:s7+s3], $0x1000, $0x38;
	[tilespmem:$0x3A80] =	vst v63  }
0x19: {  	_ =	swait.ge [sflag:s11], $0x1000  }
0x1a: {  	[sflag:s11] =	ssyncset.done $0x0  }
0x1b: {  	s15 =	simm.s32 $0x1800;
	[sflag:s11] =	ssyncadd.s32 $0xFFFFF000  }
0x1c: {  	[tilespmem:s15], [sflag:$0x1] =	stream.indirect.gather [hbm4b:s4+s13], $0x1, s3, s13, $0xb8;
	[tilespmem:$0x3A80] =	vst v63  }
0x1d: {  	s17 =	simm.s32 $0x1880  }
0x1e: {  	[tilespmem:s17], [sflag:$0x1] =	stream.indirect.gather [hbm4b:s4+s13], $0x1, s13, s13, $0xb8;
	[tilespmem:$0x3A80] =	vst v63  }
0x1f: {  	s18 =	simm.s32 $0x100;
	s16 =	simm.s32 $0x1900  }
0x20: {  	[tilespmem:s16], [sflag:$0x1] =	stream.indirect.gather [hbm4b:s4+s13], $0x1, s18, s13, $0xb8;
	[tilespmem:$0x3A80] =	vst v63  }
0x21: {  	s17 =	simm.s32 $0x180;
	s18 =	simm.s32 $0x1980  }
0x22: {  	[tilespmem:s18], [sflag:$0x1] =	stream.indirect.gather [hbm4b:s4+s13], $0x1, s17, s13, $0xb8;
	[tilespmem:$0x3A80] =	vst v63  }
0x23: {  	s17 =	simm.s32 $0x200;
	s18 =	simm.s32 $0x1A00  }
0x24: {  	[tilespmem:s18], [sflag:$0x1] =	stream.indirect.gather [hbm4b:s4+s13], $0x1, s17, s13, $0xb8;
	[tilespmem:$0x3A80] =	vst v63  }
0x25: {  	s17 =	simm.s32 $0x280;
	s18 =	simm.s32 $0x1A80  }
0x26: {  	[tilespmem:s18], [sflag:$0x1] =	stream.indirect.gather [hbm4b:s4+s13], $0x1, s17, s13, $0xb8;
	[tilespmem:$0x3A80] =	vst v63  }
0x27: {  	s17 =	simm.s32 $0x300;
	s18 =	simm.s32 $0x1B00  }
0x28: {  	[tilespmem:s18], [sflag:$0x1] =	stream.indirect.gather [hbm4b:s4+s13], $0x1, s17, s13, $0xb8;
	[tilespmem:$0x3A80] =	vst v63  }
0x29: {  	s17 =	simm.s32 $0x380;
	s18 =	simm.s32 $0x1B80  }
0x2a: {  	[tilespmem:s18], [sflag:$0x1] =	stream.indirect.gather [hbm4b:s4+s13], $0x1, s17, s13, $0xb8;
	[tilespmem:$0x3A80] =	vst v63  }
0x2b: {  	s17 =	simm.s32 $0x400;
	s18 =	simm.s32 $0x1C00  }
0x2c: {  	[tilespmem:s18], [sflag:$0x1] =	stream.indirect.gather [hbm4b:s4+s13], $0x1, s17, s13, $0xb8;
	[tilespmem:$0x3A80] =	vst v63  }
0x2d: {  	s17 =	simm.s32 $0x480;
	s18 =	simm.s32 $0x1C80  }
0x2e: {  	[tilespmem:s18], [sflag:$0x1] =	stream.indirect.gather [hbm4b:s4+s13], $0x1, s17, s13, $0xb8;
	[tilespmem:$0x3A80] =	vst v63  }
0x2f: {  	s17 =	simm.s32 $0x500;
	s18 =	simm.s32 $0x1D00  }
0x30: {  	[tilespmem:s18], [sflag:$0x1] =	stream.indirect.gather [hbm4b:s4+s13], $0x1, s17, s13, $0xb8;
	[tilespmem:$0x3A80] =	vst v63  }
0x31: {  	s17 =	simm.s32 $0x580;
	s18 =	simm.s32 $0x1D80  }
0x32: {  	[tilespmem:s18], [sflag:$0x1] =	stream.indirect.gather [hbm4b:s4+s13], $0x1, s17, s13, $0xb8;
	[tilespmem:$0x3A80] =	vst v63  }
0x33: {  	s17 =	simm.s32 $0x600;
	s18 =	simm.s32 $0x1E00  }
0x34: {  	[tilespmem:s18], [sflag:$0x1] =	stream.indirect.gather [hbm4b:s4+s13], $0x1, s17, s13, $0xb8;
	[tilespmem:$0x3A80] =	vst v63  }
0x35: {  	s17 =	simm.s32 $0x680;
	s18 =	simm.s32 $0x1E80  }
0x36: {  	[tilespmem:s18], [sflag:$0x1] =	stream.indirect.gather [hbm4b:s4+s13], $0x1, s17, s13, $0xb8;
	[tilespmem:$0x3A80] =	vst v63  }
0x37: {  	s17 =	simm.s32 $0x700;
	s18 =	simm.s32 $0x1F00  }
0x38: {  	[tilespmem:s18], [sflag:$0x1] =	stream.indirect.gather [hbm4b:s4+s13], $0x1, s17, s13, $0xb8;
	[tilespmem:$0x3A80] =	vst v63  }
0x39: {  	s17 =	simm.s32 $0x780;
	s18 =	simm.s32 $0x1F80  }
0x3a: {  	[tilespmem:s18], [sflag:$0x1] =	stream.indirect.gather [hbm4b:s4+s13], $0x1, s17, s13, $0xb8;
	[tilespmem:$0x3A80] =	vst v63  }
0x3b: {  	s16 =	simm.s32 $0x2000  }
0x3c: {  	[tilespmem:s16], [sflag:$0x2] =	stream.indirect.gather [hbm4b:s5+s13], $0x1, s12, s13, $0xb8;
	[tilespmem:$0x3A80] =	vst v63  }
0x3d: {  	s17 =	simm.s32 $0x880;
	s18 =	simm.s32 $0x2080  }
0x3e: {  	[tilespmem:s18], [sflag:$0x2] =	stream.indirect.gather [hbm4b:s5+s13], $0x1, s17, s13, $0xb8;
	[tilespmem:$0x3A80] =	vst v63  }
0x3f: {  	s17 =	simm.s32 $0x900;
	s18 =	simm.s32 $0x2100  }
0x40: {  	[tilespmem:s18], [sflag:$0x2] =	stream.indirect.gather [hbm4b:s5+s13], $0x1, s17, s13, $0xb8;
	[tilespmem:$0x3A80] =	vst v63  }
0x41: {  	s17 =	simm.s32 $0x980;
	s18 =	simm.s32 $0x2180  }
0x42: {  	[tilespmem:s18], [sflag:$0x2] =	stream.indirect.gather [hbm4b:s5+s13], $0x1, s17, s13, $0xb8;
	[tilespmem:$0x3A80] =	vst v63  }
0x43: {  	s17 =	simm.s32 $0xA00;
	s18 =	simm.s32 $0x2200  }
0x44: {  	[tilespmem:s18], [sflag:$0x2] =	stream.indirect.gather [hbm4b:s5+s13], $0x1, s17, s13, $0xb8;
	[tilespmem:$0x3A80] =	vst v63  }
0x45: {  	s17 =	simm.s32 $0xA80;
	s18 =	simm.s32 $0x2280  }
0x46: {  	[tilespmem:s18], [sflag:$0x2] =	stream.indirect.gather [hbm4b:s5+s13], $0x1, s17, s13, $0xb8;
	[tilespmem:$0x3A80] =	vst v63  }
0x47: {  	s17 =	simm.s32 $0xB00;
	s18 =	simm.s32 $0x2300  }
0x48: {  	[tilespmem:s18], [sflag:$0x2] =	stream.indirect.gather [hbm4b:s5+s13], $0x1, s17, s13, $0xb8;
	[tilespmem:$0x3A80] =	vst v63  }
0x49: {  	s17 =	simm.s32 $0xB80;
	s18 =	simm.s32 $0x2380  }
0x4a: {  	[tilespmem:s18], [sflag:$0x2] =	stream.indirect.gather [hbm4b:s5+s13], $0x1, s17, s13, $0xb8;
	[tilespmem:$0x3A80] =	vst v63  }
0x4b: {  	s17 =	simm.s32 $0xC00;
	s18 =	simm.s32 $0x2400  }
0x4c: {  	[tilespmem:s18], [sflag:$0x2] =	stream.indirect.gather [hbm4b:s5+s13], $0x1, s17, s13, $0xb8;
	[tilespmem:$0x3A80] =	vst v63  }
0x4d: {  	s17 =	simm.s32 $0xC80;
	s18 =	simm.s32 $0x2480  }
0x4e: {  	[tilespmem:s18], [sflag:$0x2] =	stream.indirect.gather [hbm4b:s5+s13], $0x1, s17, s13, $0xb8;
	[tilespmem:$0x3A80] =	vst v63  }
0x4f: {  	s17 =	simm.s32 $0xD00;
	s18 =	simm.s32 $0x2500  }
0x50: {  	[tilespmem:s18], [sflag:$0x2] =	stream.indirect.gather [hbm4b:s5+s13], $0x1, s17, s13, $0xb8;
	[tilespmem:$0x3A80] =	vst v63  }
0x51: {  	s17 =	simm.s32 $0xD80;
	s18 =	simm.s32 $0x2580  }
0x52: {  	[tilespmem:s18], [sflag:$0x2] =	stream.indirect.gather [hbm4b:s5+s13], $0x1, s17, s13, $0xb8;
	[tilespmem:$0x3A80] =	vst v63  }
0x53: {  	s17 =	simm.s32 $0xE00;
	s18 =	simm.s32 $0x2600  }
0x54: {  	[tilespmem:s18], [sflag:$0x2] =	stream.indirect.gather [hbm4b:s5+s13], $0x1, s17, s13, $0xb8;
	[tilespmem:$0x3A80] =	vst v63  }
0x55: {  	s17 =	simm.s32 $0xE80;
	s18 =	simm.s32 $0x2680  }
0x56: {  	[tilespmem:s18], [sflag:$0x2] =	stream.indirect.gather [hbm4b:s5+s13], $0x1, s17, s13, $0xb8;
	[tilespmem:$0x3A80] =	vst v63  }
0x57: {  	s17 =	simm.s32 $0xF00;
	s18 =	simm.s32 $0x2700  }
0x58: {  	[tilespmem:s18], [sflag:$0x2] =	stream.indirect.gather [hbm4b:s5+s13], $0x1, s17, s13, $0xb8;
	[tilespmem:$0x3A80] =	vst v63  }
0x59: {  	s17 =	simm.s32 $0xF80;
	s18 =	simm.s32 $0x2780  }
0x5a: {  	[tilespmem:s18], [sflag:$0x2] =	stream.indirect.gather [hbm4b:s5+s13], $0x1, s17, s13, $0xb8;
	[tilespmem:$0x3A80] =	vst v63  }
0x5b: {  	s17 =	simm.s32 $0x1000;
	s18 =	simm.s32 $0x2800  }
0x5c: {  	[tilespmem:s18], [sflag:$0x2] =	stream.indirect.gather [hbm4b:s5+s13], $0x1, s17, s13, $0xb8;
	[tilespmem:$0x3A80] =	vst v63  }
0x5d: {  	s17 =	simm.s32 $0x1080;
	s18 =	simm.s32 $0x2880  }
0x5e: {  	[tilespmem:s18], [sflag:$0x2] =	stream.indirect.gather [hbm4b:s5+s13], $0x1, s17, s13, $0xb8;
	[tilespmem:$0x3A80] =	vst v63  }
0x5f: {  	s17 =	simm.s32 $0x1100;
	s18 =	simm.s32 $0x2900  }
0x60: {  	[tilespmem:s18], [sflag:$0x2] =	stream.indirect.gather [hbm4b:s5+s13], $0x1, s17, s13, $0xb8;
	[tilespmem:$0x3A80] =	vst v63  }
0x61: {  	s17 =	simm.s32 $0x1180;
	s18 =	simm.s32 $0x2980  }
0x62: {  	[tilespmem:s18], [sflag:$0x2] =	stream.indirect.gather [hbm4b:s5+s13], $0x1, s17, s13, $0xb8;
	[tilespmem:$0x3A80] =	vst v63  }
0x63: {  	s17 =	simm.s32 $0x1200;
	s18 =	simm.s32 $0x2A00  }
0x64: {  	[tilespmem:s18], [sflag:$0x2] =	stream.indirect.gather [hbm4b:s5+s13], $0x1, s17, s13, $0xb8;
	[tilespmem:$0x3A80] =	vst v63  }
0x65: {  	s17 =	simm.s32 $0x1280;
	s18 =	simm.s32 $0x2A80  }
0x66: {  	[tilespmem:s18], [sflag:$0x2] =	stream.indirect.gather [hbm4b:s5+s13], $0x1, s17, s13, $0xb8;
	[tilespmem:$0x3A80] =	vst v63  }
0x67: {  	s17 =	simm.s32 $0x1300;
	s18 =	simm.s32 $0x2B00  }
0x68: {  	[tilespmem:s18], [sflag:$0x2] =	stream.indirect.gather [hbm4b:s5+s13], $0x1, s17, s13, $0xb8;
	[tilespmem:$0x3A80] =	vst v63  }
0x69: {  	s17 =	simm.s32 $0x1380;
	s18 =	simm.s32 $0x2B80  }
0x6a: {  	[tilespmem:s18], [sflag:$0x2] =	stream.indirect.gather [hbm4b:s5+s13], $0x1, s17, s13, $0xb8;
	[tilespmem:$0x3A80] =	vst v63  }
0x6b: {  	s17 =	simm.s32 $0x1400;
	s18 =	simm.s32 $0x2C00  }
0x6c: {  	[tilespmem:s18], [sflag:$0x2] =	stream.indirect.gather [hbm4b:s5+s13], $0x1, s17, s13, $0xb8;
	[tilespmem:$0x3A80] =	vst v63  }
0x6d: {  	s17 =	simm.s32 $0x1480;
	s18 =	simm.s32 $0x2C80  }
0x6e: {  	[tilespmem:s18], [sflag:$0x2] =	stream.indirect.gather [hbm4b:s5+s13], $0x1, s17, s13, $0xb8;
	[tilespmem:$0x3A80] =	vst v63  }
0x6f: {  	s17 =	simm.s32 $0x1500;
	s18 =	simm.s32 $0x2D00  }
0x70: {  	[tilespmem:s18], [sflag:$0x2] =	stream.indirect.gather [hbm4b:s5+s13], $0x1, s17, s13, $0xb8;
	[tilespmem:$0x3A80] =	vst v63  }
0x71: {  	s17 =	simm.s32 $0x1580  }
0x72: {  	[tilespmem:s19], [sflag:$0x2] =	stream.indirect.gather [hbm4b:s5+s13], $0x1, s17, s13, $0xb8;
	[tilespmem:$0x3A80] =	vst v63  }
0x73: {  	_ = 	snop  }
0x74: {  	[tilespmem:s2], [sflag:$0x2] =	stream.indirect.gather [hbm4b:s5+s13], $0x1, s20, s13, $0xb8;
	[tilespmem:$0x3A80] =	vst v63  }
0x75: {  	_ = 	snop  }
0x76: {  	[tilespmem:s22], [sflag:$0x2] =	stream.indirect.gather [hbm4b:s5+s13], $0x1, s21, s13, $0xb8;
	[tilespmem:$0x3A80] =	vst v63  }
0x77: {  	_ = 	snop  }
0x78: {  	[tilespmem:s24], [sflag:$0x2] =	stream.indirect.gather [hbm4b:s5+s13], $0x1, s23, s13, $0xb8;
	[tilespmem:$0x3A80] =	vst v63  }
0x79: {  	_ = 	snop  }
0x7a: {  	[tilespmem:s26], [sflag:$0x2] =	stream.indirect.gather [hbm4b:s5+s13], $0x1, s25, s13, $0xb8;
	[tilespmem:$0x3A80] =	vst v63  }
0x7b: {  	_ =	swait.ge [sflag:s28], $0x80  }
0x7c: {  	[sflag:s28] =	ssyncset.done $0x0  }
0x7d: {  	[sflag:s28] =	ssyncadd.s32 $0xFFFFFF80  }
0x7e: {  	_ =	swait.ge [sflag:s28], $0x80  }
0x7f: {  	[sflag:s28] =	ssyncset.done $0x0  }
0x80: {  	[sflag:s28] =	ssyncadd.s32 $0xFFFFFF80  }
0x81: {  	_ =	swait.ge [sflag:s28], $0x80  }
0x82: {  	[sflag:s28] =	ssyncset.done $0x0  }
0x83: {  	[sflag:s28] =	ssyncadd.s32 $0xFFFFFF80  }
0x84: {  	_ =	swait.ge [sflag:s28], $0x80  }
0x85: {  	[sflag:s28] =	ssyncset.done $0x0  }
0x86: {  	[sflag:s28] =	ssyncadd.s32 $0xFFFFFF80  }
0x87: {  	_ =	swait.ge [sflag:s28], $0x80  }
0x88: {  	[sflag:s28] =	ssyncset.done $0x0  }
0x89: {  	[sflag:s28] =	ssyncadd.s32 $0xFFFFFF80  }
0x8a: {  	_ =	swait.ge [sflag:s28], $0x80  }
0x8b: {  	[sflag:s28] =	ssyncset.done $0x0  }
0x8c: {  	[sflag:s28] =	ssyncadd.s32 $0xFFFFFF80  }
0x8d: {  	_ =	swait.ge [sflag:s28], $0x80  }
0x8e: {  	[sflag:s28] =	ssyncset.done $0x0  }
0x8f: {  	[sflag:s28] =	ssyncadd.s32 $0xFFFFFF80  }
0x90: {  	_ =	swait.ge [sflag:s28], $0x80  }
0x91: {  	[sflag:s28] =	ssyncset.done $0x0  }
0x92: {  	[sflag:s28] =	ssyncadd.s32 $0xFFFFFF80  }
0x93: {  	_ =	swait.ge [sflag:s28], $0x80  }
0x94: {  	[sflag:s28] =	ssyncset.done $0x0  }
0x95: {  	[sflag:s28] =	ssyncadd.s32 $0xFFFFFF80  }
0x96: {  	_ =	swait.ge [sflag:s28], $0x80  }
0x97: {  	[sflag:s28] =	ssyncset.done $0x0  }
0x98: {  	[sflag:s28] =	ssyncadd.s32 $0xFFFFFF80  }
0x99: {  	_ =	swait.ge [sflag:s28], $0x80  }
0x9a: {  	[sflag:s28] =	ssyncset.done $0x0  }
0x9b: {  	[sflag:s28] =	ssyncadd.s32 $0xFFFFFF80  }
0x9c: {  	_ =	swait.ge [sflag:s28], $0x80  }
0x9d: {  	[sflag:s28] =	ssyncset.done $0x0  }
0x9e: {  	[sflag:s28] =	ssyncadd.s32 $0xFFFFFF80  }
0x9f: {  	_ =	swait.ge [sflag:s28], $0x80  }
0xa0: {  	[sflag:s28] =	ssyncset.done $0x0  }
0xa1: {  	[sflag:s28] =	ssyncadd.s32 $0xFFFFFF80  }
0xa2: {  	_ =	swait.ge [sflag:s28], $0x80  }
0xa3: {  	[sflag:s28] =	ssyncset.done $0x0  }
0xa4: {  	[sflag:s28] =	ssyncadd.s32 $0xFFFFFF80  }
0xa5: {  	_ =	swait.ge [sflag:s28], $0x80  }
0xa6: {  	[sflag:s28] =	ssyncset.done $0x0  }
0xa7: {  	[sflag:s28] =	ssyncadd.s32 $0xFFFFFF80  }
0xa8: {  	_ =	swait.ge [sflag:s28], $0x80  }
0xa9: {  	[sflag:s28] =	ssyncset.done $0x0  }
0xaa: {  	[sflag:s28] =	ssyncadd.s32 $0xFFFFFF80  }
0xab: {  	_ =	swait.ge [sflag:s28], $0x80  }
0xac: {  	[sflag:s28] =	ssyncset.done $0x0  }
0xad: {  	[sflag:s28] =	ssyncadd.s32 $0xFFFFFF80  }
0xae: {  	_ =	swait.ge [sflag:s28], $0x80  }
0xaf: {  	[sflag:s28] =	ssyncset.done $0x0  }
0xb0: {  	[sflag:s28] =	ssyncadd.s32 $0xFFFFFF80  }
0xb1: {  	_ =	swait.ge [sflag:s28], $0x80  }
0xb2: {  	[sflag:s28] =	ssyncset.done $0x0  }
0xb3: {  	[sflag:s28] =	ssyncadd.s32 $0xFFFFFF80  }
0xb4: {  	_ =	swait.ge [sflag:s28], $0x80  }
0xb5: {  	[sflag:s28] =	ssyncset.done $0x0  }
0xb6: {  	[sflag:s28] =	ssyncadd.s32 $0xFFFFFF80  }
0xb7: {  	_ =	swait.ge [sflag:s28], $0x80  }
0xb8: {  	[sflag:s28] =	ssyncset.done $0x0  }
0xb9: {  	[sflag:s28] =	ssyncadd.s32 $0xFFFFFF80  }
0xba: {  	_ =	swait.ge [sflag:s28], $0x80  }
0xbb: {  	[sflag:s28] =	ssyncset.done $0x0  }
0xbc: {  	[sflag:s28] =	ssyncadd.s32 $0xFFFFFF80  }
0xbd: {  	_ =	swait.ge [sflag:s28], $0x80  }
0xbe: {  	[sflag:s28] =	ssyncset.done $0x0  }
0xbf: {  	[sflag:s28] =	ssyncadd.s32 $0xFFFFFF80  }
0xc0: {  	_ =	swait.ge [sflag:s28], $0x80  }
0xc1: {  	[sflag:s28] =	ssyncset.done $0x0  }
0xc2: {  	[sflag:s28] =	ssyncadd.s32 $0xFFFFFF80  }
0xc3: {  	_ =	swait.ge [sflag:s28], $0x80  }
0xc4: {  	[sflag:s28] =	ssyncset.done $0x0  }
0xc5: {  	[sflag:s28] =	ssyncadd.s32 $0xFFFFFF80  }
0xc6: {  	_ =	swait.ge [sflag:s28], $0x80  }
0xc7: {  	[sflag:s28] =	ssyncset.done $0x0  }
0xc8: {  	[sflag:s28] =	ssyncadd.s32 $0xFFFFFF80  }
0xc9: {  	_ =	swait.ge [sflag:s28], $0x80  }
0xca: {  	[sflag:s28] =	ssyncset.done $0x0  }
0xcb: {  	[sflag:s28] =	ssyncadd.s32 $0xFFFFFF80  }
0xcc: {  	_ =	swait.ge [sflag:s28], $0x80  }
0xcd: {  	[sflag:s28] =	ssyncset.done $0x0  }
0xce: {  	[sflag:s28] =	ssyncadd.s32 $0xFFFFFF80  }
0xcf: {  	_ =	swait.ge [sflag:s28], $0x80  }
0xd0: {  	[sflag:s28] =	ssyncset.done $0x0  }
0xd1: {  	[sflag:s28] =	ssyncadd.s32 $0xFFFFFF80  }
0xd2: {  	_ =	swait.ge [sflag:s28], $0x80  }
0xd3: {  	[sflag:s28] =	ssyncset.done $0x0  }
0xd4: {  	[sflag:s28] =	ssyncadd.s32 $0xFFFFFF80  }
0xd5: {  	_ =	swait.ge [sflag:s28], $0x80  }
0xd6: {  	[sflag:s28] =	ssyncset.done $0x0  }
0xd7: {  	[sflag:s28] =	ssyncadd.s32 $0xFFFFFF80  }
0xd8: {  	_ =	swait.ge [sflag:s28], $0x80  }
0xd9: {  	[sflag:s28] =	ssyncset.done $0x0  }
0xda: {  	[sflag:s28] =	ssyncadd.s32 $0xFFFFFF80  }
0xdb: {  	v0 =	vld [tilespmem:$0x2070];
	_ =	sdelay $0x4  }
0xdc: {  	[tilespmem:$0x1F8F0] =	vst v0;
	v0 =	vld [tilespmem:$0x2080];
	_ =	sdelay $0x4  }
0xdd: {  	[tilespmem:$0x1F900] =	vst v0;
	v0 =	vld [tilespmem:$0x2090];
	_ =	sdelay $0x4  }
0xde: {  	[tilespmem:$0x1F910] =	vst v0;
	v0 =	vld [tilespmem:$0x20A0];
	_ =	sdelay $0x4  }
0xdf: {  	[tilespmem:$0x1F930] =	vst v0;
	v0 =	vld [tilespmem:$0x20B0];
	_ =	sdelay $0x4  }
0xe0: {  	[tilespmem:$0x1F950] =	vst v0;
	v0 =	vld [tilespmem:$0x20C0];
	_ =	sdelay $0x4  }
0xe1: {  	[tilespmem:$0x1F970] =	vst v0;
	v0 =	vld [tilespmem:$0x20D0];
	_ =	sdelay $0x4  }
0xe2: {  	[tilespmem:$0x1F990] =	vst v0;
	v0 =	vld [tilespmem:$0x20E0];
	_ =	sdelay $0x4  }
0xe3: {  	[tilespmem:$0x1F9C0] =	vst v0;
	v0 =	vld [tilespmem:$0x20F0];
	_ =	sdelay $0x4  }
0xe4: {  	[tilespmem:$0x1F9F0] =	vst v0;
	v0 =	vld [tilespmem:$0x2190];
	_ =	sdelay $0x4  }
0xe5: {  	[tilespmem:$0x1F920] =	vst v0;
	v0 =	vld [tilespmem:$0x21A0];
	_ =	sdelay $0x4  }
0xe6: {  	[tilespmem:$0x1F940] =	vst v0;
	v0 =	vld [tilespmem:$0x21B0];
	_ =	sdelay $0x1  }
0xe7: {  	v30 =	vld [tilespmem:$0x2000]  }
0xe8: {  	v25 =	vld [tilespmem:$0x2010]  }
0xe9: {  	v31 =	vld [tilespmem:$0x2020]  }
0xea: {  	[tilespmem:$0x1F960] =	vst v0;
	v0 =	vld [tilespmem:$0x21C0]  }
0xeb: {  	v36 =	vld [tilespmem:$0x2030]  }
0xec: {  	v44 =	vld [tilespmem:$0x2040]  }
0xed: {  	v46 =	vld [tilespmem:$0x2050]  }
0xee: {  	v56 =	vld [tilespmem:$0x2060]  }
0xef: {  	[tilespmem:$0x1F980] =	vst v0;
	v0 =	vld [tilespmem:$0x21D0]  }
0xf0: {  	v14 =	vld [tilespmem:$0x2100]  }
0xf1: {  	v12 =	vld [tilespmem:$0x2110]  }
0xf2: {  	v16 =	vld [tilespmem:$0x2120]  }
0xf3: {  	v20 =	vld [tilespmem:$0x2130]  }
0xf4: {  	[tilespmem:$0x1F9B0] =	vst v0;
	v0 =	vld [tilespmem:$0x21E0]  }
0xf5: {  	v28 =	vld [tilespmem:$0x2140]  }
0xf6: {  	v35 =	vld [tilespmem:$0x2150]  }
0xf7: {  	v40 =	vld [tilespmem:$0x2160]  }
0xf8: {  	v45 =	vld [tilespmem:$0x2170]  }
0xf9: {  	[tilespmem:$0x1F9E0] =	vst v0;
	v0 =	vld [tilespmem:$0x21F0]  }
0xfa: {  	v55 =	vld [tilespmem:$0x2180]  }
0xfb: {  	v5 =	vld [tilespmem:$0x2200]  }
0xfc: {  	v4 =	vld [tilespmem:$0x2210]  }
0xfd: {  	v7 =	vld [tilespmem:$0x2220]  }
0xfe: {  	[tilespmem:$0x1FA10] =	vst v0;
	v0 =	vld [tilespmem:$0x22C0]  }
0xff: {  	v9 =	vld [tilespmem:$0x2230]  }
0x100: {  	v15 =	vld [tilespmem:$0x2240]  }
0x101: {  	v19 =	vld [tilespmem:$0x2250]  }
0x102: {  	v23 =	vld [tilespmem:$0x2260]  }
0x103: {  	[tilespmem:$0x1F9A0] =	vst v0;
	v0 =	vld [tilespmem:$0x22D0]  }
0x104: {  	v32 =	vld [tilespmem:$0x2270]  }
0x105: {  	v38 =	vld [tilespmem:$0x2280]  }
0x106: {  	v47 =	vld [tilespmem:$0x2290]  }
0x107: {  	v53 =	vld [tilespmem:$0x22A0]  }
0x108: {  	[tilespmem:$0x1F9D0] =	vst v0;
	v0 =	vld [tilespmem:$0x22E0]  }
0x109: {  	v61 =	vld [tilespmem:$0x22B0]  }
0x10a: {  	v1 =	vld [tilespmem:$0x2300]  }
0x10b: {  	v2 =	vld [tilespmem:$0x2320]  }
0x10c: {  	v3 =	vld [tilespmem:$0x2330]  }
0x10d: {  	[tilespmem:$0x1FA00] =	vst v0;
	v0 =	vld [tilespmem:$0x22F0]  }
0x10e: {  	v6 =	vld [tilespmem:$0x2340]  }
0x10f: {  	v8 =	vld [tilespmem:$0x2350]  }
0x110: {  	v10 =	vld [tilespmem:$0x2360]  }
0x111: {  	v17 =	vld [tilespmem:$0x2370]  }
0x112: {  	[tilespmem:$0x1FA30] =	vst v0;
	v0 =	vld [tilespmem:$0x2310]  }
0x113: {  	v21 =	vld [tilespmem:$0x2380]  }
0x114: {  	v26 =	vld [tilespmem:$0x2390]  }
0x115: {  	v34 =	vld [tilespmem:$0x23A0]  }
0x116: {  	v41 =	vld [tilespmem:$0x23B0]  }
0x117: {  	v50 =	vld [tilespmem:$0x23C0];
	v0 =	vadd.f32 v0, v1  }
0x118: {  	v57 =	vld [tilespmem:$0x23D0]  }
0x119: {  	v0 =	vadd.f32 v2, v0;
	v2 =	vld [tilespmem:$0x2990]  }
0x11a: {  	v4 =	vadd.f32 v4, v5;
	v5 =	vld [tilespmem:$0x2960]  }
0x11b: {  	v0 =	vadd.f32 v3, v0;
	v3 =	vld [tilespmem:$0x29B0]  }
0x11c: {  	v4 =	vadd.f32 v7, v4  }
0x11d: {  	v12 =	vadd.f32 v12, v14  }
0x11e: {  	[tilespmem:$0x1FE30] =	vst v2;
	v2 =	vadd.f32 v9, v4;
	v4 =	vld [tilespmem:$0x29A0]  }
0x11f: {  	[tilespmem:$0x1FDD0] =	vst v5;
	v5 =	vadd.f32 v16, v12  }
0x120: {  	[tilespmem:$0x1FE70] =	vst v3;
	v3 =	vld [tilespmem:$0x29C0]  }
0x121: {  	v5 =	vadd.f32 v20, v5;
	_ =	sdelay $0x1  }
0x122: {  	[tilespmem:$0x1FE50] =	vst v4;
	v4 =	vadd.f32 v28, v5  }
0x123: {  	v11 =	vld [tilespmem:$0x23E0]  }
0x124: {  	[tilespmem:$0x1FE90] =	vst v3;
	v3 =	vadd.f32 v35, v4;
	v4 =	vld [tilespmem:$0x29D0];
	_ =	sdelay $0x2  }
0x125: {  	v14 =	vld [tilespmem:$0x2950]  }
0x126: {  	[tilespmem:$0x1FA20] =	vst v11;
	v11 =	vld [tilespmem:$0x23F0]  }
0x127: {  	[tilespmem:$0x1FEB0] =	vst v4;
	v4 =	vld [tilespmem:$0x29E0];
	_ =	sdelay $0x1  }
0x128: {  	v1 =	vld [tilespmem:$0x2970]  }
0x129: {  	v25 =	vadd.f32 v25, v30;
	[tilespmem:$0x1FDB0] =	vst v14  }
0x12a: {  	[tilespmem:$0x1FA50] =	vst v11;
	v11 =	vld [tilespmem:$0x2400]  }
0x12b: {  	v14 =	vadd.f32 v31, v25;
	[tilespmem:$0x1FED0] =	vst v4;
	v4 =	vld [tilespmem:$0x29F0];
	_ =	sdelay $0x1  }
0x12c: {  	[tilespmem:$0x1FDF0] =	vst v1;
	v1 =	vadd.f32 v36, v14;
	_ =	sdelay $0x1  }
0x12d: {  	v1 =	vadd.f32 v44, v1;
	[tilespmem:$0x1FA40] =	vst v11;
	v11 =	vld [tilespmem:$0x2420]  }
0x12e: {  	[tilespmem:$0x1FEF0] =	vst v4;
	v4 =	vld [tilespmem:$0x1F8F0]  }
0x12f: {  	v1 =	vadd.f32 v46, v1;
	_ =	sdelay $0x1  }
0x130: {  	v1 =	vadd.f32 v56, v1  }
0x131: {  	[tilespmem:$0x1FA60] =	vst v11;
	v11 =	vld [tilespmem:$0x2430]  }
0x132: {  	v1 =	vadd.f32 v4, v1;
	v4 =	vld [tilespmem:$0x1F900];
	_ =	sdelay $0x1  }
0x133: {  	v5 =	vld [tilespmem:$0x1F910];
	_ =	sdelay $0x2  }
0x134: {  	[tilespmem:$0x1FA70] =	vst v11;
	v11 =	vld [tilespmem:$0x2440];
	v1 =	vadd.f32 v4, v1  }
0x135: {  	v3 =	vadd.f32 v40, v3  }
0x136: {  	v2 =	vadd.f32 v15, v2;
	v1 =	vadd.f32 v5, v1;
	v5 =	vld [tilespmem:$0x1F920]  }
0x137: {  	v3 =	vadd.f32 v45, v3  }
0x138: {  	v2 =	vadd.f32 v19, v2  }
0x139: {  	v3 =	vadd.f32 v55, v3;
	[tilespmem:$0x1FA80] =	vst v11;
	v11 =	vld [tilespmem:$0x2450]  }
0x13a: {  	v2 =	vadd.f32 v23, v2  }
0x13b: {  	v3 =	vadd.f32 v5, v3;
	v5 =	vld [tilespmem:$0x1F930]  }
0x13c: {  	v4 =	vadd.f32 v32, v2  }
0x13d: {  	v0 =	vadd.f32 v6, v0;
	v6 =	vld [tilespmem:$0x1F950]  }
0x13e: {  	[tilespmem:$0x1FAA0] =	vst v11;
	v11 =	vld [tilespmem:$0x2460];
	v4 =	vadd.f32 v38, v4;
	_ =	sdelay $0x1  }
0x13f: {  	v1 =	vadd.f32 v5, v1;
	v5 =	vadd.f32 v47, v4;
	v4 =	vld [tilespmem:$0x1F940];
	_ =	sdelay $0x1  }
0x140: {  	v1 =	vadd.f32 v6, v1;
	v6 =	vld [tilespmem:$0x1F960]  }
0x141: {  	[tilespmem:$0x1FAC0] =	vst v11;
	v11 =	vld [tilespmem:$0x2470];
	_ =	sdelay $0x1  }
0x142: {  	v3 =	vadd.f32 v4, v3;
	_ =	sdelay $0x1  }
0x143: {  	v3 =	vadd.f32 v6, v3;
	v6 =	vld [tilespmem:$0x1F970]  }
0x144: {  	[tilespmem:$0x1FAE0] =	vst v11;
	v11 =	vld [tilespmem:$0x2480];
	_ =	sdelay $0x3  }
0x145: {  	v1 =	vadd.f32 v6, v1;
	v6 =	vld [tilespmem:$0x1F980]  }
0x146: {  	[tilespmem:$0x1FB00] =	vst v11;
	v11 =	vld [tilespmem:$0x2490];
	_ =	sdelay $0x3  }
0x147: {  	v3 =	vadd.f32 v6, v3;
	v6 =	vld [tilespmem:$0x1F990]  }
0x148: {  	[tilespmem:$0x1FB30] =	vst v11;
	v11 =	vld [tilespmem:$0x24A0];
	_ =	sdelay $0x3  }
0x149: {  	v1 =	vadd.f32 v6, v1;
	v6 =	vld [tilespmem:$0x1F9A0]  }
0x14a: {  	v5 =	vadd.f32 v53, v5;
	[tilespmem:$0x1FB60] =	vst v11;
	v11 =	vld [tilespmem:$0x24B0];
	_ =	sdelay $0x1  }
0x14b: {  	v5 =	vadd.f32 v61, v5;
	_ =	sdelay $0x1  }
0x14c: {  	v5 =	vadd.f32 v6, v5;
	v6 =	vld [tilespmem:$0x1F9B0]  }
0x14d: {  	[tilespmem:$0x1FBA0] =	vst v11;
	v11 =	vld [tilespmem:$0x24C0];
	_ =	sdelay $0x3  }
0x14e: {  	v3 =	vadd.f32 v6, v3;
	v6 =	vld [tilespmem:$0x1F9C0]  }
0x14f: {  	[tilespmem:$0x1FBE0] =	vst v11;
	v11 =	vld [tilespmem:$0x24D0];
	_ =	sdelay $0x3  }
0x150: {  	v1 =	vadd.f32 v6, v1;
	v6 =	vld [tilespmem:$0x1F9D0]  }
0x151: {  	[tilespmem:$0x1FC20] =	vst v11;
	v11 =	vld [tilespmem:$0x24E0];
	_ =	sdelay $0x3  }
0x152: {  	v5 =	vadd.f32 v6, v5;
	v6 =	vld [tilespmem:$0x1F9E0]  }
0x153: {  	[tilespmem:$0x1FC60] =	vst v11;
	v11 =	vld [tilespmem:$0x24F0];
	_ =	sdelay $0x3  }
0x154: {  	v3 =	vadd.f32 v6, v3;
	v6 =	vld [tilespmem:$0x1F9F0]  }
0x155: {  	[tilespmem:$0x1FCA0] =	vst v11;
	v11 =	vld [tilespmem:$0x2540]  }
0x156: {  	v0 =	vadd.f32 v8, v0;
	_ =	sdelay $0x1  }
0x157: {  	v0 =	vadd.f32 v10, v0  }
0x158: {  	v19 =	vadd.f32 v6, v1;
	v1 =	vld [tilespmem:$0x1FA00]  }
0x159: {  	v0 =	vadd.f32 v17, v0;
	[tilespmem:$0x1FA90] =	vst v11;
	v11 =	vld [tilespmem:$0x2550];
	_ =	sdelay $0x1  }
0x15a: {  	v0 =	vadd.f32 v21, v0;
	_ =	sdelay $0x1  }
0x15b: {  	v0 =	vadd.f32 v26, v0;
	v1 =	vadd.f32 v1, v5;
	v5 =	vld [tilespmem:$0x1FA10]  }
0x15c: {  	[tilespmem:$0x1FAB0] =	vst v11;
	v11 =	vld [tilespmem:$0x2560]  }
0x15d: {  	v0 =	vadd.f32 v34, v0;
	_ =	sdelay $0x1  }
0x15e: {  	v0 =	vadd.f32 v41, v0  }
0x15f: {  	v32 =	vadd.f32 v5, v3;
	v3 =	vld [tilespmem:$0x1FA20]  }
0x160: {  	v0 =	vadd.f32 v50, v0;
	[tilespmem:$0x1FAD0] =	vst v11;
	v11 =	vld [tilespmem:$0x2570];
	_ =	sdelay $0x1  }
0x161: {  	v0 =	vadd.f32 v57, v0;
	_ =	sdelay $0x1  }
0x162: {  	v0 =	vadd.f32 v3, v0;
	v3 =	vld [tilespmem:$0x1FA30]  }
0x163: {  	[tilespmem:$0x1FAF0] =	vst v11;
	v11 =	vld [tilespmem:$0x2580];
	_ =	sdelay $0x3  }
0x164: {  	v25 =	vadd.f32 v3, v1;
	v3 =	vld [tilespmem:$0x1FA50]  }
0x165: {  	[tilespmem:$0x1FB20] =	vst v11;
	v11 =	vld [tilespmem:$0x2590]  }
0x166: {  	v63 =	vld [tilespmem:$0x2410]  }
0x167: {  	v1 =	vld [tilespmem:$0x1FA40];
	_ =	sdelay $0x1  }
0x168: {  	v16 =	vadd.f32 v3, v0;
	v3 =	vld [tilespmem:$0x1FA60]  }
0x169: {  	[tilespmem:$0x1FB50] =	vst v11;
	v11 =	vld [tilespmem:$0x25A0]  }
0x16a: {  	v6 =	vld [tilespmem:$0x1FA70]  }
0x16b: {  	v1 =	vadd.f32 v63, v1  }
0x16c: {  	v48 =	vld [tilespmem:$0x2500]  }
0x16d: {  	v43 =	vld [tilespmem:$0x2510];
	v1 =	vadd.f32 v3, v1  }
0x16e: {  	[tilespmem:$0x1FB80] =	vst v11;
	v11 =	vld [tilespmem:$0x25B0]  }
0x16f: {  	v1 =	vadd.f32 v6, v1;
	v6 =	vld [tilespmem:$0x1FA80]  }
0x170: {  	v52 =	vld [tilespmem:$0x2520];
	_ =	sdelay $0x1  }
0x171: {  	v59 =	vld [tilespmem:$0x2530]  }
0x172: {  	[tilespmem:$0x1FBC0] =	vst v11;
	v11 =	vld [tilespmem:$0x25C0];
	v0 =	vadd.f32 v43, v48  }
0x173: {  	v1 =	vadd.f32 v6, v1;
	v6 =	vld [tilespmem:$0x1FA90]  }
0x174: {  	v0 =	vadd.f32 v52, v0;
	_ =	sdelay $0x1  }
0x175: {  	v0 =	vadd.f32 v59, v0  }
0x176: {  	[tilespmem:$0x1FC00] =	vst v11;
	v11 =	vld [tilespmem:$0x25D0]  }
0x177: {  	v0 =	vadd.f32 v6, v0;
	v6 =	vld [tilespmem:$0x1FAA0];
	_ =	sdelay $0x3  }
0x178: {  	[tilespmem:$0x1FC40] =	vst v11;
	v11 =	vld [tilespmem:$0x25E0]  }
0x179: {  	v1 =	vadd.f32 v6, v1;
	v6 =	vld [tilespmem:$0x1FAB0];
	_ =	sdelay $0x3  }
0x17a: {  	[tilespmem:$0x1FC80] =	vst v11;
	v11 =	vld [tilespmem:$0x25F0]  }
0x17b: {  	v0 =	vadd.f32 v6, v0;
	v6 =	vld [tilespmem:$0x1FAC0];
	_ =	sdelay $0x3  }
0x17c: {  	[tilespmem:$0x1FCC0] =	vst v11;
	v11 =	vld [tilespmem:$0x2670]  }
0x17d: {  	v1 =	vadd.f32 v6, v1;
	v6 =	vld [tilespmem:$0x1FAD0];
	_ =	sdelay $0x2  }
0x17e: {  	v27 =	vld [tilespmem:$0x2600]  }
0x17f: {  	[tilespmem:$0x1FB10] =	vst v11;
	v11 =	vld [tilespmem:$0x2680]  }
0x180: {  	v0 =	vadd.f32 v6, v0;
	v6 =	vld [tilespmem:$0x1FAE0]  }
0x181: {  	v24 =	vld [tilespmem:$0x2610]  }
0x182: {  	v33 =	vld [tilespmem:$0x2620]  }
0x183: {  	v60 =	vld [tilespmem:$0x2790]  }
0x184: {  	[tilespmem:$0x1FB40] =	vst v11;
	v11 =	vld [tilespmem:$0x2690]  }
0x185: {  	v1 =	vadd.f32 v6, v1;
	v6 =	vld [tilespmem:$0x1FAF0]  }
0x186: {  	v39 =	vld [tilespmem:$0x2630]  }
0x187: {  	v49 =	vld [tilespmem:$0x2640]  }
0x188: {  	[tilespmem:$0x1FB90] =	vst v60;
	v60 =	vld [tilespmem:$0x27A0];
	v3 =	vadd.f32 v24, v27  }
0x189: {  	[tilespmem:$0x1FB70] =	vst v11;
	v11 =	vld [tilespmem:$0x26A0]  }
0x18a: {  	v3 =	vadd.f32 v33, v3;
	v0 =	vadd.f32 v6, v0;
	v6 =	vld [tilespmem:$0x1FB00]  }
0x18b: {  	v54 =	vld [tilespmem:$0x2650]  }
0x18c: {  	v62 =	vld [tilespmem:$0x2660];
	v3 =	vadd.f32 v39, v3  }
0x18d: {  	[tilespmem:$0x1FBD0] =	vst v60;
	v60 =	vld [tilespmem:$0x27B0]  }
0x18e: {  	v3 =	vadd.f32 v49, v3;
	[tilespmem:$0x1FBB0] =	vst v11;
	v11 =	vld [tilespmem:$0x26B0]  }
0x18f: {  	v1 =	vadd.f32 v6, v1;
	v6 =	vld [tilespmem:$0x1FB10]  }
0x190: {  	v3 =	vadd.f32 v54, v3;
	_ =	sdelay $0x1  }
0x191: {  	[tilespmem:$0x1FC10] =	vst v60;
	v60 =	vld [tilespmem:$0x27C0];
	v3 =	vadd.f32 v62, v3  }
0x192: {  	[tilespmem:$0x1FBF0] =	vst v11;
	v11 =	vld [tilespmem:$0x26C0]  }
0x193: {  	v3 =	vadd.f32 v6, v3;
	v6 =	vld [tilespmem:$0x1FB20];
	_ =	sdelay $0x2  }
0x194: {  	[tilespmem:$0x1FC50] =	vst v60;
	v60 =	vld [tilespmem:$0x27D0]  }
0x195: {  	[tilespmem:$0x1FC30] =	vst v11;
	v11 =	vld [tilespmem:$0x26D0]  }
0x196: {  	v0 =	vadd.f32 v6, v0;
	v6 =	vld [tilespmem:$0x1FB30];
	_ =	sdelay $0x2  }
0x197: {  	[tilespmem:$0x1FC90] =	vst v60;
	v60 =	vld [tilespmem:$0x27E0]  }
0x198: {  	[tilespmem:$0x1FC70] =	vst v11;
	v11 =	vld [tilespmem:$0x26E0]  }
0x199: {  	v1 =	vadd.f32 v6, v1;
	v6 =	vld [tilespmem:$0x1FB40];
	_ =	sdelay $0x2  }
0x19a: {  	[tilespmem:$0x1FCD0] =	vst v60;
	v60 =	vld [tilespmem:$0x27F0]  }
0x19b: {  	[tilespmem:$0x1FCB0] =	vst v11;
	v11 =	vld [tilespmem:$0x26F0]  }
0x19c: {  	v3 =	vadd.f32 v6, v3;
	v6 =	vld [tilespmem:$0x1FB50];
	_ =	sdelay $0x1  }
0x19d: {  	v13 =	vld [tilespmem:$0x2700]  }
0x19e: {  	[tilespmem:$0x1FD10] =	vst v60;
	v60 =	vld [tilespmem:$0x2800]  }
0x19f: {  	[tilespmem:$0x1FCE0] =	vst v11;
	v11 =	vld [tilespmem:$0x2710]  }
0x1a0: {  	v0 =	vadd.f32 v6, v0;
	v6 =	vld [tilespmem:$0x1FB60]  }
0x1a1: {  	v18 =	vld [tilespmem:$0x2720]  }
0x1a2: {  	v22 =	vld [tilespmem:$0x2730]  }
0x1a3: {  	v29 =	vld [tilespmem:$0x2740]  }
0x1a4: {  	[tilespmem:$0x1FCF0] =	vst v60;
	v60 =	vld [tilespmem:$0x2810];
	v5 =	vadd.f32 v11, v13  }
0x1a5: {  	v1 =	vadd.f32 v6, v1;
	v6 =	vld [tilespmem:$0x1FB70]  }
0x1a6: {  	v5 =	vadd.f32 v18, v5  }
0x1a7: {  	v37 =	vld [tilespmem:$0x2750]  }
0x1a8: {  	v42 =	vld [tilespmem:$0x2760];
	v5 =	vadd.f32 v22, v5  }
0x1a9: {  	[tilespmem:$0x1FD00] =	vst v60;
	v60 =	vld [tilespmem:$0x2820]  }
0x1aa: {  	v5 =	vadd.f32 v29, v5;
	v3 =	vadd.f32 v6, v3;
	v6 =	vld [tilespmem:$0x1FB80]  }
0x1ab: {  	v51 =	vld [tilespmem:$0x2770]  }
0x1ac: {  	v5 =	vadd.f32 v37, v5  }
0x1ad: {  	v58 =	vld [tilespmem:$0x2780]  }
0x1ae: {  	[tilespmem:$0x1FD40] =	vst v60;
	v60 =	vld [tilespmem:$0x2830];
	v5 =	vadd.f32 v42, v5  }
0x1af: {  	v0 =	vadd.f32 v6, v0;
	v6 =	vld [tilespmem:$0x1FB90]  }
0x1b0: {  	v5 =	vadd.f32 v51, v5;
	_ =	sdelay $0x1  }
0x1b1: {  	v7 =	vld [tilespmem:$0x2980];
	v5 =	vadd.f32 v58, v5  }
0x1b2: {  	[tilespmem:$0x1FD60] =	vst v60;
	v60 =	vld [tilespmem:$0x2840]  }
0x1b3: {  	v5 =	vadd.f32 v6, v5;
	v6 =	vld [tilespmem:$0x1FBA0]  }
0x1b4: {  	v30 =	vld [tilespmem:$0x2C20]  }
0x1b5: {  	v31 =	vld [tilespmem:$0x2A10]  }
0x1b6: {  	v12 =	vld [tilespmem:$0x2BB0]  }
0x1b7: {  	[tilespmem:$0x1FD80] =	vst v60;
	v60 =	vld [tilespmem:$0x2850]  }
0x1b8: {  	v1 =	vadd.f32 v6, v1;
	v6 =	vld [tilespmem:$0x1FBB0]  }
0x1b9: {  	[tilespmem:$0x1FE10] =	vst v7;
	v7 =	vld [tilespmem:$0x2CA0]  }
0x1ba: {  	v20 =	vld [tilespmem:$0x2BF0]  }
0x1bb: {  	v36 =	vld [tilespmem:$0x2A00]  }
0x1bc: {  	[tilespmem:$0x1FDA0] =	vst v60;
	v60 =	vld [tilespmem:$0x2860]  }
0x1bd: {  	v3 =	vadd.f32 v6, v3;
	v6 =	vld [tilespmem:$0x1FBC0]  }
0x1be: {  	v14 =	vld [tilespmem:$0x2BE0]  }
0x1bf: {  	v44 =	vld [tilespmem:$0x2A50]  }
0x1c0: {  	v8 =	vld [tilespmem:$0x2C80]  }
0x1c1: {  	[tilespmem:$0x1FDC0] =	vst v60;
	v60 =	vld [tilespmem:$0x2870]  }
0x1c2: {  	v0 =	vadd.f32 v6, v0;
	v6 =	vld [tilespmem:$0x1FBD0]  }
0x1c3: {  	v46 =	vld [tilespmem:$0x2A20]  }
0x1c4: {  	v15 =	vld [tilespmem:$0x2C70]  }
0x1c5: {  	v31 =	vadd.f32 v31, v36;
	v36 =	vld [tilespmem:$0x2D20]  }
0x1c6: {  	[tilespmem:$0x1FDE0] =	vst v60;
	v60 =	vld [tilespmem:$0x2880]  }
0x1c7: {  	v5 =	vadd.f32 v6, v5;
	v6 =	vld [tilespmem:$0x1FBE0]  }
0x1c8: {  	v56 =	vld [tilespmem:$0x2A80]  }
0x1c9: {  	v28 =	vld [tilespmem:$0x2BD0]  }
0x1ca: {  	v17 =	vld [tilespmem:$0x2C50]  }
0x1cb: {  	[tilespmem:$0x1FE00] =	vst v60;
	v60 =	vld [tilespmem:$0x2890]  }
0x1cc: {  	v1 =	vadd.f32 v6, v1;
	v6 =	vld [tilespmem:$0x1FBF0]  }
0x1cd: {  	v23 =	vld [tilespmem:$0x2C30]  }
0x1ce: {  	v35 =	vld [tilespmem:$0x2AD0]  }
0x1cf: {  	v21 =	vld [tilespmem:$0x2CD0]  }
0x1d0: {  	[tilespmem:$0x1FE20] =	vst v60;
	v60 =	vld [tilespmem:$0x28A0]  }
0x1d1: {  	v3 =	vadd.f32 v6, v3;
	v6 =	vld [tilespmem:$0x1FC00]  }
0x1d2: {  	v31 =	vadd.f32 v46, v31;
	v46 =	vld [tilespmem:$0x2D40]  }
0x1d3: {  	v26 =	vld [tilespmem:$0x2AC0]  }
0x1d4: {  	v40 =	vld [tilespmem:$0x2AE0]  }
0x1d5: {  	[tilespmem:$0x1FE40] =	vst v60;
	v60 =	vld [tilespmem:$0x28B0]  }
0x1d6: {  	v0 =	vadd.f32 v6, v0;
	v6 =	vld [tilespmem:$0x1FC10]  }
0x1d7: {  	v45 =	vld [tilespmem:$0x2A40]  }
0x1d8: {  	v34 =	vld [tilespmem:$0x2AA0]  }
0x1d9: {  	v41 =	vld [tilespmem:$0x2AF0]  }
0x1da: {  	[tilespmem:$0x1FE60] =	vst v60;
	v60 =	vld [tilespmem:$0x28C0]  }
0x1db: {  	v5 =	vadd.f32 v6, v5;
	v6 =	vld [tilespmem:$0x1FC20]  }
0x1dc: {  	v55 =	vld [tilespmem:$0x2B20]  }
0x1dd: {  	v50 =	vld [tilespmem:$0x2B00]  }
0x1de: {  	v2 =	vld [tilespmem:$0x2A30]  }
0x1df: {  	[tilespmem:$0x1FE80] =	vst v60;
	v60 =	vld [tilespmem:$0x28D0]  }
0x1e0: {  	v6 =	vadd.f32 v6, v1;
	v1 =	vld [tilespmem:$0x1FC30]  }
0x1e1: {  	v57 =	vld [tilespmem:$0x2B70]  }
0x1e2: {  	v38 =	vld [tilespmem:$0x2AB0]  }
0x1e3: {  	v2 =	vadd.f32 v2, v31;
	v31 =	vld [tilespmem:$0x2D60]  }
0x1e4: {  	[tilespmem:$0x1FEA0] =	vst v60;
	v60 =	vld [tilespmem:$0x28E0]  }
0x1e5: {  	v3 =	vadd.f32 v1, v3;
	v1 =	vld [tilespmem:$0x1FC40]  }
0x1e6: {  	v2 =	vadd.f32 v45, v2;
	v45 =	vld [tilespmem:$0x2D80]  }
0x1e7: {  	v10 =	vld [tilespmem:$0x1FC80]  }
0x1e8: {  	v2 =	vadd.f32 v44, v2;
	v44 =	vld [tilespmem:$0x2DA0]  }
0x1e9: {  	[tilespmem:$0x1FEC0] =	vst v60;
	v60 =	vld [tilespmem:$0x28F0]  }
0x1ea: {  	v9 =	vadd.f32 v1, v0;
	v0 =	vld [tilespmem:$0x1FC50]  }
0x1eb: {  	v47 =	vld [tilespmem:$0x2A60]  }
0x1ec: {  	v9 =	vadd.f32 v10, v9;
	v10 =	vld [tilespmem:$0x1FC90]  }
0x1ed: {  	v53 =	vld [tilespmem:$0x2B10]  }
0x1ee: {  	[tilespmem:$0x1FEE0] =	vst v60;
	v60 =	vld [tilespmem:$0x2900]  }
0x1ef: {  	v5 =	vadd.f32 v0, v5;
	v0 =	vld [tilespmem:$0x1FC60]  }
0x1f0: {  	v4 =	vld [tilespmem:$0x2A70]  }
0x1f1: {  	v10 =	vadd.f32 v10, v5;
	v5 =	vld [tilespmem:$0x1FCA0]  }
0x1f2: {  	v2 =	vadd.f32 v47, v2;
	v47 =	vld [tilespmem:$0x2DC0]  }
0x1f3: {  	[tilespmem:$0x1FD20] =	vst v60;
	v60 =	vld [tilespmem:$0x2910]  }
0x1f4: {  	v6 =	vadd.f32 v0, v6;
	v0 =	vld [tilespmem:$0x1FC70]  }
0x1f5: {  	v50 =	vadd.f32 v53, v50;
	v53 =	vld [tilespmem:$0x2D30]  }
0x1f6: {  	v5 =	vadd.f32 v5, v6;
	v6 =	vld [tilespmem:$0x1FCB0]  }
0x1f7: {  	v50 =	vadd.f32 v55, v50;
	v55 =	vld [tilespmem:$0x2D50]  }
0x1f8: {  	v4 =	vadd.f32 v4, v2;
	[tilespmem:$0x1FD30] =	vst v60;
	v60 =	vld [tilespmem:$0x2920]  }
0x1f9: {  	v2 =	vld [tilespmem:$0x1FE10];
	v3 =	vadd.f32 v0, v3  }
0x1fa: {  	v4 =	vadd.f32 v56, v4;
	v56 =	vld [tilespmem:$0x2E00]  }
0x1fb: {  	v62 =	vadd.f32 v6, v3;
	v6 =	vld [tilespmem:$0x1FCC0]  }
0x1fc: {  	v61 =	vld [tilespmem:$0x1FD30]  }
0x1fd: {  	[tilespmem:$0x1FD50] =	vst v60;
	v60 =	vld [tilespmem:$0x2930]  }
0x1fe: {  	v43 =	vld [tilespmem:$0x2B30]  }
0x1ff: {  	v48 =	vld [tilespmem:$0x2B50]  }
0x200: {  	v6 =	vadd.f32 v6, v9;
	v9 =	vld [tilespmem:$0x1FCD0]  }
0x201: {  	v63 =	vld [tilespmem:$0x1FCF0]  }
0x202: {  	v52 =	vld [tilespmem:$0x2B60]  }
0x203: {  	[tilespmem:$0x1FD70] =	vst v60;
	v60 =	vld [tilespmem:$0x2940]  }
0x204: {  	v59 =	vld [tilespmem:$0x2B90]  }
0x205: {  	v10 =	vadd.f32 v9, v10;
	v9 =	vld [tilespmem:$0x1FCE0]  }
0x206: {  	v51 =	vld [tilespmem:$0x1FD00]  }
0x207: {  	v58 =	vld [tilespmem:$0x1FD20]  }
0x208: {  	v24 =	vld [tilespmem:$0x2B40]  }
0x209: {  	v27 =	vld [tilespmem:$0x2C00]  }
0x20a: {  	v9 =	vadd.f32 v9, v62;
	v62 =	vld [tilespmem:$0x1FD40]  }
0x20b: {  	v43 =	vadd.f32 v43, v50;
	v50 =	vld [tilespmem:$0x2D70]  }
0x20c: {  	v37 =	vadd.f32 v51, v63;
	v51 =	vadd.f32 v61, v58;
	v61 =	vld [tilespmem:$0x1FD60]  }
0x20d: {  	v63 =	vld [tilespmem:$0x1FD50]  }
0x20e: {  	v33 =	vld [tilespmem:$0x2BC0]  }
0x20f: {  	v37 =	vadd.f32 v62, v37;
	v62 =	vld [tilespmem:$0x1FD70]  }
0x210: {  	[tilespmem:$0x1FD90] =	vst v60;
	v60 =	vld [tilespmem:$0x2A90]  }
0x211: {  	v37 =	vadd.f32 v61, v37;
	v61 =	vld [tilespmem:$0x1FD90]  }
0x212: {  	v51 =	vadd.f32 v63, v51;
	v63 =	vld [tilespmem:$0x1FD80]  }
0x213: {  	v39 =	vld [tilespmem:$0x2B80]  }
0x214: {  	v51 =	vadd.f32 v62, v51;
	v62 =	vld [tilespmem:$0x1FDA0]  }
0x215: {  	v24 =	vadd.f32 v24, v43;
	v43 =	vld [tilespmem:$0x2D90]  }
0x216: {  	v51 =	vadd.f32 v61, v51;
	v61 =	vld [tilespmem:$0x1FDC0]  }
0x217: {  	v37 =	vadd.f32 v63, v37;
	v63 =	vld [tilespmem:$0x1FDB0]  }
0x218: {  	v49 =	vld [tilespmem:$0x2BA0]  }
0x219: {  	v37 =	vadd.f32 v62, v37;
	v62 =	vld [tilespmem:$0x1FDD0]  }
0x21a: {  	v24 =	vadd.f32 v48, v24;
	v48 =	vld [tilespmem:$0x2DB0]  }
0x21b: {  	v37 =	vadd.f32 v61, v37;
	v61 =	vld [tilespmem:$0x1FDF0]  }
0x21c: {  	v54 =	vld [tilespmem:$0x1FD10];
	v51 =	vadd.f32 v63, v51  }
0x21d: {  	v4 =	vadd.f32 v60, v4;
	v60 =	vld [tilespmem:$0x1FE50]  }
0x21e: {  	v63 =	vld [tilespmem:$0x1FDE0];
	v51 =	vadd.f32 v62, v51  }
0x21f: {  	v62 =	vld [tilespmem:$0x1FE00]  }
0x220: {  	v51 =	vadd.f32 v61, v51;
	v61 =	vld [tilespmem:$0x1FE30]  }
0x221: {  	v24 =	vadd.f32 v52, v24;
	v52 =	vld [tilespmem:$0x2DD0]  }
0x222: {  	v4 =	vadd.f32 v34, v4;
	v34 =	vld [tilespmem:$0x2E40]  }
0x223: {  	v37 =	vadd.f32 v63, v37;
	v63 =	vld [tilespmem:$0x1FE20];
	v51 =	vadd.f32 v2, v51  }
0x224: {  	v24 =	vadd.f32 v57, v24;
	v57 =	vld [tilespmem:$0x2E20]  }
0x225: {  	v37 =	vadd.f32 v62, v37;
	v62 =	vld [tilespmem:$0x1FE40];
	v51 =	vadd.f32 v61, v51  }
0x226: {  	v4 =	vadd.f32 v38, v4;
	v38 =	vld [tilespmem:$0x2E60]  }
0x227: {  	v51 =	vadd.f32 v60, v51;
	v60 =	vld [tilespmem:$0x1FE60]  }
0x228: {  	v24 =	vadd.f32 v39, v24;
	v39 =	vld [tilespmem:$0x2E10];
	v37 =	vadd.f32 v63, v37  }
0x229: {  	v4 =	vadd.f32 v26, v4;
	v26 =	vld [tilespmem:$0x2E80]  }
0x22a: {  	v24 =	vadd.f32 v59, v24;
	v59 =	vld [tilespmem:$0x2E30];
	v37 =	vadd.f32 v62, v37  }
0x22b: {  	v4 =	vadd.f32 v35, v4;
	v35 =	vld [tilespmem:$0x2EA0]  }
0x22c: {  	v24 =	vadd.f32 v49, v24;
	v37 =	vadd.f32 v60, v37;
	v60 =	vld [tilespmem:$0x1FE70]  }
0x22d: {  	v49 =	vld [tilespmem:$0x2E50]  }
0x22e: {  	v4 =	vadd.f32 v40, v4;
	v40 =	vld [tilespmem:$0x2F10];
	v12 =	vadd.f32 v12, v24  }
0x22f: {  	v24 =	vld [tilespmem:$0x2E70]  }
0x230: {  	v4 =	vadd.f32 v41, v4;
	v41 =	vld [tilespmem:$0x2EC0];
	v12 =	vadd.f32 v33, v12  }
0x231: {  	v51 =	vadd.f32 v60, v51;
	v60 =	vld [tilespmem:$0x1FE80]  }
0x232: {  	v33 =	vld [tilespmem:$0x2E90];
	v12 =	vadd.f32 v28, v12  }
0x233: {  	v28 =	vld [tilespmem:$0x2F00]  }
0x234: {  	v12 =	vadd.f32 v14, v12;
	v14 =	vld [tilespmem:$0x2EB0]  }
0x235: {  	v13 =	vld [tilespmem:$0x2C60]  }
0x236: {  	v37 =	vadd.f32 v60, v37;
	v60 =	vld [tilespmem:$0x1FE90]  }
0x237: {  	v11 =	vld [tilespmem:$0x2C90]  }
0x238: {  	v18 =	vld [tilespmem:$0x2CF0]  }
0x239: {  	v29 =	vld [tilespmem:$0x2C10]  }
0x23a: {  	v42 =	vld [tilespmem:$0x2D00]  }
0x23b: {  	v51 =	vadd.f32 v60, v51;
	v60 =	vld [tilespmem:$0x1FEA0]  }
0x23c: {  	v10 =	vadd.f32 v54, v10;
	v54 =	vld [tilespmem:$0x2D10]  }
0x23d: {  	v22 =	vld [tilespmem:$0x2C40]  }
0x23e: {  	v27 =	vadd.f32 v29, v27;
	v58 =	vld [tilespmem:$0x2DE0]  }
0x23f: {  	v12 =	vadd.f32 v20, v12;
	v1 =	vld [tilespmem:$0x2CB0]  }
0x240: {  	v27 =	vadd.f32 v30, v27;
	v37 =	vadd.f32 v60, v37;
	v60 =	vld [tilespmem:$0x1FEB0]  }
0x241: {  	v0 =	vld [tilespmem:$0x2CC0];
	v20 =	vadd.f32 v54, v42;
	v42 =	vadd.f32 v39, v56  }
0x242: {  	v23 =	vadd.f32 v23, v27;
	v3 =	vld [tilespmem:$0x2CE0]  }
0x243: {  	v54 =	vld [tilespmem:$0x2F30];
	v27 =	vadd.f32 v57, v42  }
0x244: {  	v22 =	vadd.f32 v22, v23;
	v56 =	vld [tilespmem:$0x2ED0]  }
0x245: {  	v23 =	vadd.f32 v59, v27;
	v51 =	vadd.f32 v60, v51;
	v60 =	vld [tilespmem:$0x1FEC0]  }
0x246: {  	v17 =	vadd.f32 v17, v22;
	v57 =	vld [tilespmem:$0x2F40]  }
0x247: {  	v22 =	vadd.f32 v34, v23;
	v63 =	vld [tilespmem:$0x2F20]  }
0x248: {  	v28 =	vadd.f32 v40, v28;
	v13 =	vadd.f32 v13, v17;
	v27 =	vld [tilespmem:$0x2F50]  }
0x249: {  	v20 =	vadd.f32 v36, v20;
	v23 =	vld [tilespmem:$0x2F60];
	v17 =	vadd.f32 v49, v22  }
0x24a: {  	v13 =	vadd.f32 v15, v13;
	v37 =	vadd.f32 v60, v37;
	v60 =	vld [tilespmem:$0x1FED0]  }
0x24b: {  	v20 =	vadd.f32 v53, v20;
	v22 =	vld [tilespmem:$0x2F80];
	v15 =	vadd.f32 v38, v17  }
0x24c: {  	v8 =	vadd.f32 v8, v13;
	v17 =	vld [tilespmem:$0x2FA0];
	v28 =	vadd.f32 v63, v28  }
0x24d: {  	v20 =	vadd.f32 v46, v20;
	v13 =	vadd.f32 v24, v15;
	v15 =	vld [tilespmem:$0x2FC0]  }
0x24e: {  	v8 =	vadd.f32 v11, v8;
	v24 =	vld [tilespmem:$0x2FD0];
	v28 =	vadd.f32 v54, v28  }
0x24f: {  	v20 =	vadd.f32 v55, v20;
	v51 =	vadd.f32 v60, v51;
	v60 =	vld [tilespmem:$0x1FEE0]  }
0x250: {  	v11 =	vadd.f32 v26, v13;
	v13 =	vld [tilespmem:$0x2FE0];
	v28 =	vadd.f32 v57, v28  }
0x251: {  	v7 =	vadd.f32 v7, v8;
	v20 =	vadd.f32 v31, v20;
	v62 =	vld [tilespmem:$0x2F70]  }
0x252: {  	v8 =	vadd.f32 v33, v11;
	v11 =	vld [tilespmem:$0x1FFE0];
	v27 =	vadd.f32 v27, v28  }
0x253: {  	v20 =	vadd.f32 v50, v20;
	v2 =	vld [tilespmem:$0x2DF0]  }
0x254: {  	v23 =	vadd.f32 v23, v27;
	v37 =	vadd.f32 v60, v37;
	v60 =	vld [tilespmem:$0x1FEF0]  }
0x255: {  	v61 =	vld [tilespmem:$0x2EF0]  }
0x256: {  	v20 =	vadd.f32 v45, v20;
	v63 =	vld [tilespmem:$0x2F90];
	v23 =	vadd.f32 v62, v23  }
0x257: {  	v27 =	vld [tilespmem:$0x2FB0]  }
0x258: {  	v20 =	vadd.f32 v43, v20;
	v22 =	vadd.f32 v22, v23;
	v23 =	vld [tilespmem:$0x2FF0]  }
0x259: {  	v51 =	vadd.f32 v60, v51;
	v60 =	vld [tilespmem:$0x2EE0]  }
0x25a: {  	[tilespmem:v11+s29+$0x0] =	vst.idx.msk $0xffff, v19;
	v11 =	vadd.f32 v44, v20;
	v20 =	vld [tilespmem:$0x1FF00]  }
0x25b: {  	v1 =	vadd.f32 v1, v7;
	v7 =	vadd.f32 v35, v8;
	v8 =	vld [tilespmem:$0x1FF10];
	_ =	sdelay $0x5  }
0x25c: {  	v19 =	vadd.f32 v63, v22  }
0x25d: {  	[tilespmem:v20+s29+$0x0] =	vst.idx.msk $0xffff, v32  }
0x25e: {  	[tilespmem:v8+s29+$0x0] =	vst.idx.msk $0xffff, v25;
	v8 =	vadd.f32 v48, v11;
	v11 =	vadd.f32 v17, v19;
	v17 =	vld [tilespmem:$0x1FF20]  }
0x25f: {  	v0 =	vadd.f32 v0, v1;
	v1 =	vadd.f32 v14, v7;
	v7 =	vld [tilespmem:$0x1FF30];
	_ =	sdelay $0x6  }
0x260: {  	[tilespmem:v17+s29+$0x0] =	vst.idx.msk $0xffff, v16  }
0x261: {  	[tilespmem:v7+s29+$0x0] =	vst.idx.msk $0xffff, v5;
	v5 =	vadd.f32 v47, v8;
	v8 =	vld [tilespmem:$0x1FF40];
	_ =	sdelay $0x7  }
0x262: {  	[tilespmem:v8+s29+$0x0] =	vst.idx.msk $0xffff, v6;
	v6 =	vld [tilespmem:$0x1FF50];
	_ =	sdelay $0x5  }
0x263: {  	v7 =	vadd.f32 v27, v11  }
0x264: {  	v0 =	vadd.f32 v21, v0  }
0x265: {  	[tilespmem:v6+s29+$0x0] =	vst.idx.msk $0xffff, v9;
	v6 =	vadd.f32 v15, v7;
	v7 =	vld [tilespmem:$0x1FF60]  }
0x266: {  	v0 =	vadd.f32 v3, v0;
	v3 =	vld [tilespmem:$0x1FF70];
	_ =	sdelay $0x5  }
0x267: {  	v5 =	vadd.f32 v52, v5  }
0x268: {  	[tilespmem:v7+s29+$0x0] =	vst.idx.msk $0xffff, v10  }
0x269: {  	[tilespmem:v3+s29+$0x0] =	vst.idx.msk $0xffff, v37;
	v3 =	vadd.f32 v58, v5;
	v5 =	vadd.f32 v24, v6;
	v6 =	vld [tilespmem:$0x1FF80];
	_ =	sdelay $0x7  }
0x26a: {  	[tilespmem:v6+s29+$0x0] =	vst.idx.msk $0xffff, v51;
	v6 =	vld [tilespmem:$0x1FF90];
	_ =	sdelay $0x7  }
0x26b: {  	[tilespmem:v6+s29+$0x0] =	vst.idx.msk $0xffff, v4;
	v4 =	vld [tilespmem:$0x1FFA0];
	_ =	sdelay $0x7  }
0x26c: {  	[tilespmem:v4+s29+$0x0] =	vst.idx.msk $0xffff, v12;
	v4 =	vld [tilespmem:$0x1FFB0];
	_ =	sdelay $0x4  }
0x26d: {  	v0 =	vadd.f32 v18, v0  }
0x26e: {  	v2 =	vadd.f32 v2, v3;
	v3 =	vadd.f32 v13, v5;
	_ =	sdelay $0x1  }
0x26f: {  	[tilespmem:v4+s29+$0x0] =	vst.idx.msk $0xffff, v0;
	v0 =	vadd.f32 v23, v3;
	v3 =	vld [tilespmem:$0x1FFC0];
	_ =	sdelay $0x7  }
0x270: {  	v1 =	vadd.f32 v41, v1;
	[tilespmem:v3+s29+$0x0] =	vst.idx.msk $0xffff, v2;
	v2 =	vld [tilespmem:$0x1FFD0];
	_ =	sdelay $0x1  }
0x271: {  	v1 =	vadd.f32 v56, v1;
	_ =	sdelay $0x1  }
0x272: {  	v1 =	vadd.f32 v60, v1;
	_ =	sdelay $0x1  }
0x273: {  	v1 =	vadd.f32 v61, v1;
	_ =	sdelay $0x1  }
0x274: {  	[tilespmem:v2+s29+$0x0] =	vst.idx.msk $0xffff, v1;
	v1 =	vld [tilespmem:$0x1FFF0];
	_ =	sdelay $0x7  }
0x275: {  	[tilespmem:v1+s29+$0x0] =	vst.idx.msk $0xffff, v0  }
0x276: {  	v0 =	vld [tilespmem:$0x3900]  }
0x277: {  	v1 =	vld [tilespmem:$0x3910];
	_ =	sdelay $0x1  }
0x278: {  	v2 =	vld [tilespmem:$0x3920];
	_ =	sdelay $0x1  }
0x279: {  	v3 =	vld [tilespmem:$0x3930]  }
0x27a: {  	v0 =	vadd.f32 v1, v0  }
0x27b: {  	v1 =	vld [tilespmem:$0x3940]  }
0x27c: {  	v0 =	vadd.f32 v2, v0  }
0x27d: {  	v2 =	vld [tilespmem:$0x3950]  }
0x27e: {  	v0 =	vadd.f32 v3, v0  }
0x27f: {  	v3 =	vld [tilespmem:$0x3960]  }
0x280: {  	v0 =	vadd.f32 v1, v0  }
0x281: {  	v1 =	vld [tilespmem:$0x3970]  }
0x282: {  	v0 =	vadd.f32 v2, v0  }
0x283: {  	v2 =	vld [tilespmem:$0x3980]  }
0x284: {  	v0 =	vadd.f32 v3, v0  }
0x285: {  	v3 =	vld [tilespmem:$0x3990]  }
0x286: {  	v0 =	vadd.f32 v1, v0  }
0x287: {  	v1 =	vld [tilespmem:$0x39A0]  }
0x288: {  	v0 =	vadd.f32 v2, v0  }
0x289: {  	v2 =	vld [tilespmem:$0x39B0]  }
0x28a: {  	v0 =	vadd.f32 v3, v0  }
0x28b: {  	v3 =	vld [tilespmem:$0x39C0]  }
0x28c: {  	v0 =	vadd.f32 v1, v0  }
0x28d: {  	v1 =	vld [tilespmem:$0x39D0]  }
0x28e: {  	v0 =	vadd.f32 v2, v0  }
0x28f: {  	v2 =	vld [tilespmem:$0x39E0]  }
0x290: {  	v0 =	vadd.f32 v3, v0  }
0x291: {  	v3 =	vld [tilespmem:$0x39F0]  }
0x292: {  	v0 =	vadd.f32 v1, v0;
	_ =	sdelay $0x1  }
0x293: {  	v0 =	vadd.f32 v2, v0;
	_ =	sdelay $0x1  }
0x294: {  	v0 =	vadd.f32 v3, v0;
	_ =	sdelay $0x1  }
0x295: {  	[tilespmem:$0x3000] =	vst v0  }
0x296: {  	[spmem:s8] =	stream.linear.scatter [tilespmem:s30], [sflag:$0x3], $0x80, $0x38;
	[tilespmem:$0x3A80] =	vst v63  }
0x297: {  	_ =	swait.ge [sflag:s11], $0x80  }
0x298: {  	[sflag:s11] =	ssyncset.done $0x0  }
0x299: {  	[sflag:s11] =	ssyncadd.s32 $0xFFFFFF80  }
0x29a: {  	[bflag:$0x0] =	sbarrier.arrive $0xFFFF  }
0x29b: {  	s18 =	rddreg [dreg:$0x2]  }
0x29c: {  	[tilespmem:s31], [sflag:$0x3] =	stream.linear.gather [spmem:s18], $0x800, $0x38;
	[tilespmem:$0x3A80] =	vst v63  }
0x29d: {  	_ =	swait.ge [sflag:s11], $0x800  }
0x29e: {  	[sflag:s11] =	ssyncset.done $0x0  }
0x29f: {  	[sflag:s11] =	ssyncadd.s32 $0xFFFFF800  }
0x2a0: {  	v0 =	vld [tilespmem:$0x3080]  }
0x2a1: {  	v1 =	vld [tilespmem:$0x3100]  }
0x2a2: {  	v2 =	vld [tilespmem:$0x3180]  }
0x2a3: {  	v3 =	vld [tilespmem:$0x3200]  }
0x2a4: {  	v4 =	vld [tilespmem:$0x3280]  }
0x2a5: {  	v5 =	vld [tilespmem:$0x3300]  }
0x2a6: {  	v6 =	vld [tilespmem:$0x3380]  }
0x2a7: {  	v7 =	vld [tilespmem:$0x3400]  }
0x2a8: {  	v8 =	vld [tilespmem:$0x3480]  }
0x2a9: {  	v9 =	vld [tilespmem:$0x3500]  }
0x2aa: {  	v10 =	vld [tilespmem:$0x3580]  }
0x2ab: {  	v11 =	vld [tilespmem:$0x3600]  }
0x2ac: {  	v12 =	vld [tilespmem:$0x3680]  }
0x2ad: {  	v13 =	vld [tilespmem:$0x3700]  }
0x2ae: {  	v14 =	vld [tilespmem:$0x3780]  }
0x2af: {  	v15 =	vld [tilespmem:$0x3800];
	_ =	swait.ge [sflag:s0], $0x80  }
0x2b0: {  	[sflag:s0] =	ssyncset.done $0x0  }
0x2b1: {  	[sflag:s0] =	ssyncadd.s32 $0xFFFFFF80  }
0x2b2: {  	_ =	swait.ge [sflag:s0], $0x80  }
0x2b3: {  	[sflag:s0] =	ssyncset.done $0x0  }
0x2b4: {  	[sflag:s0] =	ssyncadd.s32 $0xFFFFFF80  }
0x2b5: {  	_ =	swait.ge [sflag:s0], $0x80  }
0x2b6: {  	[sflag:s0] =	ssyncset.done $0x0  }
0x2b7: {  	[sflag:s0] =	ssyncadd.s32 $0xFFFFFF80  }
0x2b8: {  	_ =	swait.ge [sflag:s0], $0x80  }
0x2b9: {  	[sflag:s0] =	ssyncset.done $0x0  }
0x2ba: {  	[sflag:s0] =	ssyncadd.s32 $0xFFFFFF80  }
0x2bb: {  	_ =	swait.ge [sflag:s0], $0x80  }
0x2bc: {  	[sflag:s0] =	ssyncset.done $0x0  }
0x2bd: {  	[sflag:s0] =	ssyncadd.s32 $0xFFFFFF80  }
0x2be: {  	_ =	swait.ge [sflag:s0], $0x80  }
0x2bf: {  	[sflag:s0] =	ssyncset.done $0x0  }
0x2c0: {  	[sflag:s0] =	ssyncadd.s32 $0xFFFFFF80  }
0x2c1: {  	_ =	swait.ge [sflag:s0], $0x80  }
0x2c2: {  	v0 =	vadd.f32 $0.0e+00, v0;
	[sflag:s0] =	ssyncset.done $0x0  }
0x2c3: {  	[sflag:s0] =	ssyncadd.s32 $0xFFFFFF80  }
0x2c4: {  	v0 =	vadd.f32 v1, v0;
	_ =	swait.ge [sflag:s0], $0x80  }
0x2c5: {  	[sflag:s0] =	ssyncset.done $0x0  }
0x2c6: {  	v0 =	vadd.f32 v2, v0;
	[sflag:s0] =	ssyncadd.s32 $0xFFFFFF80  }
0x2c7: {  	_ =	swait.ge [sflag:s0], $0x80  }
0x2c8: {  	v0 =	vadd.f32 v3, v0;
	[sflag:s0] =	ssyncset.done $0x0  }
0x2c9: {  	[sflag:s0] =	ssyncadd.s32 $0xFFFFFF80  }
0x2ca: {  	v0 =	vadd.f32 v4, v0;
	_ =	swait.ge [sflag:s0], $0x80  }
0x2cb: {  	[sflag:s0] =	ssyncset.done $0x0  }
0x2cc: {  	v0 =	vadd.f32 v5, v0;
	[sflag:s0] =	ssyncadd.s32 $0xFFFFFF80  }
0x2cd: {  	_ =	swait.ge [sflag:s0], $0x80  }
0x2ce: {  	v0 =	vadd.f32 v6, v0;
	[sflag:s0] =	ssyncset.done $0x0  }
0x2cf: {  	[sflag:s0] =	ssyncadd.s32 $0xFFFFFF80  }
0x2d0: {  	v0 =	vadd.f32 v7, v0;
	_ =	swait.ge [sflag:s0], $0x80  }
0x2d1: {  	[sflag:s0] =	ssyncset.done $0x0  }
0x2d2: {  	v0 =	vadd.f32 v8, v0;
	[sflag:s0] =	ssyncadd.s32 $0xFFFFFF80  }
0x2d3: {  	_ =	swait.ge [sflag:s0], $0x80  }
0x2d4: {  	v0 =	vadd.f32 v9, v0;
	[sflag:s0] =	ssyncset.done $0x0  }
0x2d5: {  	[sflag:s0] =	ssyncadd.s32 $0xFFFFFF80  }
0x2d6: {  	v0 =	vadd.f32 v10, v0;
	_ =	swait.ge [sflag:s0], $0x80  }
0x2d7: {  	[sflag:s0] =	ssyncset.done $0x0  }
0x2d8: {  	v0 =	vadd.f32 v11, v0;
	[sflag:s0] =	ssyncadd.s32 $0xFFFFFF80  }
0x2d9: {  	_ =	swait.ge [sflag:s0], $0x80  }
0x2da: {  	v0 =	vadd.f32 v12, v0;
	[sflag:s0] =	ssyncset.done $0x0  }
0x2db: {  	[sflag:s0] =	ssyncadd.s32 $0xFFFFFF80  }
0x2dc: {  	v0 =	vadd.f32 v13, v0;
	_ =	swait.ge [sflag:s0], $0x80  }
0x2dd: {  	[sflag:s0] =	ssyncset.done $0x0  }
0x2de: {  	s16 =	simm.s32 $0x0;
	v0 =	vadd.f32 v14, v0;
	[sflag:s0] =	ssyncadd.s32 $0xFFFFFF80  }
0x2df: {  	v1 =	vld [tilespmem:s16+$0x1800]  }
0x2e0: {  	v15 =	vadd.f32 v15, v0;
	v2 =	vld [tilespmem:s16+$0x1880]  }
0x2e1: {  	v3 =	vimm.s32 $0x0  }
0x2e2: {  	v12 =	vperm.xlane v15, v3;
	v3 =	vimm.s32 $0x1;
	v0 =	vld [tilespmem:s16+$0x1900]  }
0x2e3: {  	v10 =	vperm.xlane v15, v3;
	v3 =	vimm.s32 $0x2  }
0x2e4: {  	v8 =	vperm.xlane v15, v3;
	v3 =	vld [tilespmem:s16+$0x1980]  }
0x2e5: {  	v5 =	vimm.s32 $0x3;
	v4 =	vld [tilespmem:s16+$0x1A00];
	v1 =	vmul.f32 v1, v12;
	v2 =	vmul.f32 v2, v10  }
0x2e6: {  	v7 =	vperm.xlane v15, v5  }
0x2e7: {  	v5 =	vimm.s32 $0x4;
	v0 =	vmul.f32 v0, v8;
	v1 =	vadd.f32 v2, v1  }
0x2e8: {  	v5 =	vperm.xlane v15, v5;
	v2 =	vld [tilespmem:s16+$0x1A80]  }
0x2e9: {  	v3 =	vmul.f32 v3, v7;
	v0 =	vadd.f32 v0, v1  }
0x2ea: {  	s15 =	simm.s32 $0x10;
	v6 =	vld [tilespmem:s16+$0x1B00];
	v4 =	vmul.f32 v4, v5;
	v1 =	vimm.s32 $0x5  }
0x2eb: {  	v14 =	vld [tilespmem:s15+$0x1800];
	v1 =	vperm.xlane v15, v1;
	v3 =	vadd.f32 v3, v0;
	v0 =	vimm.s32 $0x6  }
0x2ec: {  	v9 =	vld [tilespmem:s16+$0x1B80];
	v0 =	vperm.xlane v15, v0  }
0x2ed: {  	v16 =	vld [tilespmem:s15+$0x1880];
	v3 =	vadd.f32 v4, v3;
	v4 =	vmul.f32 v2, v1;
	v2 =	vimm.s32 $0x7  }
0x2ee: {  	v13 =	vld [tilespmem:s16+$0x1C00];
	v2 =	vperm.xlane v15, v2  }
0x2ef: {  	v18 =	vld [tilespmem:s15+$0x1900];
	v6 =	vmul.f32 v6, v0;
	v4 =	vadd.f32 v4, v3;
	v3 =	vimm.s32 $0x8  }
0x2f0: {  	v11 =	vld [tilespmem:s16+$0x1C80];
	v14 =	vmul.f32 v14, v12;
	v3 =	vperm.xlane v15, v3  }
0x2f1: {  	v20 =	vld [tilespmem:s15+$0x1980];
	v9 =	vmul.f32 v9, v2;
	v6 =	vadd.f32 v6, v4;
	v4 =	vimm.s32 $0x9  }
0x2f2: {  	v17 =	vld [tilespmem:s16+$0x1D00];
	v16 =	vmul.f32 v16, v10;
	v4 =	vperm.xlane v15, v4  }
0x2f3: {  	v19 =	vld [tilespmem:s16+$0x1D80];
	v13 =	vmul.f32 v13, v3;
	v9 =	vadd.f32 v9, v6;
	v6 =	vimm.s32 $0xA  }
0x2f4: {  	v21 =	vld [tilespmem:s16+$0x1E00];
	v14 =	vadd.f32 v16, v14;
	v16 =	vmul.f32 v18, v8;
	v6 =	vperm.xlane v15, v6  }
0x2f5: {  	v22 =	vld [tilespmem:s15+$0x1A00];
	v11 =	vmul.f32 v11, v4;
	v13 =	vadd.f32 v13, v9;
	v9 =	vimm.s32 $0xB  }
0x2f6: {  	v23 =	vld [tilespmem:s16+$0x1E80];
	v14 =	vadd.f32 v16, v14;
	v16 =	vmul.f32 v20, v7;
	v9 =	vperm.xlane v15, v9  }
0x2f7: {  	v24 =	vld [tilespmem:s15+$0x1A80];
	v17 =	vmul.f32 v17, v6;
	v13 =	vadd.f32 v11, v13;
	v11 =	vimm.s32 $0xC  }
0x2f8: {  	v16 =	vadd.f32 v16, v14;
	v14 =	vimm.s32 $0xE;
	v11 =	vperm.xlane v15, v11  }
0x2f9: {  	v20 =	vld [tilespmem:s16+$0x1F00];
	v18 =	vmul.f32 v19, v9;
	v17 =	vadd.f32 v17, v13;
	v13 =	vimm.s32 $0xD  }
0x2fa: {  	v25 =	vld [tilespmem:s15+$0x1B00];
	v14 =	vperm.xlane v15, v14;
	v13 =	vperm.xlane v15, v13  }
0x2fb: {  	v19 =	vmul.f32 v21, v11;
	v21 =	vmul.f32 v22, v5;
	v22 =	vadd.f32 v18, v17;
	v18 =	vld [tilespmem:s16+$0x1F80]  }
0x2fc: {  	v24 =	vmul.f32 v24, v1;
	v17 =	vld [tilespmem:s15+$0x1B80];
	v26 =	vmul.f32 v23, v13  }
0x2fd: {  	v23 =	vadd.f32 v21, v16;
	v16 =	vld [tilespmem:s15+$0x1C80];
	v27 =	vadd.f32 v19, v22;
	v19 =	vimm.s32 $0xF  }
0x2fe: {  	s17 =	simm.s32 $0x20;
	v21 =	vmul.f32 v20, v14;
	v15 =	vperm.xlane v15, v19;
	v19 =	vld [tilespmem:s15+$0x1C00]  }
0x2ff: {  	s18 =	simm.s32 $0xC0;
	v20 =	vld [tilespmem:s17+$0x1800];
	v22 =	vadd.f32 v24, v23;
	v23 =	vmul.f32 v25, v0;
	v24 =	vadd.f32 v26, v27  }
.LBB2_2:
0x300: {  	p0 =	sne.s32 s18, $0x1C0;
	v25 =	vld [tilespmem:s17+$0x1880];
	v18 =	vmul.f32 v18, v15  }
0x301: {  	v22 =	vadd.f32 v23, v22;
	v17 =	vmul.f32 v17, v2;
	v23 =	vld [tilespmem:s15+$0x1D00];
	v21 =	vadd.f32 v21, v24  }
0x302: {  	v24 =	vld [tilespmem:s17+$0x1900]  }
0x303: {  	v17 =	vadd.f32 v17, v22;
	v19 =	vmul.f32 v19, v3;
	v22 =	vld [tilespmem:s15+$0x1D80];
	v18 =	vadd.f32 v18, v21  }
0x304: {  	v16 =	vmul.f32 v16, v4;
	v21 =	vld [tilespmem:s17+$0x1980]  }
0x305: {  	v20 =	vmul.f32 v20, v12;
	v25 =	vmul.f32 v25, v10;
	v17 =	vadd.f32 v19, v17;
	v19 =	vld [tilespmem:s15+$0x1E00];
	[tilespmem:s16+$0x3880] =	vst v18;
	s16 =	smov.u32 s15;
	s15 =	smov.u32 s17  }
0x306: {  	v18 =	vld [tilespmem:s15+$0x1A00];
	v23 =	vmul.f32 v23, v6  }
0x307: {  	v20 =	vadd.f32 v25, v20;
	v24 =	vmul.f32 v24, v8;
	v16 =	vadd.f32 v16, v17;
	v25 =	vld [tilespmem:s16+$0x1E80]  }
0x308: {  	v26 =	vld [tilespmem:s15+$0x1A80];
	v17 =	vmul.f32 v22, v9  }
0x309: {  	v20 =	vadd.f32 v24, v20;
	v21 =	vmul.f32 v21, v7;
	v16 =	vadd.f32 v23, v16;
	v22 =	vld [tilespmem:s16+$0x1F00]  }
0x30a: {  	v23 =	vld [tilespmem:s15+$0x1B00];
	v19 =	vmul.f32 v19, v11  }
.Ltmp0:
0x30b: {  	v20 =	vadd.f32 v21, v20;
	v21 =	vmul.f32 v18, v5;
	v24 =	vadd.f32 v17, v16;
	v18 =	vld [tilespmem:s16+$0x1F80];
	(pc) =	sbr.rel @p0 .LBB2_2-.Ltmp0, $4  }
0x30c: {  	v17 =	vld [tilespmem:s15+$0x1B80];
	v25 =	vmul.f32 v25, v13  }
0x30d: {  	v27 =	vadd.f32 v21, v20;
	v26 =	vmul.f32 v26, v1;
	v16 =	vld [tilespmem:s15+$0x1C80];
	v24 =	vadd.f32 v19, v24  }
0x30e: {  	s17 =	sshra.s32 s18, $0x2;
	v19 =	vld [tilespmem:s15+$0x1C00];
	v21 =	vmul.f32 v22, v14  }
0x30f: {  	s18 =	sadd.s32 $0x40, s18;
	v20 =	vld [tilespmem:s17+$0x1800];
	v22 =	vadd.f32 v26, v27;
	v23 =	vmul.f32 v23, v0;
	v24 =	vadd.f32 v25, v24  }
0x310: {  	v25 =	vld [tilespmem:s17+$0x1880]  }
0x311: {  	v26 =	vld [tilespmem:s15+$0x1D00];
	v18 =	vmul.f32 v18, v15;
	v21 =	vadd.f32 v21, v24  }
0x312: {  	v35 =	vld [tilespmem:s17+$0x1900]  }
0x313: {  	v27 =	vld [tilespmem:s15+$0x1D80];
	v22 =	vadd.f32 v23, v22;
	v17 =	vmul.f32 v17, v2;
	v18 =	vadd.f32 v18, v21  }
0x314: {  	v36 =	vld [tilespmem:s17+$0x1980];
	v19 =	vmul.f32 v19, v3  }
0x315: {  	v37 =	vld [tilespmem:s15+$0x1E00];
	v17 =	vadd.f32 v17, v22;
	v12 =	vmul.f32 v20, v12;
	v10 =	vmul.f32 v25, v10;
	[tilespmem:s16+$0x3880] =	vst v18  }
0x316: {  	v16 =	vmul.f32 v16, v4;
	v18 =	vld [tilespmem:s17+$0x1A00]  }
0x317: {  	v17 =	vadd.f32 v19, v17;
	v8 =	vmul.f32 v35, v8;
	v10 =	vadd.f32 v10, v12  }
0x318: {  	v38 =	vmul.f32 v26, v6;
	v39 =	vld [tilespmem:s17+$0x1A80]  }
0x319: {  	v7 =	vmul.f32 v36, v7;
	v40 =	vld [tilespmem:s15+$0x1E80];
	v16 =	vadd.f32 v16, v17;
	v8 =	vadd.f32 v8, v10  }
0x31a: {  	v41 =	vmul.f32 v27, v9;
	v42 =	vld [tilespmem:s17+$0x1B00]  }
0x31b: {  	v43 =	vld [tilespmem:s15+$0x1F00];
	v12 =	vadd.f32 v38, v16;
	v7 =	vadd.f32 v7, v8;
	v5 =	vmul.f32 v18, v5  }
0x31c: {  	v44 =	vmul.f32 v37, v11;
	v45 =	vld [tilespmem:s17+$0x1B80]  }
0x31d: {  	v46 =	vld [tilespmem:s15+$0x1F80];
	v10 =	vadd.f32 v41, v12;
	v1 =	vmul.f32 v39, v1;
	v5 =	vadd.f32 v5, v7  }
0x31e: {  	v48 =	vld [tilespmem:s17+$0x1C00];
	v47 =	vmul.f32 v40, v13  }
0x31f: {  	v0 =	vmul.f32 v42, v0;
	v8 =	vadd.f32 v44, v10;
	v1 =	vadd.f32 v1, v5  }
0x320: {  	v49 =	vld [tilespmem:s17+$0x1C80];
	v50 =	vmul.f32 v43, v14  }
0x321: {  	v51 =	vmul.f32 v45, v2;
	v7 =	vadd.f32 v47, v8;
	v0 =	vadd.f32 v0, v1  }
0x322: {  	v53 =	vld [tilespmem:s17+$0x1D00];
	v52 =	vmul.f32 v46, v15  }
0x323: {  	v54 =	vmul.f32 v48, v3;
	v7 =	vadd.f32 v50, v7;
	v0 =	vadd.f32 v51, v0  }
0x324: {  	v55 =	vld [tilespmem:s17+$0x1D80]  }
0x325: {  	v56 =	vmul.f32 v49, v4;
	v2 =	vadd.f32 v52, v7;
	v0 =	vadd.f32 v54, v0  }
0x326: {  	v57 =	vld [tilespmem:s17+$0x1E00]  }
0x327: {  	v58 =	vmul.f32 v53, v6;
	[tilespmem:s15+$0x3880] =	vst v2;
	v0 =	vadd.f32 v56, v0  }
0x328: {  	v59 =	vld [tilespmem:s17+$0x1E80]  }
0x329: {  	v3 =	vmul.f32 v55, v9;
	v0 =	vadd.f32 v58, v0  }
0x32a: {  	v60 =	vld [tilespmem:s17+$0x1F00]  }
0x32b: {  	v1 =	vmul.f32 v57, v11;
	v0 =	vadd.f32 v3, v0  }
0x32c: {  	v61 =	vld [tilespmem:s17+$0x1F80]  }
0x32d: {  	v4 =	vmul.f32 v59, v13;
	v0 =	vadd.f32 v1, v0;
	_ =	sdelay $0x1  }
0x32e: {  	v62 =	vmul.f32 v60, v14;
	v0 =	vadd.f32 v4, v0;
	_ =	sdelay $0x1  }
0x32f: {  	v63 =	vmul.f32 v61, v15;
	v0 =	vadd.f32 v62, v0;
	_ =	sdelay $0x1  }
0x330: {  	s14 =	sadd.s32 $0x1, s14;
	v0 =	vadd.f32 v63, v0  }
0x331: {  	p0 =	sne.s32 s14, s10  }
.Ltmp1:
0x332: {  	[tilespmem:s17+$0x3880] =	vst v0;
	(pc) =	sbr.rel @p0 .LBB2_1-.Ltmp1, $4  }
0x333: {  	[hbm4b:s9+s3] =	stream.linear.scatter [tilespmem:s1], [sflag:$0x3], $0x80, $0x38;
	[tilespmem:$0x3A80] =	vst v63  }
0x334: {  	_ =	swait.ge [sflag:s11], $0x80  }
0x335: {  	[sflag:s11] =	ssyncset.done $0x0  }
0x336: {  	[sflag:s11] =	ssyncadd.s32 $0xFFFFFF80  }
0x337: {  	_ =	sfence.sel $0x180000  }
0x338: {  	[bflag:$0x0] =	sbarrier.arrive $0xFFFF  }
0x339: {  	_ =	strace $0x90000047  }
0x33a: {  	s0 =	stileid.u32;
	[bflag:$0x2] =	sbarrier.arrive $0xFFFF  }
0x33b: {  	p0 =	sne.s32 s0, $0x0;
	s0 =	rddreg [dreg:$0x3]  }
0x33c: {  	s0 =	sadd.s32 @!p0 $0x100000, s0  }
0x33d: {  	[sflag:s0] =	ssyncadd.tile.s32 @!p0 $0x1;
	_ =	shalt  }
.Lfunc_end2:
_tile_overlayer_lowered:
.L_overlay_start_2:
0x33e: {  	(tag) =	ssettag $0x2  }
0x33f: {  	s0 =	rddreg [dreg:$0x0];
	s2 =	stileid.u32  }
0x340: {  	s1 =	rddreg [dreg:$0x1];
	p0 =	sne.s32 s2, $0x0  }
0x341: {  	s3 =	rddreg [dreg:$0x2];
	[bflag:$0x3] =	sbarrier.arrive $0xFFFF;
	s2 =	simm.s32 @!p0 $0x1C03  }
0x342: {  	[timem:s3], [sflag:s2] =	dma.local @!p0 [hbm:s0], s1  }
0x343: {  	s0 =	simm.s32 @!p0 $0x3  }
0x344: {  	_ =	swait.ge @!p0 [sflag:s0], s1  }
0x345: {  	s1 =	ssub.s32 @!p0 $0x0, s1;
	[sflag:s0] =	ssyncset.done @!p0 $0x0  }
0x346: {  	[sflag:s0] =	ssyncadd.s32 @!p0 s1  }
0x347: {  	[bflag:$0x3] =	sbarrier.arrive $0xFFFF  }
0x348: {  	_ =	shalt  }

</sc_bundles>
